<compile_context>
chip_gen: v7x
topology: tpu7x:2x2x1
jax: 0.10.2.dev20260603
libtpu: 0.0.44.dev20260713+nightly
codegen_flags: <defaults>
</compile_context>

<pallas_src>
import functools

import jax
import jax.numpy as jnp
from jax import lax
from jax.experimental import pallas as pl
from jax.experimental.pallas import tpu as pltpu
from jax.experimental.pallas import tpu_sc as plsc

EPS = 1e-5
LANES = 16
NC = 2
NS = 16
NW = NC * NS


def _sc_mesh():
    return plsc.VectorSubcoreMesh(core_axis_name="c", subcore_axis_name="s")


_SC_PARAMS = pltpu.CompilerParams(needs_layout_passes=False)


def _wid():
    return lax.axis_index("c") * NS + lax.axis_index("s")




def _make_deg(n, e):
    epw = e // NW
    chunk = 2000
    ngrp = chunk // LANES

    @functools.partial(
        pl.kernel,
        out_type=jax.ShapeDtypeStruct((NW, n), jnp.float32),
        mesh=_sc_mesh(),
        compiler_params=_SC_PARAMS,
        scratch_types=[
            pltpu.VMEM((n,), jnp.float32),
            pltpu.VMEM((epw,), jnp.int32),
            pltpu.VMEM((epw,), jnp.float32),
        ],
    )
    def deg(col_hbm, ew_hbm, out_hbm, acc, colv, ewv):
        w = _wid()
        zero = jnp.zeros((LANES,), jnp.float32)

        def zbody(i, _):
            acc[pl.ds(i * LANES, LANES)] = zero
            return 0

        lax.fori_loop(0, n // LANES, zbody, 0)
        pltpu.sync_copy(col_hbm.at[pl.ds(w * epw, epw)], colv)
        pltpu.sync_copy(ew_hbm.at[pl.ds(w * epw, epw)], ewv)

        @plsc.parallel_loop(0, epw // LANES, 1, unroll=5)
        def grp(g):
            c16 = colv[pl.ds(g * LANES, LANES)]
            w16 = ewv[pl.ds(g * LANES, LANES)]
            plsc.addupdate_scatter(acc, [c16], w16)

        pltpu.sync_copy(acc, out_hbm.at[w])

    return deg


def _make_edge_scatter(n, e, h):
    cpw = h // NW
    chunk = 4000
    ngrp = chunk // LANES
    nchunk = e // chunk
    unroll = 5

    @functools.partial(
        pl.kernel,
        out_type=jax.ShapeDtypeStruct((h * n,), jnp.float32),
        mesh=_sc_mesh(),
        compiler_params=_SC_PARAMS,
        scratch_types=(
            [pltpu.VMEM((n,), jnp.float32)] * cpw
            + [pltpu.VMEM((n,), jnp.float32)] * cpw
            + [
                pltpu.VMEM((chunk,), jnp.int32),
                pltpu.VMEM((chunk,), jnp.int32),
                pltpu.VMEM((chunk,), jnp.float32),
                pltpu.VMEM((chunk,), jnp.int32),
                pltpu.VMEM((chunk,), jnp.int32),
                pltpu.VMEM((chunk,), jnp.float32),
                pltpu.SemaphoreType.DMA,
                pltpu.SemaphoreType.DMA,
            ]
        ),
    )
    def scat(ut_hbm, row_hbm, col_hbm, ew_hbm, out_hbm,
             u0, u1, u2, u3, a0, a1, a2, a3,
             r0, c0, w0, r1, c1, w1_, s0, s1):
        ubufs = (u0, u1, u2, u3)
        accs = (a0, a1, a2, a3)
        bufs = ((r0, c0, w0, s0), (r1, c1, w1_, s1))
        w = _wid()
        rot = w * (nchunk // NW)
        for ch in range(cpw):
            pltpu.sync_copy(ut_hbm.at[pl.ds((w * cpw + ch) * n, n)], ubufs[ch])
        zero = jnp.zeros((LANES,), jnp.float32)

        def zbody(i, _):
            for ch in range(cpw):
                accs[ch][pl.ds(i * LANES, LANES)] = zero
            return 0

        lax.fori_loop(0, n // LANES, zbody, 0)

        def start(cid, b):
            base = lax.rem(cid + rot, nchunk) * chunk
            rv, cv, wv, sem = bufs[b]
            pltpu.async_copy(row_hbm.at[pl.ds(base, chunk)], rv, sem)
            pltpu.async_copy(col_hbm.at[pl.ds(base, chunk)], cv, sem)
            pltpu.async_copy(ew_hbm.at[pl.ds(base, chunk)], wv, sem)

        def wait(b):
            rv, cv, wv, sem = bufs[b]
            pltpu.make_async_copy(row_hbm.at[pl.ds(0, chunk)], rv, sem).wait()
            pltpu.make_async_copy(col_hbm.at[pl.ds(0, chunk)], cv, sem).wait()
            pltpu.make_async_copy(ew_hbm.at[pl.ds(0, chunk)], wv, sem).wait()

        start(0, 0)

        def outer(k, _):
            for b in range(2):
                cid = k * 2 + b

                @pl.when(cid + 1 < nchunk)
                def _():
                    start(cid + 1, 1 - b)

                wait(b)
                rv, cv, wv, _sem = bufs[b]

                @plsc.parallel_loop(0, ngrp, 1, unroll=unroll)
                def grp(g):
                    gb = g * LANES
                    r16 = rv[pl.ds(gb, LANES)]
                    c16 = cv[pl.ds(gb, LANES)]
                    w16 = wv[pl.ds(gb, LANES)]
                    for ch in range(cpw):
                        vals = plsc.load_gather(ubufs[ch], [r16]) * w16
                        plsc.addupdate_scatter(accs[ch], [c16], vals)
            return 0

        lax.fori_loop(0, nchunk // 2, outer, 0)
        for ch in range(cpw):
            pltpu.sync_copy(accs[ch], out_hbm.at[pl.ds((w * cpw + ch) * n, n)])

    return scat


def _make_edge_scalar(n, e):
    epw = e // NW
    chunk = 2000
    ngrp = chunk // LANES

    @functools.partial(
        pl.kernel,
        out_type=jax.ShapeDtypeStruct((NW, n), jnp.float32),
        mesh=_sc_mesh(),
        compiler_params=_SC_PARAMS,
        scratch_types=[
            pltpu.VMEM((n,), jnp.float32),
            pltpu.VMEM((n,), jnp.float32),
            pltpu.VMEM((epw,), jnp.int32),
            pltpu.VMEM((epw,), jnp.int32),
            pltpu.VMEM((epw,), jnp.float32),
        ],
    )
    def scat1(u_hbm, row_hbm, col_hbm, ew_hbm, out_hbm, ubuf, acc, rowv, colv, ewv):
        w = _wid()
        pltpu.sync_copy(u_hbm, ubuf)
        zero = jnp.zeros((LANES,), jnp.float32)

        def zbody(i, _):
            acc[pl.ds(i * LANES, LANES)] = zero
            return 0

        lax.fori_loop(0, n // LANES, zbody, 0)
        pltpu.sync_copy(row_hbm.at[pl.ds(w * epw, epw)], rowv)
        pltpu.sync_copy(col_hbm.at[pl.ds(w * epw, epw)], colv)
        pltpu.sync_copy(ew_hbm.at[pl.ds(w * epw, epw)], ewv)

        @plsc.parallel_loop(0, epw // LANES, 1, unroll=5)
        def grp(g):
            r16 = rowv[pl.ds(g * LANES, LANES)]
            c16 = colv[pl.ds(g * LANES, LANES)]
            w16 = ewv[pl.ds(g * LANES, LANES)]
            vals = plsc.load_gather(ubuf, [r16]) * w16
            plsc.addupdate_scatter(acc, [c16], vals)

        pltpu.sync_copy(acc, out_hbm.at[w])

    return scat1




def _tc_first(x, w1, degp):
    n = x.shape[0]
    h = w1.shape[1]

    def body(x_ref, w_ref, degp_ref, u_ref, dinv_ref):
        deg = 1.0 + jnp.sum(degp_ref[...], axis=0, keepdims=True)
        dinv = jnp.where(deg > 0, lax.rsqrt(deg), 0.0)
        xw = lax.dot_general(w_ref[...], x_ref[...], (((0,), (1,)), ((), ())),
                             preferred_element_type=jnp.float32)
        u_ref[...] = xw * dinv
        dinv_ref[...] = dinv

    return pl.pallas_call(
        body,
        out_shape=[jax.ShapeDtypeStruct((h, n), jnp.float32),
                   jax.ShapeDtypeStruct((1, n), jnp.float32)],
    )(x, w1, degp)


def _tc_mid(sT, uT, dinv, b, g, be, wn):
    h = sT.shape[0]
    n = sT.shape[1]
    hn = wn.shape[1]

    def body(s_ref, u_ref, dinv_ref, b_ref, g_ref, be_ref, w_ref, o_ref):
        dv = dinv_ref[...]
        z = dv * (s_ref[...] + u_ref[...]) + b_ref[...]
        m = jnp.mean(z, axis=1, keepdims=True)
        zc = z - m
        v = jnp.mean(zc * zc, axis=1, keepdims=True)
        hh = zc * lax.rsqrt(v + EPS) * g_ref[...] + be_ref[...]
        hh = jnp.maximum(hh, 0.0)
        o_ref[...] = lax.dot_general(w_ref[...], hh, (((0,), (0,)), ((), ())),
                                     preferred_element_type=jnp.float32) * dv

    return pl.pallas_call(
        body,
        out_shape=jax.ShapeDtypeStruct((hn, n), jnp.float32),
    )(sT, uT, dinv, b, g, be, wn)


def _tc_final(s3p, u3, dinv, b3):
    n = u3.shape[1]

    def body(s_ref, u_ref, dinv_ref, b_ref, o_ref):
        s = jnp.sum(s_ref[...], axis=0, keepdims=True)
        o_ref[...] = dinv_ref[...] * (s + u_ref[...]) + b_ref[...]

    return pl.pallas_call(
        body,
        out_shape=jax.ShapeDtypeStruct((1, n), jnp.float32),
    )(s3p, u3, dinv, b3)




def kernel(x, edge_index, edge_attr, W1, b1, g1, be1, W2, b2, g2, be2, W3, b3):
    n = x.shape[0]
    e = edge_attr.shape[0]
    h = W1.shape[1]

    row = edge_index[0].astype(jnp.int32)
    col = edge_index[1].astype(jnp.int32)
    ew = edge_attr.astype(jnp.float32)

    degp = _make_deg(n, e)(col, ew)
    u1T, dinv = _tc_first(x, W1, degp)
    scat = _make_edge_scatter(n, e, h)
    s1T = scat(u1T.reshape(h * n), row, col, ew).reshape(h, n)
    u2T = _tc_mid(s1T, u1T, dinv, b1[:, None], g1[:, None], be1[:, None], W2)
    s2T = scat(u2T.reshape(h * n), row, col, ew).reshape(h, n)
    u3 = _tc_mid(s2T, u2T, dinv, b2[:, None], g2[:, None], be2[:, None], W3)
    s3p = _make_edge_scalar(n, e)(u3.reshape(n), row, col, ew)
    out = _tc_final(s3p, u3, dinv, b3[:, None])
    return out.reshape(n, 1)

# --- scband reference (transcript-rebuilt; emitter-appended) ---
"""Pipeline reference for scband-gcn-edge-prev-27908697489551 (READ-ONLY COPY).

The authoritative reference and input builder live on the scoring server;
editing this copy changes nothing except your own understanding.
"""

import jax, jax.numpy as jnp
import numpy as np

N_NODES = 10000
N_EDGES = 320000
IN_CH = 128
HID = 128
EPS = 1e-5


def gcn_conv(x, edge_index, edge_weight, W, b):
    n = x.shape[0]
    xw = x @ W
    row = edge_index[0]
    col = edge_index[1]
    loop = jnp.arange(n, dtype=edge_index.dtype)
    row = jnp.concatenate([row, loop])
    col = jnp.concatenate([col, loop])
    ew = jnp.concatenate([edge_weight, jnp.ones((n,), dtype=x.dtype)])
    deg = jnp.zeros((n,), dtype=x.dtype).at[col].add(ew)
    dinv = jnp.where(deg > 0, jax.lax.rsqrt(deg), 0.0)
    norm = dinv[row] * ew * dinv[col]
    msg = xw[row] * norm[:, None]
    out = jnp.zeros((n, xw.shape[1]), dtype=x.dtype).at[col].add(msg)
    return out + b


def batch_norm(x, gamma, beta):
    mean = jnp.mean(x, axis=0)
    var = jnp.var(x, axis=0)
    return (x - mean) * jax.lax.rsqrt(var + EPS) * gamma + beta


def setup_inputs(seed: int = 0) -> dict:
    key = jax.random.key(seed)
    ks = jax.random.split(key, 10)
    x = jax.random.normal(ks[0], (N_NODES, IN_CH), dtype=jnp.float32)
    edge_index = jax.random.randint(ks[1], (2, N_EDGES), 0, N_NODES, dtype=jnp.int64)
    edge_attr = jax.random.uniform(ks[2], (N_EDGES,), dtype=jnp.float32)
    s1 = 1.0 / np.sqrt(IN_CH)
    s2 = 1.0 / np.sqrt(HID)
    W1 = jax.random.uniform(ks[3], (IN_CH, HID), jnp.float32, -s1, s1)
    b1 = jnp.zeros((HID,), jnp.float32)
    W2 = jax.random.uniform(ks[4], (HID, HID), jnp.float32, -s2, s2)
    b2 = jnp.zeros((HID,), jnp.float32)
    W3 = jax.random.uniform(ks[5], (HID, 1), jnp.float32, -s2, s2)
    b3 = jnp.zeros((1,), jnp.float32)
    g1 = jnp.ones((HID,), jnp.float32)
    be1 = jnp.zeros((HID,), jnp.float32)
    g2 = jnp.ones((HID,), jnp.float32)
    be2 = jnp.zeros((HID,), jnp.float32)
    return {"x": x, "edge_index": edge_index, "edge_attr": edge_attr,
            "W1": W1, "b1": b1, "g1": g1, "be1": be1,
            "W2": W2, "b2": b2, "g2": g2, "be2": be2,
            "W3": W3, "b3": b3}


def reference(x, edge_index, edge_attr, W1, b1, g1, be1, W2, b2, g2, be2, W3, b3):
    h = gcn_conv(x, edge_index, edge_attr, W1, b1)
    h = batch_norm(h, g1, be1)
    h = jax.nn.relu(h)
    # dropout is identity in eval-mode reference
    h = gcn_conv(h, edge_index, edge_attr, W2, b2)
    h = batch_norm(h, g2, be2)
    h = jax.nn.relu(h)
    out = gcn_conv(h, edge_index, edge_attr, W3, b3)
    return out

if __name__ == "__main__":
    import jax
    _d = setup_inputs()
    print(jax.jit(kernel)(*tuple(_d.values())))

</pallas_src>

<mosaic_0001>
#map = affine_map<(d0, d1) -> (0)>
module attributes {stable_mosaic.version = 14 : i64} {
  func.func @scat(%arg0: i32, %arg1: i32, %arg2: memref<1280000xf32, #tpu.memory_space<hbm>>, %arg3: memref<320000xi32, #tpu.memory_space<hbm>>, %arg4: memref<320000xi32, #tpu.memory_space<hbm>>, %arg5: memref<320000xf32, #tpu.memory_space<hbm>>, %arg6: memref<1280000xf32, #tpu.memory_space<hbm>>, %arg7: memref<10000xf32, #tpu.memory_space<vmem>>, %arg8: memref<10000xf32, #tpu.memory_space<vmem>>, %arg9: memref<10000xf32, #tpu.memory_space<vmem>>, %arg10: memref<10000xf32, #tpu.memory_space<vmem>>, %arg11: memref<10000xf32, #tpu.memory_space<vmem>>, %arg12: memref<10000xf32, #tpu.memory_space<vmem>>, %arg13: memref<10000xf32, #tpu.memory_space<vmem>>, %arg14: memref<10000xf32, #tpu.memory_space<vmem>>, %arg15: memref<4000xi32, #tpu.memory_space<vmem>>, %arg16: memref<4000xi32, #tpu.memory_space<vmem>>, %arg17: memref<4000xf32, #tpu.memory_space<vmem>>, %arg18: memref<4000xi32, #tpu.memory_space<vmem>>, %arg19: memref<4000xi32, #tpu.memory_space<vmem>>, %arg20: memref<4000xf32, #tpu.memory_space<vmem>>, %arg21: memref<!tpu.dma_semaphore, #tpu.memory_space<semaphore_mem>>, %arg22: memref<!tpu.dma_semaphore, #tpu.memory_space<semaphore_mem>>) attributes {dimension_semantics = [#tpu.dimension_semantics<core_parallel>, #tpu.dimension_semantics<subcore_parallel>], iteration_bounds = array<i64: 2, 16>, scalar_prefetch = 0 : i64, scratch_operands = 16 : i64, tpu.core_type = #tpu.core_type<sc_vector_subcore>, window_params = [{transform_indices = #map}, {transform_indices = #map}, {transform_indices = #map}, {transform_indices = #map}, {transform_indices = #map}]} {
    %mul3A = arith.constant 16 : i32
    %mul3A_0 = arith.muli %arg0, %mul3A : i32
    %add3A = arith.addi %mul3A_0, %arg1 : i32
    %mul3A_1 = arith.constant 2 : i32
    %mul3A_2 = arith.muli %add3A, %mul3A_1 : i32
    %mul3A_3 = arith.constant 4 : i32
    %mul3A_4 = arith.muli %add3A, %mul3A_3 : i32
    %add3A_5 = arith.constant 0 : i32
    %add3A_6 = arith.addi %mul3A_4, %add3A_5 : i32
    %mul3A_7 = arith.constant 10000 : i32
    %mul3A_8 = arith.muli %add3A_6, %mul3A_7 : i32
    "tpu.region"() ({
      %run_scoped3A = tpu.sem_alloc : memref<!tpu.dma_semaphore, #tpu.memory_space<semaphore_mem>>
      %dma_start3A_75 = tpu.memref_slice %arg2[%mul3A_8] : memref<1280000xf32, #tpu.memory_space<hbm>> -> memref<10000xf32, #tpu.memory_space<hbm>>
      %dma_start3A_76 = tpu.memref_slice %arg2[%mul3A_8] : memref<1280000xf32, #tpu.memory_space<hbm>> -> memref<10000xf32, #tpu.memory_space<hbm>>
      tpu.enqueue_dma source(%dma_start3A_76 : memref<10000xf32, #tpu.memory_space<hbm>>) target(%arg7 : memref<10000xf32, #tpu.memory_space<vmem>>) target_semaphore(%run_scoped3A : memref<!tpu.dma_semaphore, #tpu.memory_space<semaphore_mem>>)
      %dma_wait3A = tpu.memref_slice %arg2[%mul3A_8] : memref<1280000xf32, #tpu.memory_space<hbm>> -> memref<10000xf32, #tpu.memory_space<hbm>>
      %dma_wait3A_77 = tpu.memref_slice %arg2[%mul3A_8] : memref<1280000xf32, #tpu.memory_space<hbm>> -> memref<10000xf32, #tpu.memory_space<hbm>>
      tpu.wait_dma2 semaphore(%run_scoped3A : memref<!tpu.dma_semaphore, #tpu.memory_space<semaphore_mem>>) src(%dma_wait3A_77 : memref<10000xf32, #tpu.memory_space<hbm>>) dst(%arg7 : memref<10000xf32, #tpu.memory_space<vmem>>)
      tpu.yield
    }) : () -> ()
    %mul3A_9 = arith.constant 4 : i32
    %mul3A_10 = arith.muli %add3A, %mul3A_9 : i32
    %add3A_11 = arith.constant 1 : i32
    %add3A_12 = arith.addi %mul3A_10, %add3A_11 : i32
    %mul3A_13 = arith.constant 10000 : i32
    %mul3A_14 = arith.muli %add3A_12, %mul3A_13 : i32
    "tpu.region"() ({
      %run_scoped3A = tpu.sem_alloc : memref<!tpu.dma_semaphore, #tpu.memory_space<semaphore_mem>>
      %dma_start3A_75 = tpu.memref_slice %arg2[%mul3A_14] : memref<1280000xf32, #tpu.memory_space<hbm>> -> memref<10000xf32, #tpu.memory_space<hbm>>
      %dma_start3A_76 = tpu.memref_slice %arg2[%mul3A_14] : memref<1280000xf32, #tpu.memory_space<hbm>> -> memref<10000xf32, #tpu.memory_space<hbm>>
      tpu.enqueue_dma source(%dma_start3A_76 : memref<10000xf32, #tpu.memory_space<hbm>>) target(%arg8 : memref<10000xf32, #tpu.memory_space<vmem>>) target_semaphore(%run_scoped3A : memref<!tpu.dma_semaphore, #tpu.memory_space<semaphore_mem>>)
      %dma_wait3A = tpu.memref_slice %arg2[%mul3A_14] : memref<1280000xf32, #tpu.memory_space<hbm>> -> memref<10000xf32, #tpu.memory_space<hbm>>
      %dma_wait3A_77 = tpu.memref_slice %arg2[%mul3A_14] : memref<1280000xf32, #tpu.memory_space<hbm>> -> memref<10000xf32, #tpu.memory_space<hbm>>
      tpu.wait_dma2 semaphore(%run_scoped3A : memref<!tpu.dma_semaphore, #tpu.memory_space<semaphore_mem>>) src(%dma_wait3A_77 : memref<10000xf32, #tpu.memory_space<hbm>>) dst(%arg8 : memref<10000xf32, #tpu.memory_space<vmem>>)
      tpu.yield
    }) : () -> ()
    %mul3A_15 = arith.constant 4 : i32
    %mul3A_16 = arith.muli %add3A, %mul3A_15 : i32
    %add3A_17 = arith.constant 2 : i32
    %add3A_18 = arith.addi %mul3A_16, %add3A_17 : i32
    %mul3A_19 = arith.constant 10000 : i32
    %mul3A_20 = arith.muli %add3A_18, %mul3A_19 : i32
    "tpu.region"() ({
      %run_scoped3A = tpu.sem_alloc : memref<!tpu.dma_semaphore, #tpu.memory_space<semaphore_mem>>
      %dma_start3A_75 = tpu.memref_slice %arg2[%mul3A_20] : memref<1280000xf32, #tpu.memory_space<hbm>> -> memref<10000xf32, #tpu.memory_space<hbm>>
      %dma_start3A_76 = tpu.memref_slice %arg2[%mul3A_20] : memref<1280000xf32, #tpu.memory_space<hbm>> -> memref<10000xf32, #tpu.memory_space<hbm>>
      tpu.enqueue_dma source(%dma_start3A_76 : memref<10000xf32, #tpu.memory_space<hbm>>) target(%arg9 : memref<10000xf32, #tpu.memory_space<vmem>>) target_semaphore(%run_scoped3A : memref<!tpu.dma_semaphore, #tpu.memory_space<semaphore_mem>>)
      %dma_wait3A = tpu.memref_slice %arg2[%mul3A_20] : memref<1280000xf32, #tpu.memory_space<hbm>> -> memref<10000xf32, #tpu.memory_space<hbm>>
      %dma_wait3A_77 = tpu.memref_slice %arg2[%mul3A_20] : memref<1280000xf32, #tpu.memory_space<hbm>> -> memref<10000xf32, #tpu.memory_space<hbm>>
      tpu.wait_dma2 semaphore(%run_scoped3A : memref<!tpu.dma_semaphore, #tpu.memory_space<semaphore_mem>>) src(%dma_wait3A_77 : memref<10000xf32, #tpu.memory_space<hbm>>) dst(%arg9 : memref<10000xf32, #tpu.memory_space<vmem>>)
      tpu.yield
    }) : () -> ()
    %mul3A_21 = arith.constant 4 : i32
    %mul3A_22 = arith.muli %add3A, %mul3A_21 : i32
    %add3A_23 = arith.constant 3 : i32
    %add3A_24 = arith.addi %mul3A_22, %add3A_23 : i32
    %mul3A_25 = arith.constant 10000 : i32
    %mul3A_26 = arith.muli %add3A_24, %mul3A_25 : i32
    "tpu.region"() ({
      %run_scoped3A = tpu.sem_alloc : memref<!tpu.dma_semaphore, #tpu.memory_space<semaphore_mem>>
      %dma_start3A_75 = tpu.memref_slice %arg2[%mul3A_26] : memref<1280000xf32, #tpu.memory_space<hbm>> -> memref<10000xf32, #tpu.memory_space<hbm>>
      %dma_start3A_76 = tpu.memref_slice %arg2[%mul3A_26] : memref<1280000xf32, #tpu.memory_space<hbm>> -> memref<10000xf32, #tpu.memory_space<hbm>>
      tpu.enqueue_dma source(%dma_start3A_76 : memref<10000xf32, #tpu.memory_space<hbm>>) target(%arg10 : memref<10000xf32, #tpu.memory_space<vmem>>) target_semaphore(%run_scoped3A : memref<!tpu.dma_semaphore, #tpu.memory_space<semaphore_mem>>)
      %dma_wait3A = tpu.memref_slice %arg2[%mul3A_26] : memref<1280000xf32, #tpu.memory_space<hbm>> -> memref<10000xf32, #tpu.memory_space<hbm>>
      %dma_wait3A_77 = tpu.memref_slice %arg2[%mul3A_26] : memref<1280000xf32, #tpu.memory_space<hbm>> -> memref<10000xf32, #tpu.memory_space<hbm>>
      tpu.wait_dma2 semaphore(%run_scoped3A : memref<!tpu.dma_semaphore, #tpu.memory_space<semaphore_mem>>) src(%dma_wait3A_77 : memref<10000xf32, #tpu.memory_space<hbm>>) dst(%arg10 : memref<10000xf32, #tpu.memory_space<vmem>>)
      tpu.yield
    }) : () -> ()
    %broadcast_in_dim3A = arith.constant 0.000000e+00 : f32
    %broadcast_in_dim3A_27 = vector.broadcast %broadcast_in_dim3A : f32 to vector<16xf32>
    %scan3A = arith.constant 0 : i32
    %scan3A_28 = arith.constant 0 : i32
    %scan3A_29 = arith.constant 625 : i32
    %scan3A_30 = arith.addi %scan3A_28, %scan3A_29 : i32
    %scan3A_31 = arith.constant 1 : i32
    %scan3A_32 = scf.for %scan3A_75 = %scan3A_28 to %scan3A_30 step %scan3A_31 iter_args(%scan3A_76 = %scan3A) -> (i32)  : i32 {
      %mul3A_77 = arith.constant 16 : i32
      %mul3A_78 = arith.muli %scan3A_75, %mul3A_77 : i32
      %swap3A = arith.index_cast %mul3A_78 : i32 to index
      %swap3A_79 = tpu.vector_load %arg11[%swap3A] {strides = array<i32>} : memref<10000xf32, #tpu.memory_space<vmem>>, vector<16xf32>,
      tpu.vector_store %arg11[%swap3A], %broadcast_in_dim3A_27 {strides = array<i32>} : memref<10000xf32, #tpu.memory_space<vmem>>, vector<16xf32>,
      %mul3A_80 = arith.constant 16 : i32
      %mul3A_81 = arith.muli %scan3A_75, %mul3A_80 : i32
      %swap3A_82 = arith.index_cast %mul3A_81 : i32 to index
      %swap3A_83 = tpu.vector_load %arg12[%swap3A_82] {strides = array<i32>} : memref<10000xf32, #tpu.memory_space<vmem>>, vector<16xf32>,
      tpu.vector_store %arg12[%swap3A_82], %broadcast_in_dim3A_27 {strides = array<i32>} : memref<10000xf32, #tpu.memory_space<vmem>>, vector<16xf32>,
      %mul3A_84 = arith.constant 16 : i32
      %mul3A_85 = arith.muli %scan3A_75, %mul3A_84 : i32
      %swap3A_86 = arith.index_cast %mul3A_85 : i32 to index
      %swap3A_87 = tpu.vector_load %arg13[%swap3A_86] {strides = array<i32>} : memref<10000xf32, #tpu.memory_space<vmem>>, vector<16xf32>,
      tpu.vector_store %arg13[%swap3A_86], %broadcast_in_dim3A_27 {strides = array<i32>} : memref<10000xf32, #tpu.memory_space<vmem>>, vector<16xf32>,
      %mul3A_88 = arith.constant 16 : i32
      %mul3A_89 = arith.muli %scan3A_75, %mul3A_88 : i32
      %swap3A_90 = arith.index_cast %mul3A_89 : i32 to index
      %swap3A_91 = tpu.vector_load %arg14[%swap3A_90] {strides = array<i32>} : memref<10000xf32, #tpu.memory_space<vmem>>, vector<16xf32>,
      tpu.vector_store %arg14[%swap3A_90], %broadcast_in_dim3A_27 {strides = array<i32>} : memref<10000xf32, #tpu.memory_space<vmem>>, vector<16xf32>,
      %scan3A_92 = arith.constant 0 : i32
      scf.yield %scan3A_92 : i32
    }
    %scan3A_33 = arith.constant 625 : i32
    %add3A_34 = arith.constant 0 : i32
    %add3A_35 = arith.addi %add3A_34, %mul3A_2 : i32
    %rem3A = arith.constant 80 : i32
    %rem3A_36 = arith.remsi %add3A_35, %rem3A : i32
    %mul3A_37 = arith.constant 4000 : i32
    %mul3A_38 = arith.muli %rem3A_36, %mul3A_37 : i32
    %dma_start3A = tpu.memref_slice %arg3[%mul3A_38] : memref<320000xi32, #tpu.memory_space<hbm>> -> memref<4000xi32, #tpu.memory_space<hbm>>
    %dma_start3A_39 = tpu.memref_slice %arg3[%mul3A_38] : memref<320000xi32, #tpu.memory_space<hbm>> -> memref<4000xi32, #tpu.memory_space<hbm>>
    tpu.enqueue_dma source(%dma_start3A_39 : memref<4000xi32, #tpu.memory_space<hbm>>) target(%arg15 : memref<4000xi32, #tpu.memory_space<vmem>>) target_semaphore(%arg21 : memref<!tpu.dma_semaphore, #tpu.memory_space<semaphore_mem>>)
    %dma_start3A_40 = tpu.memref_slice %arg4[%mul3A_38] : memref<320000xi32, #tpu.memory_space<hbm>> -> memref<4000xi32, #tpu.memory_space<hbm>>
    %dma_start3A_41 = tpu.memref_slice %arg4[%mul3A_38] : memref<320000xi32, #tpu.memory_space<hbm>> -> memref<4000xi32, #tpu.memory_space<hbm>>
    tpu.enqueue_dma source(%dma_start3A_41 : memref<4000xi32, #tpu.memory_space<hbm>>) target(%arg16 : memref<4000xi32, #tpu.memory_space<vmem>>) target_semaphore(%arg21 : memref<!tpu.dma_semaphore, #tpu.memory_space<semaphore_mem>>)
    %dma_start3A_42 = tpu.memref_slice %arg5[%mul3A_38] : memref<320000xf32, #tpu.memory_space<hbm>> -> memref<4000xf32, #tpu.memory_space<hbm>>
    %dma_start3A_43 = tpu.memref_slice %arg5[%mul3A_38] : memref<320000xf32, #tpu.memory_space<hbm>> -> memref<4000xf32, #tpu.memory_space<hbm>>
    tpu.enqueue_dma source(%dma_start3A_43 : memref<4000xf32, #tpu.memory_space<hbm>>) target(%arg17 : memref<4000xf32, #tpu.memory_space<vmem>>) target_semaphore(%arg21 : memref<!tpu.dma_semaphore, #tpu.memory_space<semaphore_mem>>)
    %scan3A_44 = arith.constant 0 : i32
    %scan3A_45 = arith.constant 0 : i32
    %scan3A_46 = arith.constant 40 : i32
    %scan3A_47 = arith.addi %scan3A_45, %scan3A_46 : i32
    %scan3A_48 = arith.constant 1 : i32
    %scan3A_49 = scf.for %scan3A_75 = %scan3A_45 to %scan3A_47 step %scan3A_48 iter_args(%scan3A_76 = %scan3A_44) -> (i32)  : i32 {
      %mul3A_77 = arith.constant 2 : i32
      %mul3A_78 = arith.muli %scan3A_75, %mul3A_77 : i32
      %add3A_79 = arith.constant 0 : i32
      %add3A_80 = arith.addi %mul3A_78, %add3A_79 : i32
      %add3A_81 = arith.constant 1 : i32
      %add3A_82 = arith.addi %add3A_80, %add3A_81 : i32
      %lt3A = arith.constant 80 : i32
      %lt3A_83 = arith.cmpi slt, %add3A_82, %lt3A : i32
      %convert_element_type3A = arith.extui %lt3A_83 : i1 to i32
      %cond3A = arith.constant 0 : i32
      %cond3A_84 = arith.cmpi ne, %convert_element_type3A, %cond3A : i32
      scf.if %cond3A_84 {
        %add3A_125 = arith.constant 1 : i32
        %add3A_126 = arith.addi %add3A_80, %add3A_125 : i32
        %add3A_127 = arith.addi %add3A_126, %mul3A_2 : i32
        %rem3A_128 = arith.constant 80 : i32
        %rem3A_129 = arith.remsi %add3A_127, %rem3A_128 : i32
        %mul3A_130 = arith.constant 4000 : i32
        %mul3A_131 = arith.muli %rem3A_129, %mul3A_130 : i32
        %dma_start3A_132 = tpu.memref_slice %arg3[%mul3A_131] : memref<320000xi32, #tpu.memory_space<hbm>> -> memref<4000xi32, #tpu.memory_space<hbm>>
        %dma_start3A_133 = tpu.memref_slice %arg3[%mul3A_131] : memref<320000xi32, #tpu.memory_space<hbm>> -> memref<4000xi32, #tpu.memory_space<hbm>>
        tpu.enqueue_dma source(%dma_start3A_133 : memref<4000xi32, #tpu.memory_space<hbm>>) target(%arg18 : memref<4000xi32, #tpu.memory_space<vmem>>) target_semaphore(%arg22 : memref<!tpu.dma_semaphore, #tpu.memory_space<semaphore_mem>>)
        %dma_start3A_134 = tpu.memref_slice %arg4[%mul3A_131] : memref<320000xi32, #tpu.memory_space<hbm>> -> memref<4000xi32, #tpu.memory_space<hbm>>
        %dma_start3A_135 = tpu.memref_slice %arg4[%mul3A_131] : memref<320000xi32, #tpu.memory_space<hbm>> -> memref<4000xi32, #tpu.memory_space<hbm>>
        tpu.enqueue_dma source(%dma_start3A_135 : memref<4000xi32, #tpu.memory_space<hbm>>) target(%arg19 : memref<4000xi32, #tpu.memory_space<vmem>>) target_semaphore(%arg22 : memref<!tpu.dma_semaphore, #tpu.memory_space<semaphore_mem>>)
        %dma_start3A_136 = tpu.memref_slice %arg5[%mul3A_131] : memref<320000xf32, #tpu.memory_space<hbm>> -> memref<4000xf32, #tpu.memory_space<hbm>>
        %dma_start3A_137 = tpu.memref_slice %arg5[%mul3A_131] : memref<320000xf32, #tpu.memory_space<hbm>> -> memref<4000xf32, #tpu.memory_space<hbm>>
        tpu.enqueue_dma source(%dma_start3A_137 : memref<4000xf32, #tpu.memory_space<hbm>>) target(%arg20 : memref<4000xf32, #tpu.memory_space<vmem>>) target_semaphore(%arg22 : memref<!tpu.dma_semaphore, #tpu.memory_space<semaphore_mem>>)
      } else {
      }
      %dma_wait3A = arith.constant 0 : i32
      %dma_wait3A_85 = tpu.memref_slice %arg3[%dma_wait3A] : memref<320000xi32, #tpu.memory_space<hbm>> -> memref<4000xi32, #tpu.memory_space<hbm>>
      %dma_wait3A_86 = arith.constant 0 : i32
      %dma_wait3A_87 = tpu.memref_slice %arg3[%dma_wait3A_86] : memref<320000xi32, #tpu.memory_space<hbm>> -> memref<4000xi32, #tpu.memory_space<hbm>>
      tpu.wait_dma2 semaphore(%arg21 : memref<!tpu.dma_semaphore, #tpu.memory_space<semaphore_mem>>) src(%dma_wait3A_87 : memref<4000xi32, #tpu.memory_space<hbm>>) dst(%arg15 : memref<4000xi32, #tpu.memory_space<vmem>>)
      %dma_wait3A_88 = arith.constant 0 : i32
      %dma_wait3A_89 = tpu.memref_slice %arg4[%dma_wait3A_88] : memref<320000xi32, #tpu.memory_space<hbm>> -> memref<4000xi32, #tpu.memory_space<hbm>>
      %dma_wait3A_90 = arith.constant 0 : i32
      %dma_wait3A_91 = tpu.memref_slice %arg4[%dma_wait3A_90] : memref<320000xi32, #tpu.memory_space<hbm>> -> memref<4000xi32, #tpu.memory_space<hbm>>
      tpu.wait_dma2 semaphore(%arg21 : memref<!tpu.dma_semaphore, #tpu.memory_space<semaphore_mem>>) src(%dma_wait3A_91 : memref<4000xi32, #tpu.memory_space<hbm>>) dst(%arg16 : memref<4000xi32, #tpu.memory_space<vmem>>)
      %dma_wait3A_92 = arith.constant 0 : i32
      %dma_wait3A_93 = tpu.memref_slice %arg5[%dma_wait3A_92] : memref<320000xf32, #tpu.memory_space<hbm>> -> memref<4000xf32, #tpu.memory_space<hbm>>
      %dma_wait3A_94 = arith.constant 0 : i32
      %dma_wait3A_95 = tpu.memref_slice %arg5[%dma_wait3A_94] : memref<320000xf32, #tpu.memory_space<hbm>> -> memref<4000xf32, #tpu.memory_space<hbm>>
      tpu.wait_dma2 semaphore(%arg21 : memref<!tpu.dma_semaphore, #tpu.memory_space<semaphore_mem>>) src(%dma_wait3A_95 : memref<4000xf32, #tpu.memory_space<hbm>>) dst(%arg17 : memref<4000xf32, #tpu.memory_space<vmem>>)
      %parallel_loop3A = arith.constant 0 : i32
      %parallel_loop3A_96 = arith.constant 250 : i32
      %parallel_loop3A_97 = arith.constant 1 : i32
      scf.for %parallel_loop3A_125 = %parallel_loop3A to %parallel_loop3A_96 step %parallel_loop3A_97  : i32 {
        %parallel_loop3A_126 = arith.constant 16 : i32
        %parallel_loop3A_127 = arith.muli %parallel_loop3A_125, %parallel_loop3A_126 : i32
        %parallel_loop3A_128 = arith.index_cast %parallel_loop3A_127 : i32 to index
        %parallel_loop3A_129 = tpu.vector_load %arg15[%parallel_loop3A_128] {strides = array<i32>} : memref<4000xi32, #tpu.memory_space<vmem>>, vector<16xi32>,
        %parallel_loop3A_130 = arith.index_cast %parallel_loop3A_127 : i32 to index
        %parallel_loop3A_131 = tpu.vector_load %arg16[%parallel_loop3A_130] {strides = array<i32>} : memref<4000xi32, #tpu.memory_space<vmem>>, vector<16xi32>,
        %parallel_loop3A_132 = arith.index_cast %parallel_loop3A_127 : i32 to index
        %parallel_loop3A_133 = tpu.vector_load %arg17[%parallel_loop3A_132] {strides = array<i32>} : memref<4000xf32, #tpu.memory_space<vmem>>, vector<16xf32>,
        %parallel_loop3A_134 = tpu.vector_load_idx %arg7[%parallel_loop3A_129] : memref<10000xf32, #tpu.memory_space<vmem>>[vector<16xi32>], vector<16xf32>,
        %parallel_loop3A_135 = arith.mulf %parallel_loop3A_134, %parallel_loop3A_133 : vector<16xf32>
        tpu.vector_store_idx %arg11[%parallel_loop3A_131], %parallel_loop3A_135 {add = true} : memref<10000xf32, #tpu.memory_space<vmem>>[vector<16xi32>], vector<16xf32>,
        %parallel_loop3A_136 = tpu.vector_load_idx %arg8[%parallel_loop3A_129] : memref<10000xf32, #tpu.memory_space<vmem>>[vector<16xi32>], vector<16xf32>,
        %parallel_loop3A_137 = arith.mulf %parallel_loop3A_136, %parallel_loop3A_133 : vector<16xf32>
        tpu.vector_store_idx %arg12[%parallel_loop3A_131], %parallel_loop3A_137 {add = true} : memref<10000xf32, #tpu.memory_space<vmem>>[vector<16xi32>], vector<16xf32>,
        %parallel_loop3A_138 = tpu.vector_load_idx %arg9[%parallel_loop3A_129] : memref<10000xf32, #tpu.memory_space<vmem>>[vector<16xi32>], vector<16xf32>,
        %parallel_loop3A_139 = arith.mulf %parallel_loop3A_138, %parallel_loop3A_133 : vector<16xf32>
        tpu.vector_store_idx %arg13[%parallel_loop3A_131], %parallel_loop3A_139 {add = true} : memref<10000xf32, #tpu.memory_space<vmem>>[vector<16xi32>], vector<16xf32>,
        %parallel_loop3A_140 = tpu.vector_load_idx %arg10[%parallel_loop3A_129] : memref<10000xf32, #tpu.memory_space<vmem>>[vector<16xi32>], vector<16xf32>,
        %parallel_loop3A_141 = arith.mulf %parallel_loop3A_140, %parallel_loop3A_133 : vector<16xf32>
        tpu.vector_store_idx %arg14[%parallel_loop3A_131], %parallel_loop3A_141 {add = true} : memref<10000xf32, #tpu.memory_space<vmem>>[vector<16xi32>], vector<16xf32>,
      } {sc.loop_unroll_factor = 5 : i64, sc.parallel_access}
      %mul3A_98 = arith.constant 2 : i32
      %mul3A_99 = arith.muli %scan3A_75, %mul3A_98 : i32
      %add3A_100 = arith.constant 1 : i32
      %add3A_101 = arith.addi %mul3A_99, %add3A_100 : i32
      %add3A_102 = arith.constant 1 : i32
      %add3A_103 = arith.addi %add3A_101, %add3A_102 : i32
      %lt3A_104 = arith.constant 80 : i32
      %lt3A_105 = arith.cmpi slt, %add3A_103, %lt3A_104 : i32
      %convert_element_type3A_106 = arith.extui %lt3A_105 : i1 to i32
      %cond3A_107 = arith.constant 0 : i32
      %cond3A_108 = arith.cmpi ne, %convert_element_type3A_106, %cond3A_107 : i32
      scf.if %cond3A_108 {
        %add3A_125 = arith.constant 1 : i32
        %add3A_126 = arith.addi %add3A_101, %add3A_125 : i32
        %add3A_127 = arith.addi %add3A_126, %mul3A_2 : i32
        %rem3A_128 = arith.constant 80 : i32
        %rem3A_129 = arith.remsi %add3A_127, %rem3A_128 : i32
        %mul3A_130 = arith.constant 4000 : i32
        %mul3A_131 = arith.muli %rem3A_129, %mul3A_130 : i32
        %dma_start3A_132 = tpu.memref_slice %arg3[%mul3A_131] : memref<320000xi32, #tpu.memory_space<hbm>> -> memref<4000xi32, #tpu.memory_space<hbm>>
        %dma_start3A_133 = tpu.memref_slice %arg3[%mul3A_131] : memref<320000xi32, #tpu.memory_space<hbm>> -> memref<4000xi32, #tpu.memory_space<hbm>>
        tpu.enqueue_dma source(%dma_start3A_133 : memref<4000xi32, #tpu.memory_space<hbm>>) target(%arg15 : memref<4000xi32, #tpu.memory_space<vmem>>) target_semaphore(%arg21 : memref<!tpu.dma_semaphore, #tpu.memory_space<semaphore_mem>>)
        %dma_start3A_134 = tpu.memref_slice %arg4[%mul3A_131] : memref<320000xi32, #tpu.memory_space<hbm>> -> memref<4000xi32, #tpu.memory_space<hbm>>
        %dma_start3A_135 = tpu.memref_slice %arg4[%mul3A_131] : memref<320000xi32, #tpu.memory_space<hbm>> -> memref<4000xi32, #tpu.memory_space<hbm>>
        tpu.enqueue_dma source(%dma_start3A_135 : memref<4000xi32, #tpu.memory_space<hbm>>) target(%arg16 : memref<4000xi32, #tpu.memory_space<vmem>>) target_semaphore(%arg21 : memref<!tpu.dma_semaphore, #tpu.memory_space<semaphore_mem>>)
        %dma_start3A_136 = tpu.memref_slice %arg5[%mul3A_131] : memref<320000xf32, #tpu.memory_space<hbm>> -> memref<4000xf32, #tpu.memory_space<hbm>>
        %dma_start3A_137 = tpu.memref_slice %arg5[%mul3A_131] : memref<320000xf32, #tpu.memory_space<hbm>> -> memref<4000xf32, #tpu.memory_space<hbm>>
        tpu.enqueue_dma source(%dma_start3A_137 : memref<4000xf32, #tpu.memory_space<hbm>>) target(%arg17 : memref<4000xf32, #tpu.memory_space<vmem>>) target_semaphore(%arg21 : memref<!tpu.dma_semaphore, #tpu.memory_space<semaphore_mem>>)
      } else {
      }
      %dma_wait3A_109 = arith.constant 0 : i32
      %dma_wait3A_110 = tpu.memref_slice %arg3[%dma_wait3A_109] : memref<320000xi32, #tpu.memory_space<hbm>> -> memref<4000xi32, #tpu.memory_space<hbm>>
      %dma_wait3A_111 = arith.constant 0 : i32
      %dma_wait3A_112 = tpu.memref_slice %arg3[%dma_wait3A_111] : memref<320000xi32, #tpu.memory_space<hbm>> -> memref<4000xi32, #tpu.memory_space<hbm>>
      tpu.wait_dma2 semaphore(%arg22 : memref<!tpu.dma_semaphore, #tpu.memory_space<semaphore_mem>>) src(%dma_wait3A_112 : memref<4000xi32, #tpu.memory_space<hbm>>) dst(%arg18 : memref<4000xi32, #tpu.memory_space<vmem>>)
      %dma_wait3A_113 = arith.constant 0 : i32
      %dma_wait3A_114 = tpu.memref_slice %arg4[%dma_wait3A_113] : memref<320000xi32, #tpu.memory_space<hbm>> -> memref<4000xi32, #tpu.memory_space<hbm>>
      %dma_wait3A_115 = arith.constant 0 : i32
      %dma_wait3A_116 = tpu.memref_slice %arg4[%dma_wait3A_115] : memref<320000xi32, #tpu.memory_space<hbm>> -> memref<4000xi32, #tpu.memory_space<hbm>>
      tpu.wait_dma2 semaphore(%arg22 : memref<!tpu.dma_semaphore, #tpu.memory_space<semaphore_mem>>) src(%dma_wait3A_116 : memref<4000xi32, #tpu.memory_space<hbm>>) dst(%arg19 : memref<4000xi32, #tpu.memory_space<vmem>>)
      %dma_wait3A_117 = arith.constant 0 : i32
      %dma_wait3A_118 = tpu.memref_slice %arg5[%dma_wait3A_117] : memref<320000xf32, #tpu.memory_space<hbm>> -> memref<4000xf32, #tpu.memory_space<hbm>>
      %dma_wait3A_119 = arith.constant 0 : i32
      %dma_wait3A_120 = tpu.memref_slice %arg5[%dma_wait3A_119] : memref<320000xf32, #tpu.memory_space<hbm>> -> memref<4000xf32, #tpu.memory_space<hbm>>
      tpu.wait_dma2 semaphore(%arg22 : memref<!tpu.dma_semaphore, #tpu.memory_space<semaphore_mem>>) src(%dma_wait3A_120 : memref<4000xf32, #tpu.memory_space<hbm>>) dst(%arg20 : memref<4000xf32, #tpu.memory_space<vmem>>)
      %parallel_loop3A_121 = arith.constant 0 : i32
      %parallel_loop3A_122 = arith.constant 250 : i32
      %parallel_loop3A_123 = arith.constant 1 : i32
      scf.for %parallel_loop3A_125 = %parallel_loop3A_121 to %parallel_loop3A_122 step %parallel_loop3A_123  : i32 {
        %parallel_loop3A_126 = arith.constant 16 : i32
        %parallel_loop3A_127 = arith.muli %parallel_loop3A_125, %parallel_loop3A_126 : i32
        %parallel_loop3A_128 = arith.index_cast %parallel_loop3A_127 : i32 to index
        %parallel_loop3A_129 = tpu.vector_load %arg18[%parallel_loop3A_128] {strides = array<i32>} : memref<4000xi32, #tpu.memory_space<vmem>>, vector<16xi32>,
        %parallel_loop3A_130 = arith.index_cast %parallel_loop3A_127 : i32 to index
        %parallel_loop3A_131 = tpu.vector_load %arg19[%parallel_loop3A_130] {strides = array<i32>} : memref<4000xi32, #tpu.memory_space<vmem>>, vector<16xi32>,
        %parallel_loop3A_132 = arith.index_cast %parallel_loop3A_127 : i32 to index
        %parallel_loop3A_133 = tpu.vector_load %arg20[%parallel_loop3A_132] {strides = array<i32>} : memref<4000xf32, #tpu.memory_space<vmem>>, vector<16xf32>,
        %parallel_loop3A_134 = tpu.vector_load_idx %arg7[%parallel_loop3A_129] : memref<10000xf32, #tpu.memory_space<vmem>>[vector<16xi32>], vector<16xf32>,
        %parallel_loop3A_135 = arith.mulf %parallel_loop3A_134, %parallel_loop3A_133 : vector<16xf32>
        tpu.vector_store_idx %arg11[%parallel_loop3A_131], %parallel_loop3A_135 {add = true} : memref<10000xf32, #tpu.memory_space<vmem>>[vector<16xi32>], vector<16xf32>,
        %parallel_loop3A_136 = tpu.vector_load_idx %arg8[%parallel_loop3A_129] : memref<10000xf32, #tpu.memory_space<vmem>>[vector<16xi32>], vector<16xf32>,
        %parallel_loop3A_137 = arith.mulf %parallel_loop3A_136, %parallel_loop3A_133 : vector<16xf32>
        tpu.vector_store_idx %arg12[%parallel_loop3A_131], %parallel_loop3A_137 {add = true} : memref<10000xf32, #tpu.memory_space<vmem>>[vector<16xi32>], vector<16xf32>,
        %parallel_loop3A_138 = tpu.vector_load_idx %arg9[%parallel_loop3A_129] : memref<10000xf32, #tpu.memory_space<vmem>>[vector<16xi32>], vector<16xf32>,
        %parallel_loop3A_139 = arith.mulf %parallel_loop3A_138, %parallel_loop3A_133 : vector<16xf32>
        tpu.vector_store_idx %arg13[%parallel_loop3A_131], %parallel_loop3A_139 {add = true} : memref<10000xf32, #tpu.memory_space<vmem>>[vector<16xi32>], vector<16xf32>,
        %parallel_loop3A_140 = tpu.vector_load_idx %arg10[%parallel_loop3A_129] : memref<10000xf32, #tpu.memory_space<vmem>>[vector<16xi32>], vector<16xf32>,
        %parallel_loop3A_141 = arith.mulf %parallel_loop3A_140, %parallel_loop3A_133 : vector<16xf32>
        tpu.vector_store_idx %arg14[%parallel_loop3A_131], %parallel_loop3A_141 {add = true} : memref<10000xf32, #tpu.memory_space<vmem>>[vector<16xi32>], vector<16xf32>,
      } {sc.loop_unroll_factor = 5 : i64, sc.parallel_access}
      %scan3A_124 = arith.constant 0 : i32
      scf.yield %scan3A_124 : i32
    }
    %scan3A_50 = arith.constant 40 : i32
    %mul3A_51 = arith.constant 4 : i32
    %mul3A_52 = arith.muli %add3A, %mul3A_51 : i32
    %add3A_53 = arith.constant 0 : i32
    %add3A_54 = arith.addi %mul3A_52, %add3A_53 : i32
    %mul3A_55 = arith.constant 10000 : i32
    %mul3A_56 = arith.muli %add3A_54, %mul3A_55 : i32
    "tpu.region"() ({
      %run_scoped3A = tpu.sem_alloc : memref<!tpu.dma_semaphore, #tpu.memory_space<semaphore_mem>>
      %dma_start3A_75 = tpu.memref_slice %arg6[%mul3A_56] : memref<1280000xf32, #tpu.memory_space<hbm>> -> memref<10000xf32, #tpu.memory_space<hbm>>
      %dma_start3A_76 = tpu.memref_slice %arg6[%mul3A_56] : memref<1280000xf32, #tpu.memory_space<hbm>> -> memref<10000xf32, #tpu.memory_space<hbm>>
      tpu.enqueue_dma source(%arg11 : memref<10000xf32, #tpu.memory_space<vmem>>) target(%dma_start3A_76 : memref<10000xf32, #tpu.memory_space<hbm>>) target_semaphore(%run_scoped3A : memref<!tpu.dma_semaphore, #tpu.memory_space<semaphore_mem>>)
      %dma_wait3A = tpu.memref_slice %arg6[%mul3A_56] : memref<1280000xf32, #tpu.memory_space<hbm>> -> memref<10000xf32, #tpu.memory_space<hbm>>
      %dma_wait3A_77 = tpu.memref_slice %arg6[%mul3A_56] : memref<1280000xf32, #tpu.memory_space<hbm>> -> memref<10000xf32, #tpu.memory_space<hbm>>
      tpu.wait_dma2 semaphore(%run_scoped3A : memref<!tpu.dma_semaphore, #tpu.memory_space<semaphore_mem>>) src(%arg11 : memref<10000xf32, #tpu.memory_space<vmem>>) dst(%dma_wait3A_77 : memref<10000xf32, #tpu.memory_space<hbm>>)
      tpu.yield
    }) : () -> ()
    %mul3A_57 = arith.constant 4 : i32
    %mul3A_58 = arith.muli %add3A, %mul3A_57 : i32
    %add3A_59 = arith.constant 1 : i32
    %add3A_60 = arith.addi %mul3A_58, %add3A_59 : i32
    %mul3A_61 = arith.constant 10000 : i32
    %mul3A_62 = arith.muli %add3A_60, %mul3A_61 : i32
    "tpu.region"() ({
      %run_scoped3A = tpu.sem_alloc : memref<!tpu.dma_semaphore, #tpu.memory_space<semaphore_mem>>
      %dma_start3A_75 = tpu.memref_slice %arg6[%mul3A_62] : memref<1280000xf32, #tpu.memory_space<hbm>> -> memref<10000xf32, #tpu.memory_space<hbm>>
      %dma_start3A_76 = tpu.memref_slice %arg6[%mul3A_62] : memref<1280000xf32, #tpu.memory_space<hbm>> -> memref<10000xf32, #tpu.memory_space<hbm>>
      tpu.enqueue_dma source(%arg12 : memref<10000xf32, #tpu.memory_space<vmem>>) target(%dma_start3A_76 : memref<10000xf32, #tpu.memory_space<hbm>>) target_semaphore(%run_scoped3A : memref<!tpu.dma_semaphore, #tpu.memory_space<semaphore_mem>>)
      %dma_wait3A = tpu.memref_slice %arg6[%mul3A_62] : memref<1280000xf32, #tpu.memory_space<hbm>> -> memref<10000xf32, #tpu.memory_space<hbm>>
      %dma_wait3A_77 = tpu.memref_slice %arg6[%mul3A_62] : memref<1280000xf32, #tpu.memory_space<hbm>> -> memref<10000xf32, #tpu.memory_space<hbm>>
      tpu.wait_dma2 semaphore(%run_scoped3A : memref<!tpu.dma_semaphore, #tpu.memory_space<semaphore_mem>>) src(%arg12 : memref<10000xf32, #tpu.memory_space<vmem>>) dst(%dma_wait3A_77 : memref<10000xf32, #tpu.memory_space<hbm>>)
      tpu.yield
    }) : () -> ()
    %mul3A_63 = arith.constant 4 : i32
    %mul3A_64 = arith.muli %add3A, %mul3A_63 : i32
    %add3A_65 = arith.constant 2 : i32
    %add3A_66 = arith.addi %mul3A_64, %add3A_65 : i32
    %mul3A_67 = arith.constant 10000 : i32
    %mul3A_68 = arith.muli %add3A_66, %mul3A_67 : i32
    "tpu.region"() ({
      %run_scoped3A = tpu.sem_alloc : memref<!tpu.dma_semaphore, #tpu.memory_space<semaphore_mem>>
      %dma_start3A_75 = tpu.memref_slice %arg6[%mul3A_68] : memref<1280000xf32, #tpu.memory_space<hbm>> -> memref<10000xf32, #tpu.memory_space<hbm>>
      %dma_start3A_76 = tpu.memref_slice %arg6[%mul3A_68] : memref<1280000xf32, #tpu.memory_space<hbm>> -> memref<10000xf32, #tpu.memory_space<hbm>>
      tpu.enqueue_dma source(%arg13 : memref<10000xf32, #tpu.memory_space<vmem>>) target(%dma_start3A_76 : memref<10000xf32, #tpu.memory_space<hbm>>) target_semaphore(%run_scoped3A : memref<!tpu.dma_semaphore, #tpu.memory_space<semaphore_mem>>)
      %dma_wait3A = tpu.memref_slice %arg6[%mul3A_68] : memref<1280000xf32, #tpu.memory_space<hbm>> -> memref<10000xf32, #tpu.memory_space<hbm>>
      %dma_wait3A_77 = tpu.memref_slice %arg6[%mul3A_68] : memref<1280000xf32, #tpu.memory_space<hbm>> -> memref<10000xf32, #tpu.memory_space<hbm>>
      tpu.wait_dma2 semaphore(%run_scoped3A : memref<!tpu.dma_semaphore, #tpu.memory_space<semaphore_mem>>) src(%arg13 : memref<10000xf32, #tpu.memory_space<vmem>>) dst(%dma_wait3A_77 : memref<10000xf32, #tpu.memory_space<hbm>>)
      tpu.yield
    }) : () -> ()
    %mul3A_69 = arith.constant 4 : i32
    %mul3A_70 = arith.muli %add3A, %mul3A_69 : i32
    %add3A_71 = arith.constant 3 : i32
    %add3A_72 = arith.addi %mul3A_70, %add3A_71 : i32
    %mul3A_73 = arith.constant 10000 : i32
    %mul3A_74 = arith.muli %add3A_72, %mul3A_73 : i32
    "tpu.region"() ({
      %run_scoped3A = tpu.sem_alloc : memref<!tpu.dma_semaphore, #tpu.memory_space<semaphore_mem>>
      %dma_start3A_75 = tpu.memref_slice %arg6[%mul3A_74] : memref<1280000xf32, #tpu.memory_space<hbm>> -> memref<10000xf32, #tpu.memory_space<hbm>>
      %dma_start3A_76 = tpu.memref_slice %arg6[%mul3A_74] : memref<1280000xf32, #tpu.memory_space<hbm>> -> memref<10000xf32, #tpu.memory_space<hbm>>
      tpu.enqueue_dma source(%arg14 : memref<10000xf32, #tpu.memory_space<vmem>>) target(%dma_start3A_76 : memref<10000xf32, #tpu.memory_space<hbm>>) target_semaphore(%run_scoped3A : memref<!tpu.dma_semaphore, #tpu.memory_space<semaphore_mem>>)
      %dma_wait3A = tpu.memref_slice %arg6[%mul3A_74] : memref<1280000xf32, #tpu.memory_space<hbm>> -> memref<10000xf32, #tpu.memory_space<hbm>>
      %dma_wait3A_77 = tpu.memref_slice %arg6[%mul3A_74] : memref<1280000xf32, #tpu.memory_space<hbm>> -> memref<10000xf32, #tpu.memory_space<hbm>>
      tpu.wait_dma2 semaphore(%run_scoped3A : memref<!tpu.dma_semaphore, #tpu.memory_space<semaphore_mem>>) src(%arg14 : memref<10000xf32, #tpu.memory_space<vmem>>) dst(%dma_wait3A_77 : memref<10000xf32, #tpu.memory_space<hbm>>)
      tpu.yield
    }) : () -> ()
    return
  }
}

#map = affine_map<(d0, d1) -> (0)>
#map1 = affine_map<(d0, d1) -> (0, 0)>
module attributes {stable_mosaic.version = 14 : i64} {
  func.func @deg(%arg0: i32, %arg1: i32, %arg2: memref<320000xi32, #tpu.memory_space<hbm>>, %arg3: memref<320000xf32, #tpu.memory_space<hbm>>, %arg4: memref<32x10000xf32, #tpu.memory_space<hbm>>, %arg5: memref<10000xf32, #tpu.memory_space<vmem>>, %arg6: memref<10000xi32, #tpu.memory_space<vmem>>, %arg7: memref<10000xf32, #tpu.memory_space<vmem>>) attributes {dimension_semantics = [#tpu.dimension_semantics<core_parallel>, #tpu.dimension_semantics<subcore_parallel>], iteration_bounds = array<i64: 2, 16>, scalar_prefetch = 0 : i64, scratch_operands = 3 : i64, tpu.core_type = #tpu.core_type<sc_vector_subcore>, window_params = [{transform_indices = #map}, {transform_indices = #map}, {transform_indices = #map1}]} {
    %mul3A = arith.constant 16 : i32
    %mul3A_0 = arith.muli %arg0, %mul3A : i32
    %add3A = arith.addi %mul3A_0, %arg1 : i32
    %broadcast_in_dim3A = arith.constant 0.000000e+00 : f32
    %broadcast_in_dim3A_1 = vector.broadcast %broadcast_in_dim3A : f32 to vector<16xf32>
    %scan3A = arith.constant 0 : i32
    %scan3A_2 = arith.constant 0 : i32
    %scan3A_3 = arith.constant 625 : i32
    %scan3A_4 = arith.addi %scan3A_2, %scan3A_3 : i32
    %scan3A_5 = arith.constant 1 : i32
    %scan3A_6 = scf.for %scan3A_14 = %scan3A_2 to %scan3A_4 step %scan3A_5 iter_args(%scan3A_15 = %scan3A) -> (i32)  : i32 {
      %mul3A_16 = arith.constant 16 : i32
      %mul3A_17 = arith.muli %scan3A_14, %mul3A_16 : i32
      %swap3A = arith.index_cast %mul3A_17 : i32 to index
      %swap3A_18 = tpu.vector_load %arg5[%swap3A] {strides = array<i32>} : memref<10000xf32, #tpu.memory_space<vmem>>, vector<16xf32>,
      tpu.vector_store %arg5[%swap3A], %broadcast_in_dim3A_1 {strides = array<i32>} : memref<10000xf32, #tpu.memory_space<vmem>>, vector<16xf32>,
      %scan3A_19 = arith.constant 0 : i32
      scf.yield %scan3A_19 : i32
    }
    %scan3A_7 = arith.constant 625 : i32
    %mul3A_8 = arith.constant 10000 : i32
    %mul3A_9 = arith.muli %add3A, %mul3A_8 : i32
    "tpu.region"() ({
      %run_scoped3A = tpu.sem_alloc : memref<!tpu.dma_semaphore, #tpu.memory_space<semaphore_mem>>
      %dma_start3A = tpu.memref_slice %arg2[%mul3A_9] : memref<320000xi32, #tpu.memory_space<hbm>> -> memref<10000xi32, #tpu.memory_space<hbm>>
      %dma_start3A_14 = tpu.memref_slice %arg2[%mul3A_9] : memref<320000xi32, #tpu.memory_space<hbm>> -> memref<10000xi32, #tpu.memory_space<hbm>>
      tpu.enqueue_dma source(%dma_start3A_14 : memref<10000xi32, #tpu.memory_space<hbm>>) target(%arg6 : memref<10000xi32, #tpu.memory_space<vmem>>) target_semaphore(%run_scoped3A : memref<!tpu.dma_semaphore, #tpu.memory_space<semaphore_mem>>)
      %dma_wait3A = tpu.memref_slice %arg2[%mul3A_9] : memref<320000xi32, #tpu.memory_space<hbm>> -> memref<10000xi32, #tpu.memory_space<hbm>>
      %dma_wait3A_15 = tpu.memref_slice %arg2[%mul3A_9] : memref<320000xi32, #tpu.memory_space<hbm>> -> memref<10000xi32, #tpu.memory_space<hbm>>
      tpu.wait_dma2 semaphore(%run_scoped3A : memref<!tpu.dma_semaphore, #tpu.memory_space<semaphore_mem>>) src(%dma_wait3A_15 : memref<10000xi32, #tpu.memory_space<hbm>>) dst(%arg6 : memref<10000xi32, #tpu.memory_space<vmem>>)
      tpu.yield
    }) : () -> ()
    %mul3A_10 = arith.constant 10000 : i32
    %mul3A_11 = arith.muli %add3A, %mul3A_10 : i32
    "tpu.region"() ({
      %run_scoped3A = tpu.sem_alloc : memref<!tpu.dma_semaphore, #tpu.memory_space<semaphore_mem>>
      %dma_start3A = tpu.memref_slice %arg3[%mul3A_11] : memref<320000xf32, #tpu.memory_space<hbm>> -> memref<10000xf32, #tpu.memory_space<hbm>>
      %dma_start3A_14 = tpu.memref_slice %arg3[%mul3A_11] : memref<320000xf32, #tpu.memory_space<hbm>> -> memref<10000xf32, #tpu.memory_space<hbm>>
      tpu.enqueue_dma source(%dma_start3A_14 : memref<10000xf32, #tpu.memory_space<hbm>>) target(%arg7 : memref<10000xf32, #tpu.memory_space<vmem>>) target_semaphore(%run_scoped3A : memref<!tpu.dma_semaphore, #tpu.memory_space<semaphore_mem>>)
      %dma_wait3A = tpu.memref_slice %arg3[%mul3A_11] : memref<320000xf32, #tpu.memory_space<hbm>> -> memref<10000xf32, #tpu.memory_space<hbm>>
      %dma_wait3A_15 = tpu.memref_slice %arg3[%mul3A_11] : memref<320000xf32, #tpu.memory_space<hbm>> -> memref<10000xf32, #tpu.memory_space<hbm>>
      tpu.wait_dma2 semaphore(%run_scoped3A : memref<!tpu.dma_semaphore, #tpu.memory_space<semaphore_mem>>) src(%dma_wait3A_15 : memref<10000xf32, #tpu.memory_space<hbm>>) dst(%arg7 : memref<10000xf32, #tpu.memory_space<vmem>>)
      tpu.yield
    }) : () -> ()
    %parallel_loop3A = arith.constant 0 : i32
    %parallel_loop3A_12 = arith.constant 625 : i32
    %parallel_loop3A_13 = arith.constant 1 : i32
    scf.for %parallel_loop3A_14 = %parallel_loop3A to %parallel_loop3A_12 step %parallel_loop3A_13  : i32 {
      %parallel_loop3A_15 = arith.constant 16 : i32
      %parallel_loop3A_16 = arith.muli %parallel_loop3A_14, %parallel_loop3A_15 : i32
      %parallel_loop3A_17 = arith.index_cast %parallel_loop3A_16 : i32 to index
      %parallel_loop3A_18 = tpu.vector_load %arg6[%parallel_loop3A_17] {strides = array<i32>} : memref<10000xi32, #tpu.memory_space<vmem>>, vector<16xi32>,
      %parallel_loop3A_19 = arith.constant 16 : i32
      %parallel_loop3A_20 = arith.muli %parallel_loop3A_14, %parallel_loop3A_19 : i32
      %parallel_loop3A_21 = arith.index_cast %parallel_loop3A_20 : i32 to index
      %parallel_loop3A_22 = tpu.vector_load %arg7[%parallel_loop3A_21] {strides = array<i32>} : memref<10000xf32, #tpu.memory_space<vmem>>, vector<16xf32>,
      tpu.vector_store_idx %arg5[%parallel_loop3A_18], %parallel_loop3A_22 {add = true} : memref<10000xf32, #tpu.memory_space<vmem>>[vector<16xi32>], vector<16xf32>,
    } {sc.loop_unroll_factor = 5 : i64, sc.parallel_access}
    "tpu.region"() ({
      %run_scoped3A = tpu.sem_alloc : memref<!tpu.dma_semaphore, #tpu.memory_space<semaphore_mem>>
      %dma_start3A = arith.constant 0 : i32
      %dma_start3A_14 = tpu.memref_slice %arg4[%add3A, %dma_start3A] : memref<32x10000xf32, #tpu.memory_space<hbm>> -> memref<1x10000xf32, #tpu.memory_space<hbm>>
      %dma_start3A_15 = tpu.memref_squeeze %dma_start3A_14 : memref<1x10000xf32, #tpu.memory_space<hbm>> -> memref<10000xf32, #tpu.memory_space<hbm>>
      %dma_start3A_16 = arith.constant 0 : i32
      %dma_start3A_17 = tpu.memref_slice %arg4[%add3A, %dma_start3A_16] : memref<32x10000xf32, #tpu.memory_space<hbm>> -> memref<1x10000xf32, #tpu.memory_space<hbm>>
      %dma_start3A_18 = tpu.memref_squeeze %dma_start3A_17 : memref<1x10000xf32, #tpu.memory_space<hbm>> -> memref<10000xf32, #tpu.memory_space<hbm>>
      tpu.enqueue_dma source(%arg5 : memref<10000xf32, #tpu.memory_space<vmem>>) target(%dma_start3A_18 : memref<10000xf32, #tpu.memory_space<hbm>>) target_semaphore(%run_scoped3A : memref<!tpu.dma_semaphore, #tpu.memory_space<semaphore_mem>>)
      %dma_wait3A = arith.constant 0 : i32
      %dma_wait3A_19 = tpu.memref_slice %arg4[%add3A, %dma_wait3A] : memref<32x10000xf32, #tpu.memory_space<hbm>> -> memref<1x10000xf32, #tpu.memory_space<hbm>>
      %dma_wait3A_20 = tpu.memref_squeeze %dma_wait3A_19 : memref<1x10000xf32, #tpu.memory_space<hbm>> -> memref<10000xf32, #tpu.memory_space<hbm>>
      %dma_wait3A_21 = arith.constant 0 : i32
      %dma_wait3A_22 = tpu.memref_slice %arg4[%add3A, %dma_wait3A_21] : memref<32x10000xf32, #tpu.memory_space<hbm>> -> memref<1x10000xf32, #tpu.memory_space<hbm>>
      %dma_wait3A_23 = tpu.memref_squeeze %dma_wait3A_22 : memref<1x10000xf32, #tpu.memory_space<hbm>> -> memref<10000xf32, #tpu.memory_space<hbm>>
      tpu.wait_dma2 semaphore(%run_scoped3A : memref<!tpu.dma_semaphore, #tpu.memory_space<semaphore_mem>>) src(%arg5 : memref<10000xf32, #tpu.memory_space<vmem>>) dst(%dma_wait3A_23 : memref<10000xf32, #tpu.memory_space<hbm>>)
      tpu.yield
    }) : () -> ()
    return
  }
}

#map = affine_map<(d0, d1) -> (0)>
module attributes {stable_mosaic.version = 14 : i64} {
  func.func @scat(%arg0: i32, %arg1: i32, %arg2: memref<1280000xf32, #tpu.memory_space<hbm>>, %arg3: memref<320000xi32, #tpu.memory_space<hbm>>, %arg4: memref<320000xi32, #tpu.memory_space<hbm>>, %arg5: memref<320000xf32, #tpu.memory_space<hbm>>, %arg6: memref<1280000xf32, #tpu.memory_space<hbm>>, %arg7: memref<10000xf32, #tpu.memory_space<vmem>>, %arg8: memref<10000xf32, #tpu.memory_space<vmem>>, %arg9: memref<10000xf32, #tpu.memory_space<vmem>>, %arg10: memref<10000xf32, #tpu.memory_space<vmem>>, %arg11: memref<10000xf32, #tpu.memory_space<vmem>>, %arg12: memref<10000xf32, #tpu.memory_space<vmem>>, %arg13: memref<10000xf32, #tpu.memory_space<vmem>>, %arg14: memref<10000xf32, #tpu.memory_space<vmem>>, %arg15: memref<4000xi32, #tpu.memory_space<vmem>>, %arg16: memref<4000xi32, #tpu.memory_space<vmem>>, %arg17: memref<4000xf32, #tpu.memory_space<vmem>>, %arg18: memref<4000xi32, #tpu.memory_space<vmem>>, %arg19: memref<4000xi32, #tpu.memory_space<vmem>>, %arg20: memref<4000xf32, #tpu.memory_space<vmem>>, %arg21: memref<!tpu.dma_semaphore, #tpu.memory_space<semaphore_mem>>, %arg22: memref<!tpu.dma_semaphore, #tpu.memory_space<semaphore_mem>>) attributes {dimension_semantics = [#tpu.dimension_semantics<core_parallel>, #tpu.dimension_semantics<subcore_parallel>], iteration_bounds = array<i64: 2, 16>, scalar_prefetch = 0 : i64, scratch_operands = 16 : i64, tpu.core_type = #tpu.core_type<sc_vector_subcore>, window_params = [{transform_indices = #map}, {transform_indices = #map}, {transform_indices = #map}, {transform_indices = #map}, {transform_indices = #map}]} {
    %mul3A = arith.constant 16 : i32
    %mul3A_0 = arith.muli %arg0, %mul3A : i32
    %add3A = arith.addi %mul3A_0, %arg1 : i32
    %mul3A_1 = arith.constant 2 : i32
    %mul3A_2 = arith.muli %add3A, %mul3A_1 : i32
    %mul3A_3 = arith.constant 4 : i32
    %mul3A_4 = arith.muli %add3A, %mul3A_3 : i32
    %add3A_5 = arith.constant 0 : i32
    %add3A_6 = arith.addi %mul3A_4, %add3A_5 : i32
    %mul3A_7 = arith.constant 10000 : i32
    %mul3A_8 = arith.muli %add3A_6, %mul3A_7 : i32
    "tpu.region"() ({
      %run_scoped3A = tpu.sem_alloc : memref<!tpu.dma_semaphore, #tpu.memory_space<semaphore_mem>>
      %dma_start3A_75 = tpu.memref_slice %arg2[%mul3A_8] : memref<1280000xf32, #tpu.memory_space<hbm>> -> memref<10000xf32, #tpu.memory_space<hbm>>
      %dma_start3A_76 = tpu.memref_slice %arg2[%mul3A_8] : memref<1280000xf32, #tpu.memory_space<hbm>> -> memref<10000xf32, #tpu.memory_space<hbm>>
      tpu.enqueue_dma source(%dma_start3A_76 : memref<10000xf32, #tpu.memory_space<hbm>>) target(%arg7 : memref<10000xf32, #tpu.memory_space<vmem>>) target_semaphore(%run_scoped3A : memref<!tpu.dma_semaphore, #tpu.memory_space<semaphore_mem>>)
      %dma_wait3A = tpu.memref_slice %arg2[%mul3A_8] : memref<1280000xf32, #tpu.memory_space<hbm>> -> memref<10000xf32, #tpu.memory_space<hbm>>
      %dma_wait3A_77 = tpu.memref_slice %arg2[%mul3A_8] : memref<1280000xf32, #tpu.memory_space<hbm>> -> memref<10000xf32, #tpu.memory_space<hbm>>
      tpu.wait_dma2 semaphore(%run_scoped3A : memref<!tpu.dma_semaphore, #tpu.memory_space<semaphore_mem>>) src(%dma_wait3A_77 : memref<10000xf32, #tpu.memory_space<hbm>>) dst(%arg7 : memref<10000xf32, #tpu.memory_space<vmem>>)
      tpu.yield
    }) : () -> ()
    %mul3A_9 = arith.constant 4 : i32
    %mul3A_10 = arith.muli %add3A, %mul3A_9 : i32
    %add3A_11 = arith.constant 1 : i32
    %add3A_12 = arith.addi %mul3A_10, %add3A_11 : i32
    %mul3A_13 = arith.constant 10000 : i32
    %mul3A_14 = arith.muli %add3A_12, %mul3A_13 : i32
    "tpu.region"() ({
      %run_scoped3A = tpu.sem_alloc : memref<!tpu.dma_semaphore, #tpu.memory_space<semaphore_mem>>
      %dma_start3A_75 = tpu.memref_slice %arg2[%mul3A_14] : memref<1280000xf32, #tpu.memory_space<hbm>> -> memref<10000xf32, #tpu.memory_space<hbm>>
      %dma_start3A_76 = tpu.memref_slice %arg2[%mul3A_14] : memref<1280000xf32, #tpu.memory_space<hbm>> -> memref<10000xf32, #tpu.memory_space<hbm>>
      tpu.enqueue_dma source(%dma_start3A_76 : memref<10000xf32, #tpu.memory_space<hbm>>) target(%arg8 : memref<10000xf32, #tpu.memory_space<vmem>>) target_semaphore(%run_scoped3A : memref<!tpu.dma_semaphore, #tpu.memory_space<semaphore_mem>>)
      %dma_wait3A = tpu.memref_slice %arg2[%mul3A_14] : memref<1280000xf32, #tpu.memory_space<hbm>> -> memref<10000xf32, #tpu.memory_space<hbm>>
      %dma_wait3A_77 = tpu.memref_slice %arg2[%mul3A_14] : memref<1280000xf32, #tpu.memory_space<hbm>> -> memref<10000xf32, #tpu.memory_space<hbm>>
      tpu.wait_dma2 semaphore(%run_scoped3A : memref<!tpu.dma_semaphore, #tpu.memory_space<semaphore_mem>>) src(%dma_wait3A_77 : memref<10000xf32, #tpu.memory_space<hbm>>) dst(%arg8 : memref<10000xf32, #tpu.memory_space<vmem>>)
      tpu.yield
    }) : () -> ()
    %mul3A_15 = arith.constant 4 : i32
    %mul3A_16 = arith.muli %add3A, %mul3A_15 : i32
    %add3A_17 = arith.constant 2 : i32
    %add3A_18 = arith.addi %mul3A_16, %add3A_17 : i32
    %mul3A_19 = arith.constant 10000 : i32
    %mul3A_20 = arith.muli %add3A_18, %mul3A_19 : i32
    "tpu.region"() ({
      %run_scoped3A = tpu.sem_alloc : memref<!tpu.dma_semaphore, #tpu.memory_space<semaphore_mem>>
      %dma_start3A_75 = tpu.memref_slice %arg2[%mul3A_20] : memref<1280000xf32, #tpu.memory_space<hbm>> -> memref<10000xf32, #tpu.memory_space<hbm>>
      %dma_start3A_76 = tpu.memref_slice %arg2[%mul3A_20] : memref<1280000xf32, #tpu.memory_space<hbm>> -> memref<10000xf32, #tpu.memory_space<hbm>>
      tpu.enqueue_dma source(%dma_start3A_76 : memref<10000xf32, #tpu.memory_space<hbm>>) target(%arg9 : memref<10000xf32, #tpu.memory_space<vmem>>) target_semaphore(%run_scoped3A : memref<!tpu.dma_semaphore, #tpu.memory_space<semaphore_mem>>)
      %dma_wait3A = tpu.memref_slice %arg2[%mul3A_20] : memref<1280000xf32, #tpu.memory_space<hbm>> -> memref<10000xf32, #tpu.memory_space<hbm>>
      %dma_wait3A_77 = tpu.memref_slice %arg2[%mul3A_20] : memref<1280000xf32, #tpu.memory_space<hbm>> -> memref<10000xf32, #tpu.memory_space<hbm>>
      tpu.wait_dma2 semaphore(%run_scoped3A : memref<!tpu.dma_semaphore, #tpu.memory_space<semaphore_mem>>) src(%dma_wait3A_77 : memref<10000xf32, #tpu.memory_space<hbm>>) dst(%arg9 : memref<10000xf32, #tpu.memory_space<vmem>>)
      tpu.yield
    }) : () -> ()
    %mul3A_21 = arith.constant 4 : i32
    %mul3A_22 = arith.muli %add3A, %mul3A_21 : i32
    %add3A_23 = arith.constant 3 : i32
    %add3A_24 = arith.addi %mul3A_22, %add3A_23 : i32
    %mul3A_25 = arith.constant 10000 : i32
    %mul3A_26 = arith.muli %add3A_24, %mul3A_25 : i32
    "tpu.region"() ({
      %run_scoped3A = tpu.sem_alloc : memref<!tpu.dma_semaphore, #tpu.memory_space<semaphore_mem>>
      %dma_start3A_75 = tpu.memref_slice %arg2[%mul3A_26] : memref<1280000xf32, #tpu.memory_space<hbm>> -> memref<10000xf32, #tpu.memory_space<hbm>>
      %dma_start3A_76 = tpu.memref_slice %arg2[%mul3A_26] : memref<1280000xf32, #tpu.memory_space<hbm>> -> memref<10000xf32, #tpu.memory_space<hbm>>
      tpu.enqueue_dma source(%dma_start3A_76 : memref<10000xf32, #tpu.memory_space<hbm>>) target(%arg10 : memref<10000xf32, #tpu.memory_space<vmem>>) target_semaphore(%run_scoped3A : memref<!tpu.dma_semaphore, #tpu.memory_space<semaphore_mem>>)
      %dma_wait3A = tpu.memref_slice %arg2[%mul3A_26] : memref<1280000xf32, #tpu.memory_space<hbm>> -> memref<10000xf32, #tpu.memory_space<hbm>>
      %dma_wait3A_77 = tpu.memref_slice %arg2[%mul3A_26] : memref<1280000xf32, #tpu.memory_space<hbm>> -> memref<10000xf32, #tpu.memory_space<hbm>>
      tpu.wait_dma2 semaphore(%run_scoped3A : memref<!tpu.dma_semaphore, #tpu.memory_space<semaphore_mem>>) src(%dma_wait3A_77 : memref<10000xf32, #tpu.memory_space<hbm>>) dst(%arg10 : memref<10000xf32, #tpu.memory_space<vmem>>)
      tpu.yield
    }) : () -> ()
    %broadcast_in_dim3A = arith.constant 0.000000e+00 : f32
    %broadcast_in_dim3A_27 = vector.broadcast %broadcast_in_dim3A : f32 to vector<16xf32>
    %scan3A = arith.constant 0 : i32
    %scan3A_28 = arith.constant 0 : i32
    %scan3A_29 = arith.constant 625 : i32
    %scan3A_30 = arith.addi %scan3A_28, %scan3A_29 : i32
    %scan3A_31 = arith.constant 1 : i32
    %scan3A_32 = scf.for %scan3A_75 = %scan3A_28 to %scan3A_30 step %scan3A_31 iter_args(%scan3A_76 = %scan3A) -> (i32)  : i32 {
      %mul3A_77 = arith.constant 16 : i32
      %mul3A_78 = arith.muli %scan3A_75, %mul3A_77 : i32
      %swap3A = arith.index_cast %mul3A_78 : i32 to index
      %swap3A_79 = tpu.vector_load %arg11[%swap3A] {strides = array<i32>} : memref<10000xf32, #tpu.memory_space<vmem>>, vector<16xf32>,
      tpu.vector_store %arg11[%swap3A], %broadcast_in_dim3A_27 {strides = array<i32>} : memref<10000xf32, #tpu.memory_space<vmem>>, vector<16xf32>,
      %mul3A_80 = arith.constant 16 : i32
      %mul3A_81 = arith.muli %scan3A_75, %mul3A_80 : i32
      %swap3A_82 = arith.index_cast %mul3A_81 : i32 to index
      %swap3A_83 = tpu.vector_load %arg12[%swap3A_82] {strides = array<i32>} : memref<10000xf32, #tpu.memory_space<vmem>>, vector<16xf32>,
      tpu.vector_store %arg12[%swap3A_82], %broadcast_in_dim3A_27 {strides = array<i32>} : memref<10000xf32, #tpu.memory_space<vmem>>, vector<16xf32>,
      %mul3A_84 = arith.constant 16 : i32
      %mul3A_85 = arith.muli %scan3A_75, %mul3A_84 : i32
      %swap3A_86 = arith.index_cast %mul3A_85 : i32 to index
      %swap3A_87 = tpu.vector_load %arg13[%swap3A_86] {strides = array<i32>} : memref<10000xf32, #tpu.memory_space<vmem>>, vector<16xf32>,
      tpu.vector_store %arg13[%swap3A_86], %broadcast_in_dim3A_27 {strides = array<i32>} : memref<10000xf32, #tpu.memory_space<vmem>>, vector<16xf32>,
      %mul3A_88 = arith.constant 16 : i32
      %mul3A_89 = arith.muli %scan3A_75, %mul3A_88 : i32
      %swap3A_90 = arith.index_cast %mul3A_89 : i32 to index
      %swap3A_91 = tpu.vector_load %arg14[%swap3A_90] {strides = array<i32>} : memref<10000xf32, #tpu.memory_space<vmem>>, vector<16xf32>,
      tpu.vector_store %arg14[%swap3A_90], %broadcast_in_dim3A_27 {strides = array<i32>} : memref<10000xf32, #tpu.memory_space<vmem>>, vector<16xf32>,
      %scan3A_92 = arith.constant 0 : i32
      scf.yield %scan3A_92 : i32
    }
    %scan3A_33 = arith.constant 625 : i32
    %add3A_34 = arith.constant 0 : i32
    %add3A_35 = arith.addi %add3A_34, %mul3A_2 : i32
    %rem3A = arith.constant 80 : i32
    %rem3A_36 = arith.remsi %add3A_35, %rem3A : i32
    %mul3A_37 = arith.constant 4000 : i32
    %mul3A_38 = arith.muli %rem3A_36, %mul3A_37 : i32
    %dma_start3A = tpu.memref_slice %arg3[%mul3A_38] : memref<320000xi32, #tpu.memory_space<hbm>> -> memref<4000xi32, #tpu.memory_space<hbm>>
    %dma_start3A_39 = tpu.memref_slice %arg3[%mul3A_38] : memref<320000xi32, #tpu.memory_space<hbm>> -> memref<4000xi32, #tpu.memory_space<hbm>>
    tpu.enqueue_dma source(%dma_start3A_39 : memref<4000xi32, #tpu.memory_space<hbm>>) target(%arg15 : memref<4000xi32, #tpu.memory_space<vmem>>) target_semaphore(%arg21 : memref<!tpu.dma_semaphore, #tpu.memory_space<semaphore_mem>>)
    %dma_start3A_40 = tpu.memref_slice %arg4[%mul3A_38] : memref<320000xi32, #tpu.memory_space<hbm>> -> memref<4000xi32, #tpu.memory_space<hbm>>
    %dma_start3A_41 = tpu.memref_slice %arg4[%mul3A_38] : memref<320000xi32, #tpu.memory_space<hbm>> -> memref<4000xi32, #tpu.memory_space<hbm>>
    tpu.enqueue_dma source(%dma_start3A_41 : memref<4000xi32, #tpu.memory_space<hbm>>) target(%arg16 : memref<4000xi32, #tpu.memory_space<vmem>>) target_semaphore(%arg21 : memref<!tpu.dma_semaphore, #tpu.memory_space<semaphore_mem>>)
    %dma_start3A_42 = tpu.memref_slice %arg5[%mul3A_38] : memref<320000xf32, #tpu.memory_space<hbm>> -> memref<4000xf32, #tpu.memory_space<hbm>>
    %dma_start3A_43 = tpu.memref_slice %arg5[%mul3A_38] : memref<320000xf32, #tpu.memory_space<hbm>> -> memref<4000xf32, #tpu.memory_space<hbm>>
    tpu.enqueue_dma source(%dma_start3A_43 : memref<4000xf32, #tpu.memory_space<hbm>>) target(%arg17 : memref<4000xf32, #tpu.memory_space<vmem>>) target_semaphore(%arg21 : memref<!tpu.dma_semaphore, #tpu.memory_space<semaphore_mem>>)
    %scan3A_44 = arith.constant 0 : i32
    %scan3A_45 = arith.constant 0 : i32
    %scan3A_46 = arith.constant 40 : i32
    %scan3A_47 = arith.addi %scan3A_45, %scan3A_46 : i32
    %scan3A_48 = arith.constant 1 : i32
    %scan3A_49 = scf.for %scan3A_75 = %scan3A_45 to %scan3A_47 step %scan3A_48 iter_args(%scan3A_76 = %scan3A_44) -> (i32)  : i32 {
      %mul3A_77 = arith.constant 2 : i32
      %mul3A_78 = arith.muli %scan3A_75, %mul3A_77 : i32
      %add3A_79 = arith.constant 0 : i32
      %add3A_80 = arith.addi %mul3A_78, %add3A_79 : i32
      %add3A_81 = arith.constant 1 : i32
      %add3A_82 = arith.addi %add3A_80, %add3A_81 : i32
      %lt3A = arith.constant 80 : i32
      %lt3A_83 = arith.cmpi slt, %add3A_82, %lt3A : i32
      %convert_element_type3A = arith.extui %lt3A_83 : i1 to i32
      %cond3A = arith.constant 0 : i32
      %cond3A_84 = arith.cmpi ne, %convert_element_type3A, %cond3A : i32
      scf.if %cond3A_84 {
        %add3A_125 = arith.constant 1 : i32
        %add3A_126 = arith.addi %add3A_80, %add3A_125 : i32
        %add3A_127 = arith.addi %add3A_126, %mul3A_2 : i32
        %rem3A_128 = arith.constant 80 : i32
        %rem3A_129 = arith.remsi %add3A_127, %rem3A_128 : i32
        %mul3A_130 = arith.constant 4000 : i32
        %mul3A_131 = arith.muli %rem3A_129, %mul3A_130 : i32
        %dma_start3A_132 = tpu.memref_slice %arg3[%mul3A_131] : memref<320000xi32, #tpu.memory_space<hbm>> -> memref<4000xi32, #tpu.memory_space<hbm>>
        %dma_start3A_133 = tpu.memref_slice %arg3[%mul3A_131] : memref<320000xi32, #tpu.memory_space<hbm>> -> memref<4000xi32, #tpu.memory_space<hbm>>
        tpu.enqueue_dma source(%dma_start3A_133 : memref<4000xi32, #tpu.memory_space<hbm>>) target(%arg18 : memref<4000xi32, #tpu.memory_space<vmem>>) target_semaphore(%arg22 : memref<!tpu.dma_semaphore, #tpu.memory_space<semaphore_mem>>)
        %dma_start3A_134 = tpu.memref_slice %arg4[%mul3A_131] : memref<320000xi32, #tpu.memory_space<hbm>> -> memref<4000xi32, #tpu.memory_space<hbm>>
        %dma_start3A_135 = tpu.memref_slice %arg4[%mul3A_131] : memref<320000xi32, #tpu.memory_space<hbm>> -> memref<4000xi32, #tpu.memory_space<hbm>>
        tpu.enqueue_dma source(%dma_start3A_135 : memref<4000xi32, #tpu.memory_space<hbm>>) target(%arg19 : memref<4000xi32, #tpu.memory_space<vmem>>) target_semaphore(%arg22 : memref<!tpu.dma_semaphore, #tpu.memory_space<semaphore_mem>>)
        %dma_start3A_136 = tpu.memref_slice %arg5[%mul3A_131] : memref<320000xf32, #tpu.memory_space<hbm>> -> memref<4000xf32, #tpu.memory_space<hbm>>
        %dma_start3A_137 = tpu.memref_slice %arg5[%mul3A_131] : memref<320000xf32, #tpu.memory_space<hbm>> -> memref<4000xf32, #tpu.memory_space<hbm>>
        tpu.enqueue_dma source(%dma_start3A_137 : memref<4000xf32, #tpu.memory_space<hbm>>) target(%arg20 : memref<4000xf32, #tpu.memory_space<vmem>>) target_semaphore(%arg22 : memref<!tpu.dma_semaphore, #tpu.memory_space<semaphore_mem>>)
      } else {
      }
      %dma_wait3A = arith.constant 0 : i32
      %dma_wait3A_85 = tpu.memref_slice %arg3[%dma_wait3A] : memref<320000xi32, #tpu.memory_space<hbm>> -> memref<4000xi32, #tpu.memory_space<hbm>>
      %dma_wait3A_86 = arith.constant 0 : i32
      %dma_wait3A_87 = tpu.memref_slice %arg3[%dma_wait3A_86] : memref<320000xi32, #tpu.memory_space<hbm>> -> memref<4000xi32, #tpu.memory_space<hbm>>
      tpu.wait_dma2 semaphore(%arg21 : memref<!tpu.dma_semaphore, #tpu.memory_space<semaphore_mem>>) src(%dma_wait3A_87 : memref<4000xi32, #tpu.memory_space<hbm>>) dst(%arg15 : memref<4000xi32, #tpu.memory_space<vmem>>)
      %dma_wait3A_88 = arith.constant 0 : i32
      %dma_wait3A_89 = tpu.memref_slice %arg4[%dma_wait3A_88] : memref<320000xi32, #tpu.memory_space<hbm>> -> memref<4000xi32, #tpu.memory_space<hbm>>
      %dma_wait3A_90 = arith.constant 0 : i32
      %dma_wait3A_91 = tpu.memref_slice %arg4[%dma_wait3A_90] : memref<320000xi32, #tpu.memory_space<hbm>> -> memref<4000xi32, #tpu.memory_space<hbm>>
      tpu.wait_dma2 semaphore(%arg21 : memref<!tpu.dma_semaphore, #tpu.memory_space<semaphore_mem>>) src(%dma_wait3A_91 : memref<4000xi32, #tpu.memory_space<hbm>>) dst(%arg16 : memref<4000xi32, #tpu.memory_space<vmem>>)
      %dma_wait3A_92 = arith.constant 0 : i32
      %dma_wait3A_93 = tpu.memref_slice %arg5[%dma_wait3A_92] : memref<320000xf32, #tpu.memory_space<hbm>> -> memref<4000xf32, #tpu.memory_space<hbm>>
      %dma_wait3A_94 = arith.constant 0 : i32
      %dma_wait3A_95 = tpu.memref_slice %arg5[%dma_wait3A_94] : memref<320000xf32, #tpu.memory_space<hbm>> -> memref<4000xf32, #tpu.memory_space<hbm>>
      tpu.wait_dma2 semaphore(%arg21 : memref<!tpu.dma_semaphore, #tpu.memory_space<semaphore_mem>>) src(%dma_wait3A_95 : memref<4000xf32, #tpu.memory_space<hbm>>) dst(%arg17 : memref<4000xf32, #tpu.memory_space<vmem>>)
      %parallel_loop3A = arith.constant 0 : i32
      %parallel_loop3A_96 = arith.constant 250 : i32
      %parallel_loop3A_97 = arith.constant 1 : i32
      scf.for %parallel_loop3A_125 = %parallel_loop3A to %parallel_loop3A_96 step %parallel_loop3A_97  : i32 {
        %parallel_loop3A_126 = arith.constant 16 : i32
        %parallel_loop3A_127 = arith.muli %parallel_loop3A_125, %parallel_loop3A_126 : i32
        %parallel_loop3A_128 = arith.index_cast %parallel_loop3A_127 : i32 to index
        %parallel_loop3A_129 = tpu.vector_load %arg15[%parallel_loop3A_128] {strides = array<i32>} : memref<4000xi32, #tpu.memory_space<vmem>>, vector<16xi32>,
        %parallel_loop3A_130 = arith.index_cast %parallel_loop3A_127 : i32 to index
        %parallel_loop3A_131 = tpu.vector_load %arg16[%parallel_loop3A_130] {strides = array<i32>} : memref<4000xi32, #tpu.memory_space<vmem>>, vector<16xi32>,
        %parallel_loop3A_132 = arith.index_cast %parallel_loop3A_127 : i32 to index
        %parallel_loop3A_133 = tpu.vector_load %arg17[%parallel_loop3A_132] {strides = array<i32>} : memref<4000xf32, #tpu.memory_space<vmem>>, vector<16xf32>,
        %parallel_loop3A_134 = tpu.vector_load_idx %arg7[%parallel_loop3A_129] : memref<10000xf32, #tpu.memory_space<vmem>>[vector<16xi32>], vector<16xf32>,
        %parallel_loop3A_135 = arith.mulf %parallel_loop3A_134, %parallel_loop3A_133 : vector<16xf32>
        tpu.vector_store_idx %arg11[%parallel_loop3A_131], %parallel_loop3A_135 {add = true} : memref<10000xf32, #tpu.memory_space<vmem>>[vector<16xi32>], vector<16xf32>,
        %parallel_loop3A_136 = tpu.vector_load_idx %arg8[%parallel_loop3A_129] : memref<10000xf32, #tpu.memory_space<vmem>>[vector<16xi32>], vector<16xf32>,
        %parallel_loop3A_137 = arith.mulf %parallel_loop3A_136, %parallel_loop3A_133 : vector<16xf32>
        tpu.vector_store_idx %arg12[%parallel_loop3A_131], %parallel_loop3A_137 {add = true} : memref<10000xf32, #tpu.memory_space<vmem>>[vector<16xi32>], vector<16xf32>,
        %parallel_loop3A_138 = tpu.vector_load_idx %arg9[%parallel_loop3A_129] : memref<10000xf32, #tpu.memory_space<vmem>>[vector<16xi32>], vector<16xf32>,
        %parallel_loop3A_139 = arith.mulf %parallel_loop3A_138, %parallel_loop3A_133 : vector<16xf32>
        tpu.vector_store_idx %arg13[%parallel_loop3A_131], %parallel_loop3A_139 {add = true} : memref<10000xf32, #tpu.memory_space<vmem>>[vector<16xi32>], vector<16xf32>,
        %parallel_loop3A_140 = tpu.vector_load_idx %arg10[%parallel_loop3A_129] : memref<10000xf32, #tpu.memory_space<vmem>>[vector<16xi32>], vector<16xf32>,
        %parallel_loop3A_141 = arith.mulf %parallel_loop3A_140, %parallel_loop3A_133 : vector<16xf32>
        tpu.vector_store_idx %arg14[%parallel_loop3A_131], %parallel_loop3A_141 {add = true} : memref<10000xf32, #tpu.memory_space<vmem>>[vector<16xi32>], vector<16xf32>,
      } {sc.loop_unroll_factor = 5 : i64, sc.parallel_access}
      %mul3A_98 = arith.constant 2 : i32
      %mul3A_99 = arith.muli %scan3A_75, %mul3A_98 : i32
      %add3A_100 = arith.constant 1 : i32
      %add3A_101 = arith.addi %mul3A_99, %add3A_100 : i32
      %add3A_102 = arith.constant 1 : i32
      %add3A_103 = arith.addi %add3A_101, %add3A_102 : i32
      %lt3A_104 = arith.constant 80 : i32
      %lt3A_105 = arith.cmpi slt, %add3A_103, %lt3A_104 : i32
      %convert_element_type3A_106 = arith.extui %lt3A_105 : i1 to i32
      %cond3A_107 = arith.constant 0 : i32
      %cond3A_108 = arith.cmpi ne, %convert_element_type3A_106, %cond3A_107 : i32
      scf.if %cond3A_108 {
        %add3A_125 = arith.constant 1 : i32
        %add3A_126 = arith.addi %add3A_101, %add3A_125 : i32
        %add3A_127 = arith.addi %add3A_126, %mul3A_2 : i32
        %rem3A_128 = arith.constant 80 : i32
        %rem3A_129 = arith.remsi %add3A_127, %rem3A_128 : i32
        %mul3A_130 = arith.constant 4000 : i32
        %mul3A_131 = arith.muli %rem3A_129, %mul3A_130 : i32
        %dma_start3A_132 = tpu.memref_slice %arg3[%mul3A_131] : memref<320000xi32, #tpu.memory_space<hbm>> -> memref<4000xi32, #tpu.memory_space<hbm>>
        %dma_start3A_133 = tpu.memref_slice %arg3[%mul3A_131] : memref<320000xi32, #tpu.memory_space<hbm>> -> memref<4000xi32, #tpu.memory_space<hbm>>
        tpu.enqueue_dma source(%dma_start3A_133 : memref<4000xi32, #tpu.memory_space<hbm>>) target(%arg15 : memref<4000xi32, #tpu.memory_space<vmem>>) target_semaphore(%arg21 : memref<!tpu.dma_semaphore, #tpu.memory_space<semaphore_mem>>)
        %dma_start3A_134 = tpu.memref_slice %arg4[%mul3A_131] : memref<320000xi32, #tpu.memory_space<hbm>> -> memref<4000xi32, #tpu.memory_space<hbm>>
        %dma_start3A_135 = tpu.memref_slice %arg4[%mul3A_131] : memref<320000xi32, #tpu.memory_space<hbm>> -> memref<4000xi32, #tpu.memory_space<hbm>>
        tpu.enqueue_dma source(%dma_start3A_135 : memref<4000xi32, #tpu.memory_space<hbm>>) target(%arg16 : memref<4000xi32, #tpu.memory_space<vmem>>) target_semaphore(%arg21 : memref<!tpu.dma_semaphore, #tpu.memory_space<semaphore_mem>>)
        %dma_start3A_136 = tpu.memref_slice %arg5[%mul3A_131] : memref<320000xf32, #tpu.memory_space<hbm>> -> memref<4000xf32, #tpu.memory_space<hbm>>
        %dma_start3A_137 = tpu.memref_slice %arg5[%mul3A_131] : memref<320000xf32, #tpu.memory_space<hbm>> -> memref<4000xf32, #tpu.memory_space<hbm>>
        tpu.enqueue_dma source(%dma_start3A_137 : memref<4000xf32, #tpu.memory_space<hbm>>) target(%arg17 : memref<4000xf32, #tpu.memory_space<vmem>>) target_semaphore(%arg21 : memref<!tpu.dma_semaphore, #tpu.memory_space<semaphore_mem>>)
      } else {
      }
      %dma_wait3A_109 = arith.constant 0 : i32
      %dma_wait3A_110 = tpu.memref_slice %arg3[%dma_wait3A_109] : memref<320000xi32, #tpu.memory_space<hbm>> -> memref<4000xi32, #tpu.memory_space<hbm>>
      %dma_wait3A_111 = arith.constant 0 : i32
      %dma_wait3A_112 = tpu.memref_slice %arg3[%dma_wait3A_111] : memref<320000xi32, #tpu.memory_space<hbm>> -> memref<4000xi32, #tpu.memory_space<hbm>>
      tpu.wait_dma2 semaphore(%arg22 : memref<!tpu.dma_semaphore, #tpu.memory_space<semaphore_mem>>) src(%dma_wait3A_112 : memref<4000xi32, #tpu.memory_space<hbm>>) dst(%arg18 : memref<4000xi32, #tpu.memory_space<vmem>>)
      %dma_wait3A_113 = arith.constant 0 : i32
      %dma_wait3A_114 = tpu.memref_slice %arg4[%dma_wait3A_113] : memref<320000xi32, #tpu.memory_space<hbm>> -> memref<4000xi32, #tpu.memory_space<hbm>>
      %dma_wait3A_115 = arith.constant 0 : i32
      %dma_wait3A_116 = tpu.memref_slice %arg4[%dma_wait3A_115] : memref<320000xi32, #tpu.memory_space<hbm>> -> memref<4000xi32, #tpu.memory_space<hbm>>
      tpu.wait_dma2 semaphore(%arg22 : memref<!tpu.dma_semaphore, #tpu.memory_space<semaphore_mem>>) src(%dma_wait3A_116 : memref<4000xi32, #tpu.memory_space<hbm>>) dst(%arg19 : memref<4000xi32, #tpu.memory_space<vmem>>)
      %dma_wait3A_117 = arith.constant 0 : i32
      %dma_wait3A_118 = tpu.memref_slice %arg5[%dma_wait3A_117] : memref<320000xf32, #tpu.memory_space<hbm>> -> memref<4000xf32, #tpu.memory_space<hbm>>
      %dma_wait3A_119 = arith.constant 0 : i32
      %dma_wait3A_120 = tpu.memref_slice %arg5[%dma_wait3A_119] : memref<320000xf32, #tpu.memory_space<hbm>> -> memref<4000xf32, #tpu.memory_space<hbm>>
      tpu.wait_dma2 semaphore(%arg22 : memref<!tpu.dma_semaphore, #tpu.memory_space<semaphore_mem>>) src(%dma_wait3A_120 : memref<4000xf32, #tpu.memory_space<hbm>>) dst(%arg20 : memref<4000xf32, #tpu.memory_space<vmem>>)
      %parallel_loop3A_121 = arith.constant 0 : i32
      %parallel_loop3A_122 = arith.constant 250 : i32
      %parallel_loop3A_123 = arith.constant 1 : i32
      scf.for %parallel_loop3A_125 = %parallel_loop3A_121 to %parallel_loop3A_122 step %parallel_loop3A_123  : i32 {
        %parallel_loop3A_126 = arith.constant 16 : i32
        %parallel_loop3A_127 = arith.muli %parallel_loop3A_125, %parallel_loop3A_126 : i32
        %parallel_loop3A_128 = arith.index_cast %parallel_loop3A_127 : i32 to index
        %parallel_loop3A_129 = tpu.vector_load %arg18[%parallel_loop3A_128] {strides = array<i32>} : memref<4000xi32, #tpu.memory_space<vmem>>, vector<16xi32>,
        %parallel_loop3A_130 = arith.index_cast %parallel_loop3A_127 : i32 to index
        %parallel_loop3A_131 = tpu.vector_load %arg19[%parallel_loop3A_130] {strides = array<i32>} : memref<4000xi32, #tpu.memory_space<vmem>>, vector<16xi32>,
        %parallel_loop3A_132 = arith.index_cast %parallel_loop3A_127 : i32 to index
        %parallel_loop3A_133 = tpu.vector_load %arg20[%parallel_loop3A_132] {strides = array<i32>} : memref<4000xf32, #tpu.memory_space<vmem>>, vector<16xf32>,
        %parallel_loop3A_134 = tpu.vector_load_idx %arg7[%parallel_loop3A_129] : memref<10000xf32, #tpu.memory_space<vmem>>[vector<16xi32>], vector<16xf32>,
        %parallel_loop3A_135 = arith.mulf %parallel_loop3A_134, %parallel_loop3A_133 : vector<16xf32>
        tpu.vector_store_idx %arg11[%parallel_loop3A_131], %parallel_loop3A_135 {add = true} : memref<10000xf32, #tpu.memory_space<vmem>>[vector<16xi32>], vector<16xf32>,
        %parallel_loop3A_136 = tpu.vector_load_idx %arg8[%parallel_loop3A_129] : memref<10000xf32, #tpu.memory_space<vmem>>[vector<16xi32>], vector<16xf32>,
        %parallel_loop3A_137 = arith.mulf %parallel_loop3A_136, %parallel_loop3A_133 : vector<16xf32>
        tpu.vector_store_idx %arg12[%parallel_loop3A_131], %parallel_loop3A_137 {add = true} : memref<10000xf32, #tpu.memory_space<vmem>>[vector<16xi32>], vector<16xf32>,
        %parallel_loop3A_138 = tpu.vector_load_idx %arg9[%parallel_loop3A_129] : memref<10000xf32, #tpu.memory_space<vmem>>[vector<16xi32>], vector<16xf32>,
        %parallel_loop3A_139 = arith.mulf %parallel_loop3A_138, %parallel_loop3A_133 : vector<16xf32>
        tpu.vector_store_idx %arg13[%parallel_loop3A_131], %parallel_loop3A_139 {add = true} : memref<10000xf32, #tpu.memory_space<vmem>>[vector<16xi32>], vector<16xf32>,
        %parallel_loop3A_140 = tpu.vector_load_idx %arg10[%parallel_loop3A_129] : memref<10000xf32, #tpu.memory_space<vmem>>[vector<16xi32>], vector<16xf32>,
        %parallel_loop3A_141 = arith.mulf %parallel_loop3A_140, %parallel_loop3A_133 : vector<16xf32>
        tpu.vector_store_idx %arg14[%parallel_loop3A_131], %parallel_loop3A_141 {add = true} : memref<10000xf32, #tpu.memory_space<vmem>>[vector<16xi32>], vector<16xf32>,
      } {sc.loop_unroll_factor = 5 : i64, sc.parallel_access}
      %scan3A_124 = arith.constant 0 : i32
      scf.yield %scan3A_124 : i32
    }
    %scan3A_50 = arith.constant 40 : i32
    %mul3A_51 = arith.constant 4 : i32
    %mul3A_52 = arith.muli %add3A, %mul3A_51 : i32
    %add3A_53 = arith.constant 0 : i32
    %add3A_54 = arith.addi %mul3A_52, %add3A_53 : i32
    %mul3A_55 = arith.constant 10000 : i32
    %mul3A_56 = arith.muli %add3A_54, %mul3A_55 : i32
    "tpu.region"() ({
      %run_scoped3A = tpu.sem_alloc : memref<!tpu.dma_semaphore, #tpu.memory_space<semaphore_mem>>
      %dma_start3A_75 = tpu.memref_slice %arg6[%mul3A_56] : memref<1280000xf32, #tpu.memory_space<hbm>> -> memref<10000xf32, #tpu.memory_space<hbm>>
      %dma_start3A_76 = tpu.memref_slice %arg6[%mul3A_56] : memref<1280000xf32, #tpu.memory_space<hbm>> -> memref<10000xf32, #tpu.memory_space<hbm>>
      tpu.enqueue_dma source(%arg11 : memref<10000xf32, #tpu.memory_space<vmem>>) target(%dma_start3A_76 : memref<10000xf32, #tpu.memory_space<hbm>>) target_semaphore(%run_scoped3A : memref<!tpu.dma_semaphore, #tpu.memory_space<semaphore_mem>>)
      %dma_wait3A = tpu.memref_slice %arg6[%mul3A_56] : memref<1280000xf32, #tpu.memory_space<hbm>> -> memref<10000xf32, #tpu.memory_space<hbm>>
      %dma_wait3A_77 = tpu.memref_slice %arg6[%mul3A_56] : memref<1280000xf32, #tpu.memory_space<hbm>> -> memref<10000xf32, #tpu.memory_space<hbm>>
      tpu.wait_dma2 semaphore(%run_scoped3A : memref<!tpu.dma_semaphore, #tpu.memory_space<semaphore_mem>>) src(%arg11 : memref<10000xf32, #tpu.memory_space<vmem>>) dst(%dma_wait3A_77 : memref<10000xf32, #tpu.memory_space<hbm>>)
      tpu.yield
    }) : () -> ()
    %mul3A_57 = arith.constant 4 : i32
    %mul3A_58 = arith.muli %add3A, %mul3A_57 : i32
    %add3A_59 = arith.constant 1 : i32
    %add3A_60 = arith.addi %mul3A_58, %add3A_59 : i32
    %mul3A_61 = arith.constant 10000 : i32
    %mul3A_62 = arith.muli %add3A_60, %mul3A_61 : i32
    "tpu.region"() ({
      %run_scoped3A = tpu.sem_alloc : memref<!tpu.dma_semaphore, #tpu.memory_space<semaphore_mem>>
      %dma_start3A_75 = tpu.memref_slice %arg6[%mul3A_62] : memref<1280000xf32, #tpu.memory_space<hbm>> -> memref<10000xf32, #tpu.memory_space<hbm>>
      %dma_start3A_76 = tpu.memref_slice %arg6[%mul3A_62] : memref<1280000xf32, #tpu.memory_space<hbm>> -> memref<10000xf32, #tpu.memory_space<hbm>>
      tpu.enqueue_dma source(%arg12 : memref<10000xf32, #tpu.memory_space<vmem>>) target(%dma_start3A_76 : memref<10000xf32, #tpu.memory_space<hbm>>) target_semaphore(%run_scoped3A : memref<!tpu.dma_semaphore, #tpu.memory_space<semaphore_mem>>)
      %dma_wait3A = tpu.memref_slice %arg6[%mul3A_62] : memref<1280000xf32, #tpu.memory_space<hbm>> -> memref<10000xf32, #tpu.memory_space<hbm>>
      %dma_wait3A_77 = tpu.memref_slice %arg6[%mul3A_62] : memref<1280000xf32, #tpu.memory_space<hbm>> -> memref<10000xf32, #tpu.memory_space<hbm>>
      tpu.wait_dma2 semaphore(%run_scoped3A : memref<!tpu.dma_semaphore, #tpu.memory_space<semaphore_mem>>) src(%arg12 : memref<10000xf32, #tpu.memory_space<vmem>>) dst(%dma_wait3A_77 : memref<10000xf32, #tpu.memory_space<hbm>>)
      tpu.yield
    }) : () -> ()
    %mul3A_63 = arith.constant 4 : i32
    %mul3A_64 = arith.muli %add3A, %mul3A_63 : i32
    %add3A_65 = arith.constant 2 : i32
    %add3A_66 = arith.addi %mul3A_64, %add3A_65 : i32
    %mul3A_67 = arith.constant 10000 : i32
    %mul3A_68 = arith.muli %add3A_66, %mul3A_67 : i32
    "tpu.region"() ({
      %run_scoped3A = tpu.sem_alloc : memref<!tpu.dma_semaphore, #tpu.memory_space<semaphore_mem>>
      %dma_start3A_75 = tpu.memref_slice %arg6[%mul3A_68] : memref<1280000xf32, #tpu.memory_space<hbm>> -> memref<10000xf32, #tpu.memory_space<hbm>>
      %dma_start3A_76 = tpu.memref_slice %arg6[%mul3A_68] : memref<1280000xf32, #tpu.memory_space<hbm>> -> memref<10000xf32, #tpu.memory_space<hbm>>
      tpu.enqueue_dma source(%arg13 : memref<10000xf32, #tpu.memory_space<vmem>>) target(%dma_start3A_76 : memref<10000xf32, #tpu.memory_space<hbm>>) target_semaphore(%run_scoped3A : memref<!tpu.dma_semaphore, #tpu.memory_space<semaphore_mem>>)
      %dma_wait3A = tpu.memref_slice %arg6[%mul3A_68] : memref<1280000xf32, #tpu.memory_space<hbm>> -> memref<10000xf32, #tpu.memory_space<hbm>>
      %dma_wait3A_77 = tpu.memref_slice %arg6[%mul3A_68] : memref<1280000xf32, #tpu.memory_space<hbm>> -> memref<10000xf32, #tpu.memory_space<hbm>>
      tpu.wait_dma2 semaphore(%run_scoped3A : memref<!tpu.dma_semaphore, #tpu.memory_space<semaphore_mem>>) src(%arg13 : memref<10000xf32, #tpu.memory_space<vmem>>) dst(%dma_wait3A_77 : memref<10000xf32, #tpu.memory_space<hbm>>)
      tpu.yield
    }) : () -> ()
    %mul3A_69 = arith.constant 4 : i32
    %mul3A_70 = arith.muli %add3A, %mul3A_69 : i32
    %add3A_71 = arith.constant 3 : i32
    %add3A_72 = arith.addi %mul3A_70, %add3A_71 : i32
    %mul3A_73 = arith.constant 10000 : i32
    %mul3A_74 = arith.muli %add3A_72, %mul3A_73 : i32
    "tpu.region"() ({
      %run_scoped3A = tpu.sem_alloc : memref<!tpu.dma_semaphore, #tpu.memory_space<semaphore_mem>>
      %dma_start3A_75 = tpu.memref_slice %arg6[%mul3A_74] : memref<1280000xf32, #tpu.memory_space<hbm>> -> memref<10000xf32, #tpu.memory_space<hbm>>
      %dma_start3A_76 = tpu.memref_slice %arg6[%mul3A_74] : memref<1280000xf32, #tpu.memory_space<hbm>> -> memref<10000xf32, #tpu.memory_space<hbm>>
      tpu.enqueue_dma source(%arg14 : memref<10000xf32, #tpu.memory_space<vmem>>) target(%dma_start3A_76 : memref<10000xf32, #tpu.memory_space<hbm>>) target_semaphore(%run_scoped3A : memref<!tpu.dma_semaphore, #tpu.memory_space<semaphore_mem>>)
      %dma_wait3A = tpu.memref_slice %arg6[%mul3A_74] : memref<1280000xf32, #tpu.memory_space<hbm>> -> memref<10000xf32, #tpu.memory_space<hbm>>
      %dma_wait3A_77 = tpu.memref_slice %arg6[%mul3A_74] : memref<1280000xf32, #tpu.memory_space<hbm>> -> memref<10000xf32, #tpu.memory_space<hbm>>
      tpu.wait_dma2 semaphore(%run_scoped3A : memref<!tpu.dma_semaphore, #tpu.memory_space<semaphore_mem>>) src(%arg14 : memref<10000xf32, #tpu.memory_space<vmem>>) dst(%dma_wait3A_77 : memref<10000xf32, #tpu.memory_space<hbm>>)
      tpu.yield
    }) : () -> ()
    return
  }
}

#map = affine_map<(d0, d1) -> (0)>
#map1 = affine_map<(d0, d1) -> (0, 0)>
module attributes {stable_mosaic.version = 14 : i64} {
  func.func @scat1(%arg0: i32, %arg1: i32, %arg2: memref<10000xf32, #tpu.memory_space<hbm>>, %arg3: memref<320000xi32, #tpu.memory_space<hbm>>, %arg4: memref<320000xi32, #tpu.memory_space<hbm>>, %arg5: memref<320000xf32, #tpu.memory_space<hbm>>, %arg6: memref<32x10000xf32, #tpu.memory_space<hbm>>, %arg7: memref<10000xf32, #tpu.memory_space<vmem>>, %arg8: memref<10000xf32, #tpu.memory_space<vmem>>, %arg9: memref<10000xi32, #tpu.memory_space<vmem>>, %arg10: memref<10000xi32, #tpu.memory_space<vmem>>, %arg11: memref<10000xf32, #tpu.memory_space<vmem>>) attributes {dimension_semantics = [#tpu.dimension_semantics<core_parallel>, #tpu.dimension_semantics<subcore_parallel>], iteration_bounds = array<i64: 2, 16>, scalar_prefetch = 0 : i64, scratch_operands = 5 : i64, tpu.core_type = #tpu.core_type<sc_vector_subcore>, window_params = [{transform_indices = #map}, {transform_indices = #map}, {transform_indices = #map}, {transform_indices = #map}, {transform_indices = #map1}]} {
    %mul3A = arith.constant 16 : i32
    %mul3A_0 = arith.muli %arg0, %mul3A : i32
    %add3A = arith.addi %mul3A_0, %arg1 : i32
    "tpu.region"() ({
      %run_scoped3A = tpu.sem_alloc : memref<!tpu.dma_semaphore, #tpu.memory_space<semaphore_mem>>
      tpu.enqueue_dma source(%arg2 : memref<10000xf32, #tpu.memory_space<hbm>>) target(%arg7 : memref<10000xf32, #tpu.memory_space<vmem>>) target_semaphore(%run_scoped3A : memref<!tpu.dma_semaphore, #tpu.memory_space<semaphore_mem>>)
      tpu.wait_dma2 semaphore(%run_scoped3A : memref<!tpu.dma_semaphore, #tpu.memory_space<semaphore_mem>>) src(%arg2 : memref<10000xf32, #tpu.memory_space<hbm>>) dst(%arg7 : memref<10000xf32, #tpu.memory_space<vmem>>)
      tpu.yield
    }) : () -> ()
    %broadcast_in_dim3A = arith.constant 0.000000e+00 : f32
    %broadcast_in_dim3A_1 = vector.broadcast %broadcast_in_dim3A : f32 to vector<16xf32>
    %scan3A = arith.constant 0 : i32
    %scan3A_2 = arith.constant 0 : i32
    %scan3A_3 = arith.constant 625 : i32
    %scan3A_4 = arith.addi %scan3A_2, %scan3A_3 : i32
    %scan3A_5 = arith.constant 1 : i32
    %scan3A_6 = scf.for %scan3A_16 = %scan3A_2 to %scan3A_4 step %scan3A_5 iter_args(%scan3A_17 = %scan3A) -> (i32)  : i32 {
      %mul3A_18 = arith.constant 16 : i32
      %mul3A_19 = arith.muli %scan3A_16, %mul3A_18 : i32
      %swap3A = arith.index_cast %mul3A_19 : i32 to index
      %swap3A_20 = tpu.vector_load %arg8[%swap3A] {strides = array<i32>} : memref<10000xf32, #tpu.memory_space<vmem>>, vector<16xf32>,
      tpu.vector_store %arg8[%swap3A], %broadcast_in_dim3A_1 {strides = array<i32>} : memref<10000xf32, #tpu.memory_space<vmem>>, vector<16xf32>,
      %scan3A_21 = arith.constant 0 : i32
      scf.yield %scan3A_21 : i32
    }
    %scan3A_7 = arith.constant 625 : i32
    %mul3A_8 = arith.constant 10000 : i32
    %mul3A_9 = arith.muli %add3A, %mul3A_8 : i32
    "tpu.region"() ({
      %run_scoped3A = tpu.sem_alloc : memref<!tpu.dma_semaphore, #tpu.memory_space<semaphore_mem>>
      %dma_start3A = tpu.memref_slice %arg3[%mul3A_9] : memref<320000xi32, #tpu.memory_space<hbm>> -> memref<10000xi32, #tpu.memory_space<hbm>>
      %dma_start3A_16 = tpu.memref_slice %arg3[%mul3A_9] : memref<320000xi32, #tpu.memory_space<hbm>> -> memref<10000xi32, #tpu.memory_space<hbm>>
      tpu.enqueue_dma source(%dma_start3A_16 : memref<10000xi32, #tpu.memory_space<hbm>>) target(%arg9 : memref<10000xi32, #tpu.memory_space<vmem>>) target_semaphore(%run_scoped3A : memref<!tpu.dma_semaphore, #tpu.memory_space<semaphore_mem>>)
      %dma_wait3A = tpu.memref_slice %arg3[%mul3A_9] : memref<320000xi32, #tpu.memory_space<hbm>> -> memref<10000xi32, #tpu.memory_space<hbm>>
      %dma_wait3A_17 = tpu.memref_slice %arg3[%mul3A_9] : memref<320000xi32, #tpu.memory_space<hbm>> -> memref<10000xi32, #tpu.memory_space<hbm>>
      tpu.wait_dma2 semaphore(%run_scoped3A : memref<!tpu.dma_semaphore, #tpu.memory_space<semaphore_mem>>) src(%dma_wait3A_17 : memref<10000xi32, #tpu.memory_space<hbm>>) dst(%arg9 : memref<10000xi32, #tpu.memory_space<vmem>>)
      tpu.yield
    }) : () -> ()
    %mul3A_10 = arith.constant 10000 : i32
    %mul3A_11 = arith.muli %add3A, %mul3A_10 : i32
    "tpu.region"() ({
      %run_scoped3A = tpu.sem_alloc : memref<!tpu.dma_semaphore, #tpu.memory_space<semaphore_mem>>
      %dma_start3A = tpu.memref_slice %arg4[%mul3A_11] : memref<320000xi32, #tpu.memory_space<hbm>> -> memref<10000xi32, #tpu.memory_space<hbm>>
      %dma_start3A_16 = tpu.memref_slice %arg4[%mul3A_11] : memref<320000xi32, #tpu.memory_space<hbm>> -> memref<10000xi32, #tpu.memory_space<hbm>>
      tpu.enqueue_dma source(%dma_start3A_16 : memref<10000xi32, #tpu.memory_space<hbm>>) target(%arg10 : memref<10000xi32, #tpu.memory_space<vmem>>) target_semaphore(%run_scoped3A : memref<!tpu.dma_semaphore, #tpu.memory_space<semaphore_mem>>)
      %dma_wait3A = tpu.memref_slice %arg4[%mul3A_11] : memref<320000xi32, #tpu.memory_space<hbm>> -> memref<10000xi32, #tpu.memory_space<hbm>>
      %dma_wait3A_17 = tpu.memref_slice %arg4[%mul3A_11] : memref<320000xi32, #tpu.memory_space<hbm>> -> memref<10000xi32, #tpu.memory_space<hbm>>
      tpu.wait_dma2 semaphore(%run_scoped3A : memref<!tpu.dma_semaphore, #tpu.memory_space<semaphore_mem>>) src(%dma_wait3A_17 : memref<10000xi32, #tpu.memory_space<hbm>>) dst(%arg10 : memref<10000xi32, #tpu.memory_space<vmem>>)
      tpu.yield
    }) : () -> ()
    %mul3A_12 = arith.constant 10000 : i32
    %mul3A_13 = arith.muli %add3A, %mul3A_12 : i32
    "tpu.region"() ({
      %run_scoped3A = tpu.sem_alloc : memref<!tpu.dma_semaphore, #tpu.memory_space<semaphore_mem>>
      %dma_start3A = tpu.memref_slice %arg5[%mul3A_13] : memref<320000xf32, #tpu.memory_space<hbm>> -> memref<10000xf32, #tpu.memory_space<hbm>>
      %dma_start3A_16 = tpu.memref_slice %arg5[%mul3A_13] : memref<320000xf32, #tpu.memory_space<hbm>> -> memref<10000xf32, #tpu.memory_space<hbm>>
      tpu.enqueue_dma source(%dma_start3A_16 : memref<10000xf32, #tpu.memory_space<hbm>>) target(%arg11 : memref<10000xf32, #tpu.memory_space<vmem>>) target_semaphore(%run_scoped3A : memref<!tpu.dma_semaphore, #tpu.memory_space<semaphore_mem>>)
      %dma_wait3A = tpu.memref_slice %arg5[%mul3A_13] : memref<320000xf32, #tpu.memory_space<hbm>> -> memref<10000xf32, #tpu.memory_space<hbm>>
      %dma_wait3A_17 = tpu.memref_slice %arg5[%mul3A_13] : memref<320000xf32, #tpu.memory_space<hbm>> -> memref<10000xf32, #tpu.memory_space<hbm>>
      tpu.wait_dma2 semaphore(%run_scoped3A : memref<!tpu.dma_semaphore, #tpu.memory_space<semaphore_mem>>) src(%dma_wait3A_17 : memref<10000xf32, #tpu.memory_space<hbm>>) dst(%arg11 : memref<10000xf32, #tpu.memory_space<vmem>>)
      tpu.yield
    }) : () -> ()
    %parallel_loop3A = arith.constant 0 : i32
    %parallel_loop3A_14 = arith.constant 625 : i32
    %parallel_loop3A_15 = arith.constant 1 : i32
    scf.for %parallel_loop3A_16 = %parallel_loop3A to %parallel_loop3A_14 step %parallel_loop3A_15  : i32 {
      %parallel_loop3A_17 = arith.constant 16 : i32
      %parallel_loop3A_18 = arith.muli %parallel_loop3A_16, %parallel_loop3A_17 : i32
      %parallel_loop3A_19 = arith.index_cast %parallel_loop3A_18 : i32 to index
      %parallel_loop3A_20 = tpu.vector_load %arg9[%parallel_loop3A_19] {strides = array<i32>} : memref<10000xi32, #tpu.memory_space<vmem>>, vector<16xi32>,
      %parallel_loop3A_21 = arith.constant 16 : i32
      %parallel_loop3A_22 = arith.muli %parallel_loop3A_16, %parallel_loop3A_21 : i32
      %parallel_loop3A_23 = arith.index_cast %parallel_loop3A_22 : i32 to index
      %parallel_loop3A_24 = tpu.vector_load %arg10[%parallel_loop3A_23] {strides = array<i32>} : memref<10000xi32, #tpu.memory_space<vmem>>, vector<16xi32>,
      %parallel_loop3A_25 = arith.constant 16 : i32
      %parallel_loop3A_26 = arith.muli %parallel_loop3A_16, %parallel_loop3A_25 : i32
      %parallel_loop3A_27 = arith.index_cast %parallel_loop3A_26 : i32 to index
      %parallel_loop3A_28 = tpu.vector_load %arg11[%parallel_loop3A_27] {strides = array<i32>} : memref<10000xf32, #tpu.memory_space<vmem>>, vector<16xf32>,
      %parallel_loop3A_29 = tpu.vector_load_idx %arg7[%parallel_loop3A_20] : memref<10000xf32, #tpu.memory_space<vmem>>[vector<16xi32>], vector<16xf32>,
      %parallel_loop3A_30 = arith.mulf %parallel_loop3A_29, %parallel_loop3A_28 : vector<16xf32>
      tpu.vector_store_idx %arg8[%parallel_loop3A_24], %parallel_loop3A_30 {add = true} : memref<10000xf32, #tpu.memory_space<vmem>>[vector<16xi32>], vector<16xf32>,
    } {sc.loop_unroll_factor = 5 : i64, sc.parallel_access}
    "tpu.region"() ({
      %run_scoped3A = tpu.sem_alloc : memref<!tpu.dma_semaphore, #tpu.memory_space<semaphore_mem>>
      %dma_start3A = arith.constant 0 : i32
      %dma_start3A_16 = tpu.memref_slice %arg6[%add3A, %dma_start3A] : memref<32x10000xf32, #tpu.memory_space<hbm>> -> memref<1x10000xf32, #tpu.memory_space<hbm>>
      %dma_start3A_17 = tpu.memref_squeeze %dma_start3A_16 : memref<1x10000xf32, #tpu.memory_space<hbm>> -> memref<10000xf32, #tpu.memory_space<hbm>>
      %dma_start3A_18 = arith.constant 0 : i32
      %dma_start3A_19 = tpu.memref_slice %arg6[%add3A, %dma_start3A_18] : memref<32x10000xf32, #tpu.memory_space<hbm>> -> memref<1x10000xf32, #tpu.memory_space<hbm>>
      %dma_start3A_20 = tpu.memref_squeeze %dma_start3A_19 : memref<1x10000xf32, #tpu.memory_space<hbm>> -> memref<10000xf32, #tpu.memory_space<hbm>>
      tpu.enqueue_dma source(%arg8 : memref<10000xf32, #tpu.memory_space<vmem>>) target(%dma_start3A_20 : memref<10000xf32, #tpu.memory_space<hbm>>) target_semaphore(%run_scoped3A : memref<!tpu.dma_semaphore, #tpu.memory_space<semaphore_mem>>)
      %dma_wait3A = arith.constant 0 : i32
      %dma_wait3A_21 = tpu.memref_slice %arg6[%add3A, %dma_wait3A] : memref<32x10000xf32, #tpu.memory_space<hbm>> -> memref<1x10000xf32, #tpu.memory_space<hbm>>
      %dma_wait3A_22 = tpu.memref_squeeze %dma_wait3A_21 : memref<1x10000xf32, #tpu.memory_space<hbm>> -> memref<10000xf32, #tpu.memory_space<hbm>>
      %dma_wait3A_23 = arith.constant 0 : i32
      %dma_wait3A_24 = tpu.memref_slice %arg6[%add3A, %dma_wait3A_23] : memref<32x10000xf32, #tpu.memory_space<hbm>> -> memref<1x10000xf32, #tpu.memory_space<hbm>>
      %dma_wait3A_25 = tpu.memref_squeeze %dma_wait3A_24 : memref<1x10000xf32, #tpu.memory_space<hbm>> -> memref<10000xf32, #tpu.memory_space<hbm>>
      tpu.wait_dma2 semaphore(%run_scoped3A : memref<!tpu.dma_semaphore, #tpu.memory_space<semaphore_mem>>) src(%arg8 : memref<10000xf32, #tpu.memory_space<vmem>>) dst(%dma_wait3A_25 : memref<10000xf32, #tpu.memory_space<hbm>>)
      tpu.yield
    }) : () -> ()
    return
  }
}

module attributes {stable_mosaic.version = 14 : i64} {
  func.func @body(%arg0: memref<10000x128xf32, #tpu.memory_space<vmem>>, %arg1: memref<128x128xf32, #tpu.memory_space<vmem>>, %arg2: memref<32x10000xf32, #tpu.memory_space<vmem>>, %arg3: memref<128x10000xf32, #tpu.memory_space<vmem>>, %arg4: memref<1x10000xf32, #tpu.memory_space<vmem>>) attributes {dimension_semantics = [], scalar_prefetch = 0 : i64, scratch_operands = 0 : i64, tpu.core_type = #tpu.core_type<tc>} {
    %get3A = arith.constant 0 : index
    %get3A_0 = arith.constant 0 : index
    %get3A_1 = vector.load %arg2[%get3A, %get3A_0] : memref<32x10000xf32, #tpu.memory_space<vmem>>, vector<32x10000xf32>
    %reduce_sum3A = arith.constant dense<0.000000e+00> : vector<10000xf32>
    %reduce_sum3A_2 = vector.multi_reduction <add>, %get3A_1, %reduce_sum3A [0] : vector<32x10000xf32> to vector<10000xf32>
    %broadcast_in_dim3A = vector.shape_cast %reduce_sum3A_2 : vector<10000xf32> to vector<1x10000xf32>
    %add3A = arith.constant 1.000000e+00 : f32
    %add3A_3 = vector.broadcast %add3A : f32 to vector<1x10000xf32>
    %add3A_4 = arith.addf %add3A_3, %broadcast_in_dim3A : vector<1x10000xf32>
    %gt3A = arith.constant 0.000000e+00 : f32
    %gt3A_5 = vector.broadcast %gt3A : f32 to vector<1x10000xf32>
    %gt3A_6 = arith.cmpf ogt, %add3A_4, %gt3A_5 : vector<1x10000xf32>
    %rsqrt3A = math.rsqrt %add3A_4 : vector<1x10000xf32>
    %jit3A = arith.constant 0.000000e+00 : f32
    %broadcast_in_dim3A_7 = vector.broadcast %jit3A : f32 to vector<1x10000xf32>
    %select_n3A = arith.select %gt3A_6, %rsqrt3A, %broadcast_in_dim3A_7 : vector<1x10000xi1>, vector<1x10000xf32>
    %get3A_8 = arith.constant 0 : index
    %get3A_9 = arith.constant 0 : index
    %get3A_10 = vector.load %arg1[%get3A_8, %get3A_9] : memref<128x128xf32, #tpu.memory_space<vmem>>, vector<128x128xf32>
    %get3A_11 = arith.constant 0 : index
    %get3A_12 = arith.constant 0 : index
    %get3A_13 = vector.load %arg0[%get3A_11, %get3A_12] : memref<10000x128xf32, #tpu.memory_space<vmem>>, vector<10000x128xf32>
    %dot_general3A = arith.constant dense<0.000000e+00> : vector<128x10000xf32>
    %dot_general3A_14 = tpu.matmul %get3A_10, %get3A_13, %dot_general3A {dimension_numbers = #tpu.dot_dimension_numbers<[0], [1], [1], [0], [0, 1, 1, 0], [], []>, transpose_lhs_hint = false} : vector<128x128xf32>, vector<10000x128xf32>, vector<128x10000xf32> -> vector<128x10000xf32>
    %mul3A = vector.broadcast %select_n3A : vector<1x10000xf32> to vector<128x10000xf32>
    %mul3A_15 = arith.mulf %dot_general3A_14, %mul3A : vector<128x10000xf32>
    %swap3A = arith.constant 0 : index
    %swap3A_16 = arith.constant 0 : index
    %swap3A_17 = vector.load %arg3[%swap3A, %swap3A_16] : memref<128x10000xf32, #tpu.memory_space<vmem>>, vector<128x10000xf32>
    tpu.vector_store %arg3[%swap3A, %swap3A_16], %mul3A_15 {strides = array<i32>} : memref<128x10000xf32, #tpu.memory_space<vmem>>, vector<128x10000xf32>,
    %swap3A_18 = arith.constant 0 : index
    %swap3A_19 = arith.constant 0 : index
    %swap3A_20 = vector.load %arg4[%swap3A_18, %swap3A_19] : memref<1x10000xf32, #tpu.memory_space<vmem>>, vector<1x10000xf32>
    tpu.vector_store %arg4[%swap3A_18, %swap3A_19], %select_n3A {strides = array<i32>} : memref<1x10000xf32, #tpu.memory_space<vmem>>, vector<1x10000xf32>,
    return
  }
}

module attributes {stable_mosaic.version = 14 : i64} {
  func.func @body(%arg0: memref<128x10000xf32, #tpu.memory_space<vmem>>, %arg1: memref<128x10000xf32, #tpu.memory_space<vmem>>, %arg2: memref<1x10000xf32, #tpu.memory_space<vmem>>, %arg3: memref<128x1xf32, #tpu.memory_space<vmem>>, %arg4: memref<128x1xf32, #tpu.memory_space<vmem>>, %arg5: memref<128x1xf32, #tpu.memory_space<vmem>>, %arg6: memref<128x128xf32, #tpu.memory_space<vmem>>, %arg7: memref<128x10000xf32, #tpu.memory_space<vmem>>) attributes {dimension_semantics = [], scalar_prefetch = 0 : i64, scratch_operands = 0 : i64, tpu.core_type = #tpu.core_type<tc>} {
    %get3A = arith.constant 0 : index
    %get3A_0 = arith.constant 0 : index
    %get3A_1 = vector.load %arg2[%get3A, %get3A_0] : memref<1x10000xf32, #tpu.memory_space<vmem>>, vector<1x10000xf32>
    %get3A_2 = arith.constant 0 : index
    %get3A_3 = arith.constant 0 : index
    %get3A_4 = vector.load %arg0[%get3A_2, %get3A_3] : memref<128x10000xf32, #tpu.memory_space<vmem>>, vector<128x10000xf32>
    %get3A_5 = arith.constant 0 : index
    %get3A_6 = arith.constant 0 : index
    %get3A_7 = vector.load %arg1[%get3A_5, %get3A_6] : memref<128x10000xf32, #tpu.memory_space<vmem>>, vector<128x10000xf32>
    %add3A = arith.addf %get3A_4, %get3A_7 : vector<128x10000xf32>
    %mul3A = vector.broadcast %get3A_1 : vector<1x10000xf32> to vector<128x10000xf32>
    %mul3A_8 = arith.mulf %mul3A, %add3A : vector<128x10000xf32>
    %get3A_9 = arith.constant 0 : index
    %get3A_10 = arith.constant 0 : index
    %get3A_11 = vector.load %arg3[%get3A_9, %get3A_10] : memref<128x1xf32, #tpu.memory_space<vmem>>, vector<128x1xf32>
    %add3A_12 = vector.broadcast %get3A_11 : vector<128x1xf32> to vector<128x10000xf32>
    %add3A_13 = arith.addf %mul3A_8, %add3A_12 : vector<128x10000xf32>
    %reduce_sum3A = arith.constant dense<0.000000e+00> : vector<128xf32>
    %reduce_sum3A_14 = vector.multi_reduction <add>, %add3A_13, %reduce_sum3A [1] : vector<128x10000xf32> to vector<128xf32>
    %broadcast_in_dim3A = vector.shape_cast %reduce_sum3A_14 : vector<128xf32> to vector<128x1xf32>
    %div3A = arith.constant 1.000000e+04 : f32
    %div3A_15 = vector.broadcast %div3A : f32 to vector<128x1xf32>
    %div3A_16 = arith.divf %broadcast_in_dim3A, %div3A_15 : vector<128x1xf32>
    %sub3A = vector.broadcast %div3A_16 : vector<128x1xf32> to vector<128x10000xf32>
    %sub3A_17 = arith.subf %add3A_13, %sub3A : vector<128x10000xf32>
    %mul3A_18 = arith.mulf %sub3A_17, %sub3A_17 : vector<128x10000xf32>
    %reduce_sum3A_19 = arith.constant dense<0.000000e+00> : vector<128xf32>
    %reduce_sum3A_20 = vector.multi_reduction <add>, %mul3A_18, %reduce_sum3A_19 [1] : vector<128x10000xf32> to vector<128xf32>
    %broadcast_in_dim3A_21 = vector.shape_cast %reduce_sum3A_20 : vector<128xf32> to vector<128x1xf32>
    %div3A_22 = arith.constant 1.000000e+04 : f32
    %div3A_23 = vector.broadcast %div3A_22 : f32 to vector<128x1xf32>
    %div3A_24 = arith.divf %broadcast_in_dim3A_21, %div3A_23 : vector<128x1xf32>
    %add3A_25 = arith.constant 9.99999974E-6 : f32
    %add3A_26 = vector.broadcast %add3A_25 : f32 to vector<128x1xf32>
    %add3A_27 = arith.addf %div3A_24, %add3A_26 : vector<128x1xf32>
    %rsqrt3A = math.rsqrt %add3A_27 : vector<128x1xf32>
    %mul3A_28 = vector.broadcast %rsqrt3A : vector<128x1xf32> to vector<128x10000xf32>
    %mul3A_29 = arith.mulf %sub3A_17, %mul3A_28 : vector<128x10000xf32>
    %get3A_30 = arith.constant 0 : index
    %get3A_31 = arith.constant 0 : index
    %get3A_32 = vector.load %arg4[%get3A_30, %get3A_31] : memref<128x1xf32, #tpu.memory_space<vmem>>, vector<128x1xf32>
    %mul3A_33 = vector.broadcast %get3A_32 : vector<128x1xf32> to vector<128x10000xf32>
    %mul3A_34 = arith.mulf %mul3A_29, %mul3A_33 : vector<128x10000xf32>
    %get3A_35 = arith.constant 0 : index
    %get3A_36 = arith.constant 0 : index
    %get3A_37 = vector.load %arg5[%get3A_35, %get3A_36] : memref<128x1xf32, #tpu.memory_space<vmem>>, vector<128x1xf32>
    %add3A_38 = vector.broadcast %get3A_37 : vector<128x1xf32> to vector<128x10000xf32>
    %add3A_39 = arith.addf %mul3A_34, %add3A_38 : vector<128x10000xf32>
    %max3A = arith.constant 0.000000e+00 : f32
    %max3A_40 = vector.broadcast %max3A : f32 to vector<128x10000xf32>
    %max3A_41 = arith.maximumf %add3A_39, %max3A_40 : vector<128x10000xf32>
    %get3A_42 = arith.constant 0 : index
    %get3A_43 = arith.constant 0 : index
    %get3A_44 = vector.load %arg6[%get3A_42, %get3A_43] : memref<128x128xf32, #tpu.memory_space<vmem>>, vector<128x128xf32>
    %dot_general3A = arith.constant dense<0.000000e+00> : vector<128x10000xf32>
    %dot_general3A_45 = tpu.matmul %get3A_44, %max3A_41, %dot_general3A {dimension_numbers = #tpu.dot_dimension_numbers<[0], [0], [1], [1], [0, 1, 1, 1], [], []>, transpose_lhs_hint = false} : vector<128x128xf32>, vector<128x10000xf32>, vector<128x10000xf32> -> vector<128x10000xf32>
    %mul3A_46 = vector.broadcast %get3A_1 : vector<1x10000xf32> to vector<128x10000xf32>
    %mul3A_47 = arith.mulf %dot_general3A_45, %mul3A_46 : vector<128x10000xf32>
    %swap3A = arith.constant 0 : index
    %swap3A_48 = arith.constant 0 : index
    %swap3A_49 = vector.load %arg7[%swap3A, %swap3A_48] : memref<128x10000xf32, #tpu.memory_space<vmem>>, vector<128x10000xf32>
    tpu.vector_store %arg7[%swap3A, %swap3A_48], %mul3A_47 {strides = array<i32>} : memref<128x10000xf32, #tpu.memory_space<vmem>>, vector<128x10000xf32>,
    return
  }
}

module attributes {stable_mosaic.version = 14 : i64} {
  func.func @body(%arg0: memref<128x10000xf32, #tpu.memory_space<vmem>>, %arg1: memref<128x10000xf32, #tpu.memory_space<vmem>>, %arg2: memref<1x10000xf32, #tpu.memory_space<vmem>>, %arg3: memref<128x1xf32, #tpu.memory_space<vmem>>, %arg4: memref<128x1xf32, #tpu.memory_space<vmem>>, %arg5: memref<128x1xf32, #tpu.memory_space<vmem>>, %arg6: memref<128x1xf32, #tpu.memory_space<vmem>>, %arg7: memref<1x10000xf32, #tpu.memory_space<vmem>>) attributes {dimension_semantics = [], scalar_prefetch = 0 : i64, scratch_operands = 0 : i64, tpu.core_type = #tpu.core_type<tc>} {
    %get3A = arith.constant 0 : index
    %get3A_0 = arith.constant 0 : index
    %get3A_1 = vector.load %arg2[%get3A, %get3A_0] : memref<1x10000xf32, #tpu.memory_space<vmem>>, vector<1x10000xf32>
    %get3A_2 = arith.constant 0 : index
    %get3A_3 = arith.constant 0 : index
    %get3A_4 = vector.load %arg0[%get3A_2, %get3A_3] : memref<128x10000xf32, #tpu.memory_space<vmem>>, vector<128x10000xf32>
    %get3A_5 = arith.constant 0 : index
    %get3A_6 = arith.constant 0 : index
    %get3A_7 = vector.load %arg1[%get3A_5, %get3A_6] : memref<128x10000xf32, #tpu.memory_space<vmem>>, vector<128x10000xf32>
    %add3A = arith.addf %get3A_4, %get3A_7 : vector<128x10000xf32>
    %mul3A = vector.broadcast %get3A_1 : vector<1x10000xf32> to vector<128x10000xf32>
    %mul3A_8 = arith.mulf %mul3A, %add3A : vector<128x10000xf32>
    %get3A_9 = arith.constant 0 : index
    %get3A_10 = arith.constant 0 : index
    %get3A_11 = vector.load %arg3[%get3A_9, %get3A_10] : memref<128x1xf32, #tpu.memory_space<vmem>>, vector<128x1xf32>
    %add3A_12 = vector.broadcast %get3A_11 : vector<128x1xf32> to vector<128x10000xf32>
    %add3A_13 = arith.addf %mul3A_8, %add3A_12 : vector<128x10000xf32>
    %reduce_sum3A = arith.constant dense<0.000000e+00> : vector<128xf32>
    %reduce_sum3A_14 = vector.multi_reduction <add>, %add3A_13, %reduce_sum3A [1] : vector<128x10000xf32> to vector<128xf32>
    %broadcast_in_dim3A = vector.shape_cast %reduce_sum3A_14 : vector<128xf32> to vector<128x1xf32>
    %div3A = arith.constant 1.000000e+04 : f32
    %div3A_15 = vector.broadcast %div3A : f32 to vector<128x1xf32>
    %div3A_16 = arith.divf %broadcast_in_dim3A, %div3A_15 : vector<128x1xf32>
    %sub3A = vector.broadcast %div3A_16 : vector<128x1xf32> to vector<128x10000xf32>
    %sub3A_17 = arith.subf %add3A_13, %sub3A : vector<128x10000xf32>
    %mul3A_18 = arith.mulf %sub3A_17, %sub3A_17 : vector<128x10000xf32>
    %reduce_sum3A_19 = arith.constant dense<0.000000e+00> : vector<128xf32>
    %reduce_sum3A_20 = vector.multi_reduction <add>, %mul3A_18, %reduce_sum3A_19 [1] : vector<128x10000xf32> to vector<128xf32>
    %broadcast_in_dim3A_21 = vector.shape_cast %reduce_sum3A_20 : vector<128xf32> to vector<128x1xf32>
    %div3A_22 = arith.constant 1.000000e+04 : f32
    %div3A_23 = vector.broadcast %div3A_22 : f32 to vector<128x1xf32>
    %div3A_24 = arith.divf %broadcast_in_dim3A_21, %div3A_23 : vector<128x1xf32>
    %add3A_25 = arith.constant 9.99999974E-6 : f32
    %add3A_26 = vector.broadcast %add3A_25 : f32 to vector<128x1xf32>
    %add3A_27 = arith.addf %div3A_24, %add3A_26 : vector<128x1xf32>
    %rsqrt3A = math.rsqrt %add3A_27 : vector<128x1xf32>
    %mul3A_28 = vector.broadcast %rsqrt3A : vector<128x1xf32> to vector<128x10000xf32>
    %mul3A_29 = arith.mulf %sub3A_17, %mul3A_28 : vector<128x10000xf32>
    %get3A_30 = arith.constant 0 : index
    %get3A_31 = arith.constant 0 : index
    %get3A_32 = vector.load %arg4[%get3A_30, %get3A_31] : memref<128x1xf32, #tpu.memory_space<vmem>>, vector<128x1xf32>
    %mul3A_33 = vector.broadcast %get3A_32 : vector<128x1xf32> to vector<128x10000xf32>
    %mul3A_34 = arith.mulf %mul3A_29, %mul3A_33 : vector<128x10000xf32>
    %get3A_35 = arith.constant 0 : index
    %get3A_36 = arith.constant 0 : index
    %get3A_37 = vector.load %arg5[%get3A_35, %get3A_36] : memref<128x1xf32, #tpu.memory_space<vmem>>, vector<128x1xf32>
    %add3A_38 = vector.broadcast %get3A_37 : vector<128x1xf32> to vector<128x10000xf32>
    %add3A_39 = arith.addf %mul3A_34, %add3A_38 : vector<128x10000xf32>
    %max3A = arith.constant 0.000000e+00 : f32
    %max3A_40 = vector.broadcast %max3A : f32 to vector<128x10000xf32>
    %max3A_41 = arith.maximumf %add3A_39, %max3A_40 : vector<128x10000xf32>
    %get3A_42 = arith.constant 0 : index
    %get3A_43 = arith.constant 0 : index
    %get3A_44 = vector.load %arg6[%get3A_42, %get3A_43] : memref<128x1xf32, #tpu.memory_space<vmem>>, vector<128x1xf32>
    %dot_general3A = arith.constant dense<0.000000e+00> : vector<1x10000xf32>
    %dot_general3A_45 = tpu.matmul %get3A_44, %max3A_41, %dot_general3A {dimension_numbers = #tpu.dot_dimension_numbers<[0], [0], [1], [1], [0, 1, 1, 1], [], []>, transpose_lhs_hint = false} : vector<128x1xf32>, vector<128x10000xf32>, vector<1x10000xf32> -> vector<1x10000xf32>
    %mul3A_46 = arith.mulf %dot_general3A_45, %get3A_1 : vector<1x10000xf32>
    %swap3A = arith.constant 0 : index
    %swap3A_47 = arith.constant 0 : index
    %swap3A_48 = vector.load %arg7[%swap3A, %swap3A_47] : memref<1x10000xf32, #tpu.memory_space<vmem>>, vector<1x10000xf32>
    tpu.vector_store %arg7[%swap3A, %swap3A_47], %mul3A_46 {strides = array<i32>} : memref<1x10000xf32, #tpu.memory_space<vmem>>, vector<1x10000xf32>,
    return
  }
}

module attributes {stable_mosaic.version = 14 : i64} {
  func.func @body(%arg0: memref<32x10000xf32, #tpu.memory_space<vmem>>, %arg1: memref<1x10000xf32, #tpu.memory_space<vmem>>, %arg2: memref<1x10000xf32, #tpu.memory_space<vmem>>, %arg3: memref<1x1xf32, #tpu.memory_space<vmem>>, %arg4: memref<1x10000xf32, #tpu.memory_space<vmem>>) attributes {dimension_semantics = [], scalar_prefetch = 0 : i64, scratch_operands = 0 : i64, tpu.core_type = #tpu.core_type<tc>} {
    %get3A = arith.constant 0 : index
    %get3A_0 = arith.constant 0 : index
    %get3A_1 = vector.load %arg0[%get3A, %get3A_0] : memref<32x10000xf32, #tpu.memory_space<vmem>>, vector<32x10000xf32>
    %reduce_sum3A = arith.constant dense<0.000000e+00> : vector<10000xf32>
    %reduce_sum3A_2 = vector.multi_reduction <add>, %get3A_1, %reduce_sum3A [0] : vector<32x10000xf32> to vector<10000xf32>
    %broadcast_in_dim3A = vector.shape_cast %reduce_sum3A_2 : vector<10000xf32> to vector<1x10000xf32>
    %get3A_3 = arith.constant 0 : index
    %get3A_4 = arith.constant 0 : index
    %get3A_5 = vector.load %arg2[%get3A_3, %get3A_4] : memref<1x10000xf32, #tpu.memory_space<vmem>>, vector<1x10000xf32>
    %get3A_6 = arith.constant 0 : index
    %get3A_7 = arith.constant 0 : index
    %get3A_8 = vector.load %arg1[%get3A_6, %get3A_7] : memref<1x10000xf32, #tpu.memory_space<vmem>>, vector<1x10000xf32>
    %add3A = arith.addf %broadcast_in_dim3A, %get3A_8 : vector<1x10000xf32>
    %mul3A = arith.mulf %get3A_5, %add3A : vector<1x10000xf32>
    %get3A_9 = arith.constant 0 : index
    %get3A_10 = arith.constant 0 : index
    %get3A_11 = vector.load %arg3[%get3A_9, %get3A_10] : memref<1x1xf32, #tpu.memory_space<vmem>>, vector<1x1xf32>
    %add3A_12 = vector.broadcast %get3A_11 : vector<1x1xf32> to vector<1x10000xf32>
    %add3A_13 = arith.addf %mul3A, %add3A_12 : vector<1x10000xf32>
    %swap3A = arith.constant 0 : index
    %swap3A_14 = arith.constant 0 : index
    %swap3A_15 = vector.load %arg4[%swap3A, %swap3A_14] : memref<1x10000xf32, #tpu.memory_space<vmem>>, vector<1x10000xf32>
    tpu.vector_store %arg4[%swap3A, %swap3A_14], %add3A_13 {strides = array<i32>} : memref<1x10000xf32, #tpu.memory_space<vmem>>, vector<1x10000xf32>,
    return
  }
}

</mosaic_0001>

<sc_bundles>
// kernel: kernel.10.cloned.1.call-start
scs
__scs_entry_jumppad:
0x0: {  	(pc) =	sbr.rel $0x88, $3  }
0x1: {  	(tag) =	ssettag $0x0;
	lr =	simm.s32 $0x1  }
0x2: {  	[smem:$0x3F94] =	sst lr;
	_ =	strace $0xD0000000  }
0x3: {  	_ = 	snop  }
0x4: {  	_ = 	snop  }
0x5: {  	_ = 	snop  }
0x6: {  	_ = 	snop  }
0x7: {  	_ = 	snop  }
__scs_overlays_trampoline_lowered:
0x8: {  	[smem:$0x3FA3] =	sst s0  }
0x9: {  	[smem:$0x3FA4] =	sst s1  }
0xa: {  	[smem:$0x3FA5] =	sst s2  }
0xb: {  	[smem:$0x3FA6] =	sst s3  }
0xc: {  	[smem:$0x3FA7] =	sst s4  }
0xd: {  	[smem:$0x3FA8] =	sst s5  }
0xe: {  	[smem:$0x3FA9] =	sst s6  }
0xf: {  	[smem:$0x3FAA] =	sst s7  }
0x10: {  	[smem:$0x3FAB] =	sst s8  }
0x11: {  	[smem:$0x3FAC] =	sst s9;
	s0 =	simm.s32 @!p0 $0x0  }
0x12: {  	s1 =	sld [smem:$0x3F92];
	s0 =	simm.s32 @p0 $0x1  }
0x13: {  	[smem:$0x3FAD] =	sst s0;
	s0 =	simm.s32 @!p1 $0x0  }
0x14: {  	s2 =	sld [smem:$0x3F91];
	s0 =	simm.s32 @p1 $0x1  }
0x15: {  	[smem:$0x3FAE] =	sst s0;
	s0 =	simm.s32 @!p2 $0x0  }
0x16: {  	s3 =	sld [smem:$0x3FDB];
	s0 =	simm.s32 @p2 $0x1  }
0x17: {  	s4 =	simm.s32 $0x1BF5;
	[smem:$0x3FB0] =	sst s0  }
0x18: {  	s0 =	sld [smem:$0x3F93];
	_ =	swait.ge [sflag:s4], $0x0  }
0x19: {  	s7 =	sld [smem:$0x3F94]  }
0x1a: {  	s8 =	sadd.s32 $0xFFFFE003, lr  }
0x1b: {  	s9 =	sadd.s32 $0xFFFFFEF7, lr;
	s5 =	simm.s32 $0xFFFFFFFF;
	p2 =	slt.u32 s8, $0xFFFFF086  }
0x1c: {  	p1 =	slt.u32 s9, $0xF7A;
	s5 =	simm.s32 @!p2 $0x0  }
0x1d: {  	s5 =	simm.s32 @p1 $0x1;
	p0 =	seq.s32 s7, s2  }
0x1e: {  	s7 =	smul.u32 @!p0 $0xF7A, s2;
	p2 =	seq.s32 @!p0 s5, $0x0  }
0x1f: {  	s9 =	smul.u32 $0xF7A, s1;
	s8 =	simm.s32 @!p0 $0x1BF5;
	p2 =	por !p2, p0  }
0x20: {  	[sflag:s8] =	ssyncset.s32 @!p0 $0xFFFFF086;
	s6 =	sadd.s32 @!p0 s3, s7;
	s7 =	simm.s32 @!p0 $0x108  }
0x21: {  	s3 =	sadd.s32 s3, s9;
	s6 =	sadd.s32 @!p0 $0x88, s6;
	s7 =	simm.s32 @p2 $0x1082  }
0x22: {  	[simem:s7], [sflag:s8] =	dma.local @!p0 [hbm:s6], $0xF7A  }
0x23: {  	s9 =	sor.u32 $0xD0000000, s2;
	s6 =	simm.s32 $0x108;
	_ =	swait.ge @!p0 [sflag:s8], $0x0  }
0x24: {  	s3 =	sadd.s32 $0x88, s3;
	s6 =	simm.s32 @!p1 $0x1082;
	[sflag:s4] =	ssyncset.s32 $0xFFFFF086  }
0x25: {  	[simem:s6], [sflag:s4] =	dma.local [hbm:s3], $0xF7A  }
0x26: {  	[smem:$0x3F94] =	sst s1;
	(tag) =	ssettag s2;
	_ =	strace s9  }
0x27: {  	s1 =	sld [smem:$0x3FA4]  }
0x28: {  	s2 =	sld [smem:$0x3FA5]  }
0x29: {  	s4 =	sld [smem:$0x3FA7]  }
0x2a: {  	p0 =	seq.s32 s5, $0x0;
	s5 =	sld [smem:$0x3FA8]  }
0x2b: {  	s6 =	sld [smem:$0x3FA9]  }
0x2c: {  	s7 =	sld [smem:$0x3FAA]  }
0x2d: {  	s3 =	simm.s32 $0x108;
	s8 =	sld [smem:$0x3FAB]  }
0x2e: {  	s3 =	simm.s32 @!p0 $0x1082;
	s9 =	sld [smem:$0x3FAC]  }
0x2f: {  	lr =	sadd.s32 s0, s3;
	s0 =	sld [smem:$0x3FA3]  }
0x30: {  	s3 =	sld [smem:$0x3FA6]  }
0x31: {  	[smem:$0x3FAF] =	sst s10  }
0x32: {  	s10 =	sld [smem:$0x3FAD];
	_ =	sdelay $0x3  }
0x33: {  	p0 =	seq.s32 s10, $0x1;
	s10 =	sld [smem:$0x3FAF];
	_ =	sdelay $0x3  }
0x34: {  	[smem:$0x3FAF] =	sst s10  }
0x35: {  	s10 =	sld [smem:$0x3FAE];
	_ =	sdelay $0x3  }
0x36: {  	p1 =	seq.s32 s10, $0x1;
	s10 =	sld [smem:$0x3FAF];
	_ =	sdelay $0x3  }
0x37: {  	[smem:$0x3FAF] =	sst s10  }
0x38: {  	s10 =	sld [smem:$0x3FB0]  }
0x39: {  	_ = 	snop;
	(pc) =	sbr.ind lr, $3  }
0x3a: {  	_ = 	snop  }
0x3b: {  	_ = 	snop  }
0x3c: {  	p2 =	seq.s32 s10, $0x1;
	s10 =	sld [smem:$0x3FAF]  }
0x3d: {  	_ =	shalt  }
0x3e: {  	_ =	shalt  }
0x3f: {  	_ =	shalt  }
0x40: {  	_ =	shalt  }
0x41: {  	_ =	shalt  }
0x42: {  	_ =	shalt  }
0x43: {  	_ =	shalt  }
0x44: {  	_ =	shalt  }
0x45: {  	_ =	shalt  }
0x46: {  	_ =	shalt  }
0x47: {  	_ =	shalt  }
0x48: {  	_ =	shalt  }
0x49: {  	_ =	shalt  }
0x4a: {  	_ =	shalt  }
0x4b: {  	_ =	shalt  }
0x4c: {  	_ =	shalt  }
0x4d: {  	_ =	shalt  }
0x4e: {  	_ =	shalt  }
0x4f: {  	_ =	shalt  }
0x50: {  	_ =	shalt  }
0x51: {  	_ =	shalt  }
0x52: {  	_ =	shalt  }
0x53: {  	_ =	shalt  }
0x54: {  	_ =	shalt  }
0x55: {  	_ =	shalt  }
0x56: {  	_ =	shalt  }
0x57: {  	_ =	shalt  }
0x58: {  	_ =	shalt  }
0x59: {  	_ =	shalt  }
0x5a: {  	_ =	shalt  }
0x5b: {  	_ =	shalt  }
0x5c: {  	_ =	shalt  }
0x5d: {  	_ =	shalt  }
0x5e: {  	_ =	shalt  }
0x5f: {  	_ =	shalt  }
0x60: {  	_ =	shalt  }
0x61: {  	_ =	shalt  }
0x62: {  	_ =	shalt  }
0x63: {  	_ =	shalt  }
0x64: {  	_ =	shalt  }
0x65: {  	_ =	shalt  }
0x66: {  	_ =	shalt  }
0x67: {  	_ =	shalt  }
0x68: {  	_ =	shalt  }
0x69: {  	_ =	shalt  }
0x6a: {  	_ =	shalt  }
0x6b: {  	_ =	shalt  }
0x6c: {  	_ =	shalt  }
0x6d: {  	_ =	shalt  }
0x6e: {  	_ =	shalt  }
0x6f: {  	_ =	shalt  }
0x70: {  	_ =	shalt  }
0x71: {  	_ =	shalt  }
0x72: {  	_ =	shalt  }
0x73: {  	_ =	shalt  }
0x74: {  	_ =	shalt  }
0x75: {  	_ =	shalt  }
0x76: {  	_ =	shalt  }
0x77: {  	_ =	shalt  }
0x78: {  	_ =	shalt  }
0x79: {  	_ =	shalt  }
0x7a: {  	_ =	shalt  }
0x7b: {  	_ =	shalt  }
0x7c: {  	_ =	shalt  }
0x7d: {  	_ =	shalt  }
0x7e: {  	_ =	shalt  }
0x7f: {  	_ =	shalt  }
0x80: {  	_ =	shalt  }
0x81: {  	_ =	shalt  }
0x82: {  	_ =	shalt  }
0x83: {  	_ =	shalt  }
0x84: {  	_ =	shalt  }
0x85: {  	_ =	shalt  }
0x86: {  	_ =	shalt  }
0x87: {  	_ =	shalt  }
.Lfunc_end0:
.L_simem_size_0:
called_computation_lowered:
.L_overlay_start_0:
0x88: {  	s2 =	sld [smem:$0x3FD9]  }
0x89: {  	s3 =	sld [smem:$0x3FFE];
	_ =	sdelay $0x1  }
0x8a: {  	s1 =	srdreg.scid  }
0x8b: {  	s0 =	sand.u32 $0x1, s1  }
0x8c: {  	s17 =	sshll.u32 s0, $0xA;
	s2 =	sadd.s32 s3, s2  }
0x8d: {  	s2 =	sadd.s32 s2, s17  }
0x8e: {  	[smem:$0x3FBB] =	sst s2  }
0x8f: {  	_ = 	snop  }
0x90: {  	s2 =	sld [smem:$0x3FC7];
	(tm) =	ssettm $0x1  }
0x91: {  	s18 =	sld [smem:$0x3FFB];
	_ =	sdelay $0x3  }
0x92: {  	_ =	strace s18  }
0x93: {  	s3 =	sld [smem:$0x3FFC];
	_ =	sdelay $0x3  }
0x94: {  	_ =	strace s3  }
0x95: {  	s3 =	sld [smem:$0x3FFD];
	_ =	sdelay $0x3  }
0x96: {  	_ =	strace s3  }
0x97: {  	_ =	strace $0x8FFFFFFF  }
0x98: {  	s19 =	sld [smem:$0x3FDB];
	_ =	sdelay $0x1  }
0x99: {  	s4 =	simm.s32 $_scs_section_size  }
0x9a: {  	s5 =	simm.s32 $_size__tile_overlayer_lowered;
	s6 =	simm.s32 $_tile_overlayer_lowered  }
0x9b: {  	s22 =	simm.s32 $0x1BFF;
	s21 =	sshll.u32 s6, $0x1;
	s3 =	sadd.s32 s4, s19  }
0x9c: {  	s7 =	simm.s32 $0x0;
	s20 =	sshll.u32 s5, $0x1;
	s5 =	sadd.s32 s21, s3  }
0x9d: {  	[timem:s7], [sflag:s22] =	dma.local [hbm:s5], s20  }
0x9e: {  	_ =	swait.ge [sflag:s22], s20  }
0x9f: {  	s4 =	ssub.s32 $0x0, s20;
	[sflag:s22] =	ssyncset.done $0x0  }
0xa0: {  	[sflag:s22] =	ssyncadd.s32 s4;
	_ =	sdelay $0x1  }
0xa1: {  	s23 =	simm.s32 $0x1B8B  }
0xa2: {  	_ =	swait.ge [sflag:s23], $0x1  }
0xa3: {  	[sflag:s23] =	ssyncset.done $0x0  }
0xa4: {  	s25 =	simm.s32 $0x1B8E;
	s24 =	sld [smem:$0x3FFE];
	[sflag:s23] =	ssyncadd.s32 $0xFFFFFFFF  }
0xa5: {  	s26 =	simm.s32 $execute0_lowered;
	[smem:$0x3FD2] =	sst s25  }
0xa6: {  	s5 =	sshll.u32 s26, $0x1;
	_ =	strace $0x80000046;
	[dreg:$0x1] =	wrdreg $0xFFFFFFFF  }
0xa7: {  	s28 =	simm.s32 $_size_execute0_lowered;
	s3 =	sadd.s32 s3, s5;
	[dreg:$0x0] =	wrdreg $0x0  }
0xa8: {  	s5 =	sshll.u32 s28, $0x1;
	[dreg:$0x2] =	wrdreg s3  }
0xa9: {  	[dreg:$0x3] =	wrdreg s5  }
0xaa: {  	[dreg:$0x4] =	wrdreg $0xC0  }
0xab: {  	_ =	task [dreg:s7], $0x5FFFF  }
0xac: {  	[dreg:$0x1] =	wrdreg $0xFFFFFFFF  }
0xad: {  	[dreg:$0x0] =	wrdreg $0x60  }
0xae: {  	[dreg:$0x2] =	wrdreg s24  }
0xaf: {  	[dreg:$0x3] =	wrdreg s2  }
0xb0: {  	[dreg:$0x4] =	wrdreg $0x9  }
0xb1: {  	_ =	task.clear_ibuf [dreg:s7], $0x5FFFF;
	_ =	strace $0x90000046  }
0xb2: {  	s29 =	simm.s32 $0x9;
	_ =	strace $0x80000048  }
0xb3: {  	_ =	swait.ge [sflag:s29], $0x1  }
0xb4: {  	[sflag:s29] =	ssyncadd.s32 $0xFFFFFFFF  }
0xb5: {  	_ =	strace $0x90000048  }
0xb6: {  	_ =	sfence  }
0xb7: {  	s30 =	sld [smem:$0x0];
	_ =	sdelay $0x2  }
0xb8: {  	s31 =	sshll.u32 s1, $0xD;
	s1 =	sshrl.u32 s1, $0x2  }
0xb9: {  	s3 =	sand.u32 $0x4000, s31;
	s1 =	sadd.s32 s1, s30  }
0xba: {  	s0 =	sor.u32 s3, s0;
	s1 =	sshll.u32 s1, $0x11  }
0xbb: {  	s0 =	sor.u32 s1, s0  }
0xbc: {  	s0 =	sadd.s32 $0x8F2B, s0  }
0xbd: {  	[sflag:s0] =	ssyncadd.remote.s32 $0x1  }
0xbe: {  	_ =	sfence.sel $0xFFFF  }
0xbf: {  	[dreg:$0x0] =	wrdreg $0xFFFFFFFF;
	(pc) =	sbr.abs _section_cstart, $3  }
0xc0: {  	[dreg:$0x1] =	wrdreg $0xFFFFFFFF  }
0xc1: {  	_ =	task.clear_ibuf [dreg:s7], $0x2FFFF;
	_ =	strace $0x9FFFFFFF  }
0xc2: {  	(tm) =	ssettm $0x7FFFFFFF  }
0xc3: {  	_ =	shalt  }
tec
execute0_lowered:
.L_overlay_start_1:
0x0: {  	(tag) =	ssettag $0x1  }
0x1: {  	s4 =	rddreg [dreg:$0x0]  }
0x2: {  	s0 =	srdreg.scid;
	s5 =	rddreg [dreg:$0x1]  }
0x3: {  	s2 =	simm.s32 $0x0;
	s10 =	simm.s32 $0x80;
	s3 =	sand.u32 $0x1, s0  }
0x4: {  	s11 =	simm.s32 $0x400;
	s0 =	stileid.u32;
	s1 =	sshll.u32 s3, $0x4  }
0x5: {  	s12 =	simm.s32 $0x0;
	[smem:$0x7FF] =	sst s2;
	s6 =	sor.u32 s0, s1  }
0x6: {  	s8 =	sshll.u32 s0, $0x7;
	s7 =	sshrl.u32 s6, $0x3;
	s6 =	smul.u32 $0x4E2, s6  }
0x7: {  	s3 =	ssub.s32 $0x2, s3;
	s1 =	rddreg [dreg:$0x2];
	s7 =	smul.u32 $0x13C00, s7  }
0x8: {  	s8 =	sand.u32 $0x380, s8;
	_ =	strace $0x80000047;
	s9 =	sshrl.u32 s3, $0x1  }
0x9: {  	s9 =	ssub.s32 s3, s9;
	s31 =	sadd.s32 s6, s4;
	s7 =	sor.u32 s8, s7  }
0xa: {  	s3 =	sadd.s32 $0xC000, s31;
	s8 =	simm.s32 $0x1;
	s7 =	sshrl.u32 s7, $0x3  }
0xb: {  	s7 =	sadd.s32 s7, s4;
	s4 =	sadd.s32 s5, s6;
	s6 =	smax.u32 s9, $0x1  }
0xc: {  	v0 =	vimm.f32 $0.0e+00;
	s9 =	simm.s32 $0x4F00;
	s5 =	sadd.s32 $0x15E00, s7;
	s7 =	simm.s32 $0x2780  }
.LBB2_1:
0xd: {  	s13 =	simm.s32 $0x40;
	s14 =	simm.s32 $0x0  }
.LBB2_2:
0xe: {  	p0 =	sne.s32 s13, $0x9C00;
	[tilespmem:s14+$0x0] =	vst v0;
	s14 =	smov.u32 s13;
	s13 =	sadd.s32 $0x40, s13  }
.Ltmp0:
0xf: {  	(pc) =	sbr.rel @p0 .LBB2_2-.Ltmp0, $2  }
0x10: {  	_ =	sdelay $0x2  }
0x11: {  	s14 =	sshra.s32 s14, $0x2  }
0x12: {  	[tilespmem:s14+$0x0] =	vst v0  }
0x13: {  	[tilespmem:s7], [sflag:$0x1] =	stream.linear.gather [hbm4b:s3+s2], $0x2710, $0x38;
	[tilespmem:$0x7680] =	vst v63  }
0x14: {  	_ =	swait.ge [sflag:s8], $0x2710  }
0x15: {  	[sflag:s8] =	ssyncset.done $0x0  }
0x16: {  	[sflag:s8] =	ssyncadd.s32 $0xFFFFD8F0  }
0x17: {  	[tilespmem:s9], [sflag:$0x1] =	stream.linear.gather [hbm4b:s4+s2], $0x2710, $0x38;
	[tilespmem:$0x7680] =	vst v63  }
0x18: {  	_ =	swait.ge [sflag:s8], $0x2710  }
0x19: {  	[sflag:s8] =	ssyncset.done $0x0  }
0x1a: {  	s31 =	simm.s32 $0x27A0;
	[sflag:s8] =	ssyncadd.s32 $0xFFFFD8F0  }
0x1b: {  	v1 =	vld [tilespmem:s31+$0x20]  }
0x1c: {  	s13 =	simm.s32 $0x4F20;
	v3 =	vld [tilespmem:s31+$0xFFFFFFF0]  }
0x1d: {  	v2 =	vld [tilespmem:s13+$0x20]  }
0x1e: {  	v4 =	vld [tilespmem:s31+$0x0]  }
0x1f: {  	v5 =	vld [tilespmem:s31+$0xFFFFFFE0]  }
0x20: {  	v6 =	vld [tilespmem:s13+$0xFFFFFFE0]  }
0x21: {  	v7 =	vld [tilespmem:s13+$0xFFFFFFF0]  }
0x22: {  	v8 =	vld [tilespmem:s13+$0x0]  }
0x23: {  	[tilespmem:v1+s2+$0x0] =	vst.idx.add.f32.msk $0xffff, v2  }
0x24: {  	v2 =	vld [tilespmem:s13+$0x10]  }
0x25: {  	v1 =	vld [tilespmem:s31+$0x10]  }
0x26: {  	[tilespmem:v3+s2+$0x0] =	vst.idx.add.f32.msk $0xffff, v7  }
0x27: {  	[tilespmem:v5+s2+$0x0] =	vst.idx.add.f32.msk $0xffff, v6  }
0x28: {  	s14 =	simm.s32 $0x0;
	s15 =	simm.s32 $0x27F0;
	[tilespmem:v4+s2+$0x0] =	vst.idx.add.f32.msk $0xffff, v8  }
.LBB2_4:
0x29: {  	v3 =	vld [tilespmem:s15+$0x20];
	s14 =	sadd.s32 $0x5, s14;
	v4 =	vmov v2  }
0x2a: {  	v5 =	vld [tilespmem:s15+$0xFFFFFFF0];
	p0 =	slt.u32 s14, $0x26C  }
0x2b: {  	s13 =	sadd.s32 $0x50, s13;
	v6 =	vld [tilespmem:s15+$0x0]  }
0x2c: {  	v2 =	vld [tilespmem:s13+$0x20]  }
0x2d: {  	v7 =	vld [tilespmem:s15+$0x10]  }
0x2e: {  	v8 =	vld [tilespmem:s15+$0xFFFFFFE0]  }
0x2f: {  	v9 =	vld [tilespmem:s13+$0xFFFFFFE0]  }
0x30: {  	v10 =	vld [tilespmem:s13+$0xFFFFFFF0]  }
0x31: {  	[tilespmem:v3+s2+$0x0] =	vst.idx.add.f32.msk $0xffff, v2  }
0x32: {  	v3 =	vld [tilespmem:s13+$0x0]  }
.Ltmp1:
0x33: {  	v2 =	vld [tilespmem:s13+$0x10];
	(pc) =	sbr.rel @p0 .LBB2_4-.Ltmp1, $4  }
0x34: {  	[tilespmem:v1+s2+$0x0] =	vst.idx.add.f32.msk $0xffff, v4;
	v1 =	vmov v7  }
0x35: {  	[tilespmem:v5+s2+$0x0] =	vst.idx.add.f32.msk $0xffff, v10  }
0x36: {  	[tilespmem:v8+s2+$0x0] =	vst.idx.add.f32.msk $0xffff, v9  }
0x37: {  	s15 =	sadd.s32 $0x50, s15;
	[tilespmem:v6+s2+$0x0] =	vst.idx.add.f32.msk $0xffff, v3  }
0x38: {  	_ =	sdelay $0x1  }
0x39: {  	s12 =	sadd.s32 $0x1, s12  }
0x3a: {  	p0 =	sne.s32 s12, s6  }
.Ltmp2:
0x3b: {  	[tilespmem:v1+s2+$0x0] =	vst.idx.add.f32.msk $0xffff, v2;
	(pc) =	sbr.rel @p0 .LBB2_1-.Ltmp2, $4  }
0x3c: {  	[hbm4b:s5+s10] =	stream.strided.scatter [tilespmem:s2], [sflag:$0x1], $0x2780, s11, s10, $0x38;
	[tilespmem:$0x7680] =	vst v63  }
0x3d: {  	_ =	swait.ge [sflag:s8], $0x2780  }
0x3e: {  	[sflag:s8] =	ssyncset.done $0x0  }
0x3f: {  	[sflag:s8] =	ssyncadd.s32 $0xFFFFD880  }
0x40: {  	_ =	sfence.sel $0x180000  }
0x41: {  	[bflag:$0x0] =	sbarrier.arrive $0xFFFF  }
0x42: {  	p0 =	sne.s32 s0, $0x0;
	_ =	strace $0x90000047  }
0x43: {  	s0 =	sadd.s32 @!p0 $0x100000, s1;
	[bflag:$0x2] =	sbarrier.arrive $0xFFFF  }
0x44: {  	[sflag:s0] =	ssyncadd.tile.s32 @!p0 $0x1;
	_ =	shalt  }
.Lfunc_end2:
_tile_overlayer_lowered:
.L_overlay_start_2:
0x45: {  	(tag) =	ssettag $0x2  }
0x46: {  	s0 =	rddreg [dreg:$0x0];
	s2 =	stileid.u32  }
0x47: {  	s1 =	rddreg [dreg:$0x1];
	p0 =	sne.s32 s2, $0x0  }
0x48: {  	s3 =	rddreg [dreg:$0x2];
	[bflag:$0x3] =	sbarrier.arrive $0xFFFF;
	s2 =	simm.s32 @!p0 $0x1C01  }
0x49: {  	[timem:s3], [sflag:s2] =	dma.local @!p0 [hbm:s0], s1  }
0x4a: {  	s0 =	simm.s32 @!p0 $0x1  }
0x4b: {  	_ =	swait.ge @!p0 [sflag:s0], s1  }
0x4c: {  	s1 =	ssub.s32 @!p0 $0x0, s1;
	[sflag:s0] =	ssyncset.done @!p0 $0x0  }
0x4d: {  	[sflag:s0] =	ssyncadd.s32 @!p0 s1  }
0x4e: {  	[bflag:$0x3] =	sbarrier.arrive $0xFFFF  }
0x4f: {  	_ =	shalt  }

// kernel: kernel.13.cloned.1.call-start
scs
__scs_entry_jumppad:
0x0: {  	(pc) =	sbr.rel $0x88, $3  }
0x1: {  	(tag) =	ssettag $0x0;
	lr =	simm.s32 $0x1  }
0x2: {  	[smem:$0x3F94] =	sst lr;
	_ =	strace $0xD0000000  }
0x3: {  	_ = 	snop  }
0x4: {  	_ = 	snop  }
0x5: {  	_ = 	snop  }
0x6: {  	_ = 	snop  }
0x7: {  	_ = 	snop  }
__scs_overlays_trampoline_lowered:
0x8: {  	[smem:$0x3FA3] =	sst s0  }
0x9: {  	[smem:$0x3FA4] =	sst s1  }
0xa: {  	[smem:$0x3FA5] =	sst s2  }
0xb: {  	[smem:$0x3FA6] =	sst s3  }
0xc: {  	[smem:$0x3FA7] =	sst s4  }
0xd: {  	[smem:$0x3FA8] =	sst s5  }
0xe: {  	[smem:$0x3FA9] =	sst s6  }
0xf: {  	[smem:$0x3FAA] =	sst s7  }
0x10: {  	[smem:$0x3FAB] =	sst s8  }
0x11: {  	[smem:$0x3FAC] =	sst s9;
	s0 =	simm.s32 @!p0 $0x0  }
0x12: {  	s1 =	sld [smem:$0x3F92];
	s0 =	simm.s32 @p0 $0x1  }
0x13: {  	[smem:$0x3FAD] =	sst s0;
	s0 =	simm.s32 @!p1 $0x0  }
0x14: {  	s2 =	sld [smem:$0x3F91];
	s0 =	simm.s32 @p1 $0x1  }
0x15: {  	[smem:$0x3FAE] =	sst s0;
	s0 =	simm.s32 @!p2 $0x0  }
0x16: {  	s3 =	sld [smem:$0x3FDB];
	s0 =	simm.s32 @p2 $0x1  }
0x17: {  	s4 =	simm.s32 $0x1BF5;
	[smem:$0x3FB0] =	sst s0  }
0x18: {  	s0 =	sld [smem:$0x3F93];
	_ =	swait.ge [sflag:s4], $0x0  }
0x19: {  	s7 =	sld [smem:$0x3F94]  }
0x1a: {  	s8 =	sadd.s32 $0xFFFFE003, lr  }
0x1b: {  	s9 =	sadd.s32 $0xFFFFFEF7, lr;
	s5 =	simm.s32 $0xFFFFFFFF;
	p2 =	slt.u32 s8, $0xFFFFF086  }
0x1c: {  	p1 =	slt.u32 s9, $0xF7A;
	s5 =	simm.s32 @!p2 $0x0  }
0x1d: {  	s5 =	simm.s32 @p1 $0x1;
	p0 =	seq.s32 s7, s2  }
0x1e: {  	s7 =	smul.u32 @!p0 $0xF7A, s2;
	p2 =	seq.s32 @!p0 s5, $0x0  }
0x1f: {  	s9 =	smul.u32 $0xF7A, s1;
	s8 =	simm.s32 @!p0 $0x1BF5;
	p2 =	por !p2, p0  }
0x20: {  	[sflag:s8] =	ssyncset.s32 @!p0 $0xFFFFF086;
	s6 =	sadd.s32 @!p0 s3, s7;
	s7 =	simm.s32 @!p0 $0x108  }
0x21: {  	s3 =	sadd.s32 s3, s9;
	s6 =	sadd.s32 @!p0 $0x88, s6;
	s7 =	simm.s32 @p2 $0x1082  }
0x22: {  	[simem:s7], [sflag:s8] =	dma.local @!p0 [hbm:s6], $0xF7A  }
0x23: {  	s9 =	sor.u32 $0xD0000000, s2;
	s6 =	simm.s32 $0x108;
	_ =	swait.ge @!p0 [sflag:s8], $0x0  }
0x24: {  	s3 =	sadd.s32 $0x88, s3;
	s6 =	simm.s32 @!p1 $0x1082;
	[sflag:s4] =	ssyncset.s32 $0xFFFFF086  }
0x25: {  	[simem:s6], [sflag:s4] =	dma.local [hbm:s3], $0xF7A  }
0x26: {  	[smem:$0x3F94] =	sst s1;
	(tag) =	ssettag s2;
	_ =	strace s9  }
0x27: {  	s1 =	sld [smem:$0x3FA4]  }
0x28: {  	s2 =	sld [smem:$0x3FA5]  }
0x29: {  	s4 =	sld [smem:$0x3FA7]  }
0x2a: {  	p0 =	seq.s32 s5, $0x0;
	s5 =	sld [smem:$0x3FA8]  }
0x2b: {  	s6 =	sld [smem:$0x3FA9]  }
0x2c: {  	s7 =	sld [smem:$0x3FAA]  }
0x2d: {  	s3 =	simm.s32 $0x108;
	s8 =	sld [smem:$0x3FAB]  }
0x2e: {  	s3 =	simm.s32 @!p0 $0x1082;
	s9 =	sld [smem:$0x3FAC]  }
0x2f: {  	lr =	sadd.s32 s0, s3;
	s0 =	sld [smem:$0x3FA3]  }
0x30: {  	s3 =	sld [smem:$0x3FA6]  }
0x31: {  	[smem:$0x3FAF] =	sst s10  }
0x32: {  	s10 =	sld [smem:$0x3FAD];
	_ =	sdelay $0x3  }
0x33: {  	p0 =	seq.s32 s10, $0x1;
	s10 =	sld [smem:$0x3FAF];
	_ =	sdelay $0x3  }
0x34: {  	[smem:$0x3FAF] =	sst s10  }
0x35: {  	s10 =	sld [smem:$0x3FAE];
	_ =	sdelay $0x3  }
0x36: {  	p1 =	seq.s32 s10, $0x1;
	s10 =	sld [smem:$0x3FAF];
	_ =	sdelay $0x3  }
0x37: {  	[smem:$0x3FAF] =	sst s10  }
0x38: {  	s10 =	sld [smem:$0x3FB0]  }
0x39: {  	_ = 	snop;
	(pc) =	sbr.ind lr, $3  }
0x3a: {  	_ = 	snop  }
0x3b: {  	_ = 	snop  }
0x3c: {  	p2 =	seq.s32 s10, $0x1;
	s10 =	sld [smem:$0x3FAF]  }
0x3d: {  	_ =	shalt  }
0x3e: {  	_ =	shalt  }
0x3f: {  	_ =	shalt  }
0x40: {  	_ =	shalt  }
0x41: {  	_ =	shalt  }
0x42: {  	_ =	shalt  }
0x43: {  	_ =	shalt  }
0x44: {  	_ =	shalt  }
0x45: {  	_ =	shalt  }
0x46: {  	_ =	shalt  }
0x47: {  	_ =	shalt  }
0x48: {  	_ =	shalt  }
0x49: {  	_ =	shalt  }
0x4a: {  	_ =	shalt  }
0x4b: {  	_ =	shalt  }
0x4c: {  	_ =	shalt  }
0x4d: {  	_ =	shalt  }
0x4e: {  	_ =	shalt  }
0x4f: {  	_ =	shalt  }
0x50: {  	_ =	shalt  }
0x51: {  	_ =	shalt  }
0x52: {  	_ =	shalt  }
0x53: {  	_ =	shalt  }
0x54: {  	_ =	shalt  }
0x55: {  	_ =	shalt  }
0x56: {  	_ =	shalt  }
0x57: {  	_ =	shalt  }
0x58: {  	_ =	shalt  }
0x59: {  	_ =	shalt  }
0x5a: {  	_ =	shalt  }
0x5b: {  	_ =	shalt  }
0x5c: {  	_ =	shalt  }
0x5d: {  	_ =	shalt  }
0x5e: {  	_ =	shalt  }
0x5f: {  	_ =	shalt  }
0x60: {  	_ =	shalt  }
0x61: {  	_ =	shalt  }
0x62: {  	_ =	shalt  }
0x63: {  	_ =	shalt  }
0x64: {  	_ =	shalt  }
0x65: {  	_ =	shalt  }
0x66: {  	_ =	shalt  }
0x67: {  	_ =	shalt  }
0x68: {  	_ =	shalt  }
0x69: {  	_ =	shalt  }
0x6a: {  	_ =	shalt  }
0x6b: {  	_ =	shalt  }
0x6c: {  	_ =	shalt  }
0x6d: {  	_ =	shalt  }
0x6e: {  	_ =	shalt  }
0x6f: {  	_ =	shalt  }
0x70: {  	_ =	shalt  }
0x71: {  	_ =	shalt  }
0x72: {  	_ =	shalt  }
0x73: {  	_ =	shalt  }
0x74: {  	_ =	shalt  }
0x75: {  	_ =	shalt  }
0x76: {  	_ =	shalt  }
0x77: {  	_ =	shalt  }
0x78: {  	_ =	shalt  }
0x79: {  	_ =	shalt  }
0x7a: {  	_ =	shalt  }
0x7b: {  	_ =	shalt  }
0x7c: {  	_ =	shalt  }
0x7d: {  	_ =	shalt  }
0x7e: {  	_ =	shalt  }
0x7f: {  	_ =	shalt  }
0x80: {  	_ =	shalt  }
0x81: {  	_ =	shalt  }
0x82: {  	_ =	shalt  }
0x83: {  	_ =	shalt  }
0x84: {  	_ =	shalt  }
0x85: {  	_ =	shalt  }
0x86: {  	_ =	shalt  }
0x87: {  	_ =	shalt  }
.Lfunc_end0:
.L_simem_size_0:
called_computation.1_lowered:
.L_overlay_start_0:
0x88: {  	s2 =	sld [smem:$0x3FD9]  }
0x89: {  	s3 =	sld [smem:$0x3FFE];
	_ =	sdelay $0x1  }
0x8a: {  	s1 =	srdreg.scid  }
0x8b: {  	s0 =	sand.u32 $0x1, s1  }
0x8c: {  	s17 =	sshll.u32 s0, $0xA;
	s2 =	sadd.s32 s3, s2  }
0x8d: {  	s2 =	sadd.s32 s2, s17  }
0x8e: {  	[smem:$0x3FBB] =	sst s2  }
0x8f: {  	_ = 	snop  }
0x90: {  	s2 =	sld [smem:$0x3FC7];
	(tm) =	ssettm $0x1  }
0x91: {  	s18 =	sld [smem:$0x3FFB];
	_ =	sdelay $0x3  }
0x92: {  	_ =	strace s18  }
0x93: {  	s3 =	sld [smem:$0x3FFC];
	_ =	sdelay $0x3  }
0x94: {  	_ =	strace s3  }
0x95: {  	s3 =	sld [smem:$0x3FFD];
	_ =	sdelay $0x3  }
0x96: {  	_ =	strace s3  }
0x97: {  	_ =	strace $0x8FFFFFFF  }
0x98: {  	s19 =	sld [smem:$0x3FDB];
	_ =	sdelay $0x1  }
0x99: {  	s4 =	simm.s32 $_scs_section_size  }
0x9a: {  	s5 =	simm.s32 $_size__tile_overlayer_lowered;
	s6 =	simm.s32 $_tile_overlayer_lowered  }
0x9b: {  	s22 =	simm.s32 $0x1BFF;
	s21 =	sshll.u32 s6, $0x1;
	s3 =	sadd.s32 s4, s19  }
0x9c: {  	s7 =	simm.s32 $0x0;
	s20 =	sshll.u32 s5, $0x1;
	s5 =	sadd.s32 s21, s3  }
0x9d: {  	[timem:s7], [sflag:s22] =	dma.local [hbm:s5], s20  }
0x9e: {  	_ =	swait.ge [sflag:s22], s20  }
0x9f: {  	s4 =	ssub.s32 $0x0, s20;
	[sflag:s22] =	ssyncset.done $0x0  }
0xa0: {  	[sflag:s22] =	ssyncadd.s32 s4;
	_ =	sdelay $0x1  }
0xa1: {  	s23 =	simm.s32 $0x1B8B  }
0xa2: {  	_ =	swait.ge [sflag:s23], $0x1  }
0xa3: {  	[sflag:s23] =	ssyncset.done $0x0  }
0xa4: {  	s25 =	simm.s32 $0x1B8E;
	s24 =	sld [smem:$0x3FFE];
	[sflag:s23] =	ssyncadd.s32 $0xFFFFFFFF  }
0xa5: {  	s26 =	simm.s32 $execute0_lowered;
	[smem:$0x3FD2] =	sst s25  }
0xa6: {  	s5 =	sshll.u32 s26, $0x1;
	_ =	strace $0x80000049;
	[dreg:$0x1] =	wrdreg $0xFFFFFFFF  }
0xa7: {  	s28 =	simm.s32 $_size_execute0_lowered;
	s3 =	sadd.s32 s3, s5;
	[dreg:$0x0] =	wrdreg $0x0  }
0xa8: {  	s5 =	sshll.u32 s28, $0x1;
	[dreg:$0x2] =	wrdreg s3  }
0xa9: {  	[dreg:$0x3] =	wrdreg s5  }
0xaa: {  	[dreg:$0x4] =	wrdreg $0xC0  }
0xab: {  	_ =	task [dreg:s7], $0x5FFFF  }
0xac: {  	[dreg:$0x1] =	wrdreg $0xFFFFFFFF  }
0xad: {  	[dreg:$0x0] =	wrdreg $0x60  }
0xae: {  	[dreg:$0x2] =	wrdreg s24  }
0xaf: {  	[dreg:$0x3] =	wrdreg s2  }
0xb0: {  	[dreg:$0x4] =	wrdreg $0x9  }
0xb1: {  	_ =	task.clear_ibuf [dreg:s7], $0x5FFFF;
	_ =	strace $0x90000049  }
0xb2: {  	s29 =	simm.s32 $0x9;
	_ =	strace $0x8000004B  }
0xb3: {  	_ =	swait.ge [sflag:s29], $0x1  }
0xb4: {  	[sflag:s29] =	ssyncadd.s32 $0xFFFFFFFF  }
0xb5: {  	_ =	strace $0x9000004B  }
0xb6: {  	_ =	sfence  }
0xb7: {  	s30 =	sld [smem:$0x0];
	_ =	sdelay $0x2  }
0xb8: {  	s31 =	sshll.u32 s1, $0xD;
	s1 =	sshrl.u32 s1, $0x2  }
0xb9: {  	s3 =	sand.u32 $0x4000, s31;
	s1 =	sadd.s32 s1, s30  }
0xba: {  	s0 =	sor.u32 s3, s0;
	s1 =	sshll.u32 s1, $0x11  }
0xbb: {  	s0 =	sor.u32 s1, s0  }
0xbc: {  	s0 =	sadd.s32 $0x8F2B, s0  }
0xbd: {  	[sflag:s0] =	ssyncadd.remote.s32 $0x1  }
0xbe: {  	_ =	sfence.sel $0xFFFF  }
0xbf: {  	[dreg:$0x0] =	wrdreg $0xFFFFFFFF;
	(pc) =	sbr.abs _section_cstart, $3  }
0xc0: {  	[dreg:$0x1] =	wrdreg $0xFFFFFFFF  }
0xc1: {  	_ =	task.clear_ibuf [dreg:s7], $0x2FFFF;
	_ =	strace $0x9FFFFFFF  }
0xc2: {  	(tm) =	ssettm $0x7FFFFFFF  }
0xc3: {  	_ =	shalt  }
tec
execute0_lowered:
.L_overlay_start_1:
0x0: {  	(tag) =	ssettag $0x1  }
0x1: {  	s0 =	rddreg [dreg:$0x0]  }
0x2: {  	s1 =	rddreg [dreg:$0x1];
	s2 =	srdreg.scid  }
0x3: {  	s3 =	simm.s32 $0x0;
	s5 =	stileid.u32;
	s20 =	simm.s32 $0x3  }
0x4: {  	s28 =	simm.s32 $0x16C00;
	s29 =	simm.s32 $0x17C00;
	s30 =	simm.s32 $0x18C00  }
0x5: {  	s31 =	simm.s32 $0x1;
	s2 =	sand.u32 $0x1, s2;
	[smem:$0x7FF] =	sst s3  }
0x6: {  	s6 =	sadd.s32 $0x15E00, s0;
	s4 =	sshll.u32 s2, $0x4;
	_ =	strace $0x8000004A  }
0x7: {  	s2 =	ssub.s32 $0x2, s2;
	s7 =	sor.u32 s5, s4;
	s4 =	sadd.s32 $0x2200, s0  }
0x8: {  	s5 =	sadd.s32 $0xC000, s0;
	s9 =	sshrl.u32 s2, $0x1;
	s8 =	smul.u32 $0x9C40, s7  }
0x9: {  	s0 =	sadd.s32 $0x3D000, s0;
	s10 =	smul.u32 $0x1388, s7;
	s2 =	ssub.s32 s2, s9  }
0xa: {  	s21 =	sshll.u32 s7, $0x1;
	s13 =	smul.u32 $0x3E8, s7;
	s19 =	smax.u32 s2, $0x1  }
0xb: {  	s2 =	simm.s32 $0xC580;
	s8 =	sshrl.u32 s8, $0x3;
	s11 =	sadd.s32 s6, s10  }
0xc: {  	s24 =	sadd.s32 s4, s13;
	s25 =	sadd.s32 s5, s13;
	[dreg:$0x3] =	wrdreg s11  }
0xd: {  	s26 =	sadd.s32 s1, s13;
	s13 =	sshllo.u32 s7, $0x1;
	[dreg:$0x7] =	wrdreg s24  }
0xe: {  	s15 =	sadd.s32 s0, s10;
	s22 =	sadd.s32 $0x4E2, s8;
	[dreg:$0x8] =	wrdreg s25  }
0xf: {  	s12 =	sadd.s32 $0x9C4, s8;
	s8 =	sadd.s32 $0xEA6, s8;
	[dreg:$0x9] =	wrdreg s26  }
0x10: {  	s24 =	simm.s32 $0xED00;
	s25 =	simm.s32 $0x11480;
	s26 =	simm.s32 $0x2  }
0x11: {  	s14 =	sadd.s32 s6, s22;
	s23 =	sadd.s32 s6, s12;
	s6 =	sadd.s32 s6, s8  }
0x12: {  	s16 =	sadd.s32 s0, s22;
	s17 =	sadd.s32 s0, s12;
	[dreg:$0x4] =	wrdreg s14  }
0x13: {  	s18 =	sadd.s32 s0, s8;
	s22 =	simm.s32 $0x4F00;
	[dreg:$0x5] =	wrdreg s23  }
0x14: {  	s0 =	simm.s32 $0x9E00;
	[dreg:$0x6] =	wrdreg s6;
	s14 =	sadd.s32 $0x2, s21  }
0x15: {  	v0 =	vimm.f32 $0.0e+00;
	s21 =	simm.s32 $0x2780;
	s23 =	simm.s32 $0x7680;
	s6 =	simm.s32 $0x0  }
.LBB2_1:
0x16: {  	s7 =	rddreg [dreg:$0x3]  }
0x17: {  	[tilespmem:s3], [sflag:$0x3] =	stream.linear.gather [hbm4b:s7+s3], $0x2710, $0x38;
	[tilespmem:$0x19C00] =	vst v63  }
0x18: {  	_ =	swait.ge [sflag:s20], $0x2710  }
0x19: {  	[sflag:s20] =	ssyncset.done $0x0  }
0x1a: {  	s10 =	rddreg [dreg:$0x4];
	[sflag:s20] =	ssyncadd.s32 $0xFFFFD8F0  }
0x1b: {  	[tilespmem:s21], [sflag:$0x3] =	stream.linear.gather [hbm4b:s10+s3], $0x2710, $0x38;
	[tilespmem:$0x19C00] =	vst v63  }
0x1c: {  	_ =	swait.ge [sflag:s20], $0x2710  }
0x1d: {  	[sflag:s20] =	ssyncset.done $0x0  }
0x1e: {  	s11 =	rddreg [dreg:$0x5];
	[sflag:s20] =	ssyncadd.s32 $0xFFFFD8F0  }
0x1f: {  	[tilespmem:s22], [sflag:$0x3] =	stream.linear.gather [hbm4b:s11+s3], $0x2710, $0x38;
	[tilespmem:$0x19C00] =	vst v63  }
0x20: {  	_ =	swait.ge [sflag:s20], $0x2710  }
0x21: {  	[sflag:s20] =	ssyncset.done $0x0  }
0x22: {  	s12 =	rddreg [dreg:$0x6];
	[sflag:s20] =	ssyncadd.s32 $0xFFFFD8F0  }
0x23: {  	[tilespmem:s23], [sflag:$0x3] =	stream.linear.gather [hbm4b:s12+s3], $0x2710, $0x38;
	[tilespmem:$0x19C00] =	vst v63  }
0x24: {  	_ =	swait.ge [sflag:s20], $0x2710  }
0x25: {  	[sflag:s20] =	ssyncset.done $0x0  }
0x26: {  	s8 =	simm.s32 $0x40;
	s7 =	simm.s32 $0x0;
	[sflag:s20] =	ssyncadd.s32 $0xFFFFD8F0  }
.LBB2_2:
0x27: {  	p0 =	sne.s32 s8, $0x9C00;
	[tilespmem:s7+$0x11480] =	vst v0;
	s9 =	smov.u32 s8;
	s8 =	sadd.s32 $0x40, s8  }
.Ltmp0:
0x28: {  	[tilespmem:s7+$0xED00] =	vst v0;
	(pc) =	sbr.rel @p0 .LBB2_2-.Ltmp0, $3  }
0x29: {  	[tilespmem:s7+$0x9E00] =	vst v0  }
0x2a: {  	[tilespmem:s7+$0xC580] =	vst v0;
	_ =	sdelay $0x1  }
0x2b: {  	s7 =	sshra.s32 s9, $0x2  }
0x2c: {  	[tilespmem:s7+$0x11480] =	vst v0  }
0x2d: {  	[tilespmem:s7+$0xED00] =	vst v0  }
0x2e: {  	[tilespmem:s7+$0x9E00] =	vst v0  }
0x2f: {  	[tilespmem:s7+$0xC580] =	vst v0;
	s7 =	simm.s32 $0x0;
	s8 =	rddreg [dreg:$0x7];
	s9 =	simm.s32 $0x13C00  }
0x30: {  	[tilespmem:s9], [sflag:$0x1] =	stream.linear.gather [hbm4b:s8+s7], $0xFA0, $0x38;
	[tilespmem:$0x19C00] =	vst v63  }
0x31: {  	s10 =	simm.s32 $0x14C00;
	s9 =	rddreg [dreg:$0x8]  }
0x32: {  	[tilespmem:s10], [sflag:$0x1] =	stream.linear.gather [hbm4b:s9+s7], $0xFA0, $0x38;
	[tilespmem:$0x19C00] =	vst v63  }
0x33: {  	s11 =	rddreg [dreg:$0x9];
	s12 =	simm.s32 $0x15C00  }
0x34: {  	[tilespmem:s12], [sflag:$0x1] =	stream.linear.gather [hbm4b:s11+s7], $0xFA0, $0x38;
	[tilespmem:$0x19C00] =	vst v63  }
.LBB2_4:
0x35: {  	s8 =	sshll.u32 s7, $0x1  }
0x36: {  	s9 =	sadd.s32 s8, s13  }
0x37: {  	s10 =	smulhi.u32 $0x66666667, s9;
	_ =	sdelay $0x1  }
0x38: {  	s10 =	sshrl.u32 s10, $0x5  }
0x39: {  	s10 =	smul.u32 $0x50, s10;
	_ =	sdelay $0x1  }
0x3a: {  	s9 =	ssub.s32 s9, s10  }
0x3b: {  	s9 =	smul.u32 $0x1F4, s9;
	_ =	sdelay $0x1  }
0x3c: {  	s12 =	sadd.s32 s4, s9  }
0x3d: {  	[tilespmem:s28], [sflag:$0x2] =	stream.linear.gather [hbm4b:s12+s3], $0xFA0, $0x38;
	[tilespmem:$0x19C00] =	vst v63  }
0x3e: {  	s11 =	sadd.s32 s5, s9  }
0x3f: {  	[tilespmem:s29], [sflag:$0x2] =	stream.linear.gather [hbm4b:s11+s3], $0xFA0, $0x38;
	[tilespmem:$0x19C00] =	vst v63  }
0x40: {  	s9 =	sadd.s32 s1, s9  }
0x41: {  	[tilespmem:s30], [sflag:$0x2] =	stream.linear.gather [hbm4b:s9+s3], $0xFA0, $0x38;
	[tilespmem:$0x19C00] =	vst v63  }
0x42: {  	_ =	swait.ge [sflag:s31], $0xFA0  }
0x43: {  	[sflag:s31] =	ssyncset.done $0x0  }
0x44: {  	[sflag:s31] =	ssyncadd.s32 $0xFFFFF060  }
0x45: {  	_ =	swait.ge [sflag:s31], $0xFA0  }
0x46: {  	[sflag:s31] =	ssyncset.done $0x0  }
0x47: {  	[sflag:s31] =	ssyncadd.s32 $0xFFFFF060  }
0x48: {  	_ =	swait.ge [sflag:s31], $0xFA0  }
0x49: {  	[sflag:s31] =	ssyncset.done $0x0  }
0x4a: {  	s12 =	simm.s32 $0x13C20;
	[sflag:s31] =	ssyncadd.s32 $0xFFFFF060  }
0x4b: {  	v12 =	vld [tilespmem:s12+$0x20]  }
0x4c: {  	v3 =	vld [tilespmem:s12+$0xFFFFFFF0]  }
0x4d: {  	v1 =	vld [tilespmem:s12+$0x0]  }
0x4e: {  	v13 =	vld [tilespmem:s12+$0xFFFFFFE0]  }
0x4f: {  	s9 =	simm.s32 $0x14C20;
	v2 =	vld [tilespmem:s12+$0x10]  }
0x50: {  	s10 =	simm.s32 $0x15C20;
	v14 =	vld [tilespmem:s9+$0x20]  }
0x51: {  	v15 =	vld [tilespmem:s10+$0x20]  }
0x52: {  	v11 =	vld [tilespmem:s10+$0xFFFFFFE0]  }
0x53: {  	v6 =	vld [tilespmem:s10+$0xFFFFFFF0]  }
0x54: {  	v8 =	vld [tilespmem:s9+$0xFFFFFFE0]  }
0x55: {  	v4 =	vld.idx.msk [tilespmem:v12+s3+$0x0], $0xffff  }
0x56: {  	v5 =	vld [tilespmem:s9+$0xFFFFFFF0]  }
0x57: {  	v10 =	vld [tilespmem:s10+$0x0]  }
0x58: {  	v18 =	vld.idx.msk [tilespmem:v13+s3+$0x0], $0xffff  }
0x59: {  	v16 =	vld.idx.msk [tilespmem:v3+s3+$0x0], $0xffff  }
0x5a: {  	v9 =	vld [tilespmem:s10+$0x10];
	v4 =	vmul.f32 v4, v15  }
0x5b: {  	v17 =	vld.idx.msk [tilespmem:v1+s3+$0x0], $0xffff  }
0x5c: {  	[tilespmem:v14+s0+$0x0] =	vst.idx.add.f32.msk $0xffff, v4  }
0x5d: {  	v18 =	vmul.f32 v18, v11;
	v4 =	vld [tilespmem:s9+$0x0]  }
0x5e: {  	v16 =	vmul.f32 v16, v6;
	v7 =	vld.idx.msk [tilespmem:v12+s21+$0x0], $0xffff  }
0x5f: {  	[tilespmem:v8+s0+$0x0] =	vst.idx.add.f32.msk $0xffff, v18  }
0x60: {  	[tilespmem:v5+s0+$0x0] =	vst.idx.add.f32.msk $0xffff, v16  }
0x61: {  	v52 =	vld.idx.msk [tilespmem:v13+s21+$0x0], $0xffff  }
0x62: {  	v53 =	vld.idx.msk [tilespmem:v3+s21+$0x0], $0xffff  }
0x63: {  	v20 =	vmul.f32 v7, v15;
	v7 =	vld [tilespmem:s9+$0x10]  }
0x64: {  	v19 =	vld.idx.msk [tilespmem:v2+s3+$0x0], $0xffff;
	v17 =	vmul.f32 v17, v10  }
0x65: {  	[tilespmem:v14+s2+$0x0] =	vst.idx.add.f32.msk $0xffff, v20  }
0x66: {  	v57 =	vmul.f32 v52, v11;
	[tilespmem:v4+s0+$0x0] =	vst.idx.add.f32.msk $0xffff, v17  }
0x67: {  	v58 =	vmul.f32 v53, v6;
	v20 =	vld.idx.msk [tilespmem:v12+s22+$0x0], $0xffff  }
0x68: {  	[tilespmem:v8+s2+$0x0] =	vst.idx.add.f32.msk $0xffff, v57  }
0x69: {  	v51 =	vmul.f32 v19, v9;
	[tilespmem:v5+s2+$0x0] =	vst.idx.add.f32.msk $0xffff, v58  }
0x6a: {  	v55 =	vld.idx.msk [tilespmem:v1+s21+$0x0], $0xffff  }
0x6b: {  	[tilespmem:v7+s0+$0x0] =	vst.idx.add.f32.msk $0xffff, v51  }
0x6c: {  	v54 =	vmul.f32 v20, v15;
	v56 =	vld.idx.msk [tilespmem:v2+s21+$0x0], $0xffff  }
0x6d: {  	v60 =	vld.idx.msk [tilespmem:v13+s22+$0x0], $0xffff  }
0x6e: {  	[tilespmem:v14+s24+$0x0] =	vst.idx.add.f32.msk $0xffff, v54  }
0x6f: {  	v59 =	vmul.f32 v55, v10;
	v12 =	vld.idx.msk [tilespmem:v12+s23+$0x0], $0xffff  }
0x70: {  	v62 =	vld.idx.msk [tilespmem:v3+s22+$0x0], $0xffff  }
0x71: {  	[tilespmem:v4+s2+$0x0] =	vst.idx.add.f32.msk $0xffff, v59;
	v61 =	vmul.f32 v56, v9  }
0x72: {  	v63 =	vld.idx.msk [tilespmem:v1+s22+$0x0], $0xffff  }
0x73: {  	v17 =	vmul.f32 v60, v11;
	[tilespmem:v7+s2+$0x0] =	vst.idx.add.f32.msk $0xffff, v61  }
0x74: {  	v12 =	vmul.f32 v12, v15;
	v15 =	vld.idx.msk [tilespmem:v2+s22+$0x0], $0xffff  }
0x75: {  	[tilespmem:v8+s24+$0x0] =	vst.idx.add.f32.msk $0xffff, v17  }
0x76: {  	[tilespmem:v14+s25+$0x0] =	vst.idx.add.f32.msk $0xffff, v12  }
0x77: {  	v14 =	vmul.f32 v62, v6;
	v12 =	vld.idx.msk [tilespmem:v13+s23+$0x0], $0xffff;
	_ =	sdelay $0x1  }
0x78: {  	s11 =	simm.s32 $0x0;
	s12 =	simm.s32 $0x13C70;
	v13 =	vmul.f32 v63, v10;
	[tilespmem:v5+s24+$0x0] =	vst.idx.add.f32.msk $0xffff, v14;
	v14 =	vmul.f32 v15, v9  }
.LBB2_5:
0x79: {  	v15 =	vld [tilespmem:s12+$0x20];
	s11 =	sadd.s32 $0x5, s11  }
0x7a: {  	v16 =	vld [tilespmem:s12+$0xFFFFFFF0];
	p0 =	slt.u32 s11, $0xF5  }
0x7b: {  	v12 =	vmul.f32 v12, v11;
	v17 =	vld [tilespmem:s12+$0x0]  }
0x7c: {  	v18 =	vld [tilespmem:s12+$0x10]  }
0x7d: {  	v19 =	vld [tilespmem:s12+$0xFFFFFFE0]  }
0x7e: {  	[tilespmem:v4+s24+$0x0] =	vst.idx.add.f32.msk $0xffff, v13  }
0x7f: {  	s9 =	sadd.s32 $0x50, s9;
	[tilespmem:v7+s24+$0x0] =	vst.idx.add.f32.msk $0xffff, v14  }
0x80: {  	v13 =	vld [tilespmem:s9+$0x20]  }
0x81: {  	s10 =	sadd.s32 $0x50, s10;
	v14 =	vld.idx.msk [tilespmem:v15+s3+$0x0], $0xffff  }
0x82: {  	v20 =	vld [tilespmem:s10+$0x20]  }
0x83: {  	v21 =	vld.idx.msk [tilespmem:v16+s3+$0x0], $0xffff  }
0x84: {  	v22 =	vld.idx.msk [tilespmem:v17+s3+$0x0], $0xffff  }
0x85: {  	v23 =	vld.idx.msk [tilespmem:v19+s3+$0x0], $0xffff  }
0x86: {  	v24 =	vld.idx.msk [tilespmem:v18+s3+$0x0], $0xffff  }
0x87: {  	v11 =	vld [tilespmem:s10+$0xFFFFFFE0];
	v14 =	vmul.f32 v14, v20  }
0x88: {  	v25 =	vld [tilespmem:s10+$0xFFFFFFF0]  }
0x89: {  	[tilespmem:v13+s0+$0x0] =	vst.idx.add.f32.msk $0xffff, v14  }
0x8a: {  	v14 =	vld.idx.msk [tilespmem:v15+s21+$0x0], $0xffff  }
0x8b: {  	v26 =	vld [tilespmem:s10+$0x0]  }
0x8c: {  	v23 =	vmul.f32 v23, v11;
	v27 =	vld [tilespmem:s10+$0x10]  }
0x8d: {  	v28 =	vld [tilespmem:s9+$0xFFFFFFE0];
	v21 =	vmul.f32 v21, v25  }
0x8e: {  	v29 =	vld [tilespmem:s9+$0xFFFFFFF0]  }
0x8f: {  	v30 =	vld [tilespmem:s9+$0x0]  }
0x90: {  	v14 =	vmul.f32 v14, v20;
	v22 =	vmul.f32 v22, v26;
	v31 =	vld [tilespmem:s9+$0x10]  }
0x91: {  	v24 =	vmul.f32 v24, v27;
	v32 =	vld.idx.msk [tilespmem:v3+s23+$0x0], $0xffff;
	v3 =	vmov v16  }
0x92: {  	[tilespmem:v13+s2+$0x0] =	vst.idx.add.f32.msk $0xffff, v14  }
0x93: {  	v14 =	vld.idx.msk [tilespmem:v15+s22+$0x0], $0xffff  }
0x94: {  	v16 =	vld.idx.msk [tilespmem:v1+s23+$0x0], $0xffff;
	v1 =	vmov v17  }
0x95: {  	[tilespmem:v28+s0+$0x0] =	vst.idx.add.f32.msk $0xffff, v23  }
0x96: {  	[tilespmem:v29+s0+$0x0] =	vst.idx.add.f32.msk $0xffff, v21  }
0x97: {  	v17 =	vmul.f32 v32, v6;
	v6 =	vmov v25;
	[tilespmem:v30+s0+$0x0] =	vst.idx.add.f32.msk $0xffff, v22  }
0x98: {  	[tilespmem:v31+s0+$0x0] =	vst.idx.add.f32.msk $0xffff, v24  }
0x99: {  	v14 =	vmul.f32 v14, v20;
	v21 =	vld.idx.msk [tilespmem:v19+s21+$0x0], $0xffff  }
0x9a: {  	v16 =	vmul.f32 v16, v10;
	v10 =	vmov v26;
	v22 =	vld.idx.msk [tilespmem:v3+s21+$0x0], $0xffff  }
0x9b: {  	[tilespmem:v13+s24+$0x0] =	vst.idx.add.f32.msk $0xffff, v14  }
0x9c: {  	v14 =	vld.idx.msk [tilespmem:v15+s23+$0x0], $0xffff  }
0x9d: {  	v15 =	vld.idx.msk [tilespmem:v1+s21+$0x0], $0xffff  }
0x9e: {  	v23 =	vld.idx.msk [tilespmem:v18+s21+$0x0], $0xffff  }
0x9f: {  	v21 =	vmul.f32 v21, v11;
	v24 =	vld.idx.msk [tilespmem:v2+s23+$0x0], $0xffff;
	v2 =	vmov v18  }
0xa0: {  	v18 =	vmul.f32 v22, v6;
	[tilespmem:v8+s25+$0x0] =	vst.idx.add.f32.msk $0xffff, v12;
	v8 =	vmov v28  }
0xa1: {  	[tilespmem:v28+s2+$0x0] =	vst.idx.add.f32.msk $0xffff, v21  }
0xa2: {  	v12 =	vmul.f32 v14, v20;
	[tilespmem:v29+s2+$0x0] =	vst.idx.add.f32.msk $0xffff, v18  }
0xa3: {  	v15 =	vmul.f32 v15, v10;
	v14 =	vld.idx.msk [tilespmem:v19+s22+$0x0], $0xffff  }
0xa4: {  	v18 =	vmul.f32 v23, v27;
	[tilespmem:v13+s25+$0x0] =	vst.idx.add.f32.msk $0xffff, v12  }
0xa5: {  	[tilespmem:v30+s2+$0x0] =	vst.idx.add.f32.msk $0xffff, v15;
	v15 =	vmul.f32 v24, v9;
	v9 =	vmov v27  }
0xa6: {  	[tilespmem:v31+s2+$0x0] =	vst.idx.add.f32.msk $0xffff, v18  }
0xa7: {  	v13 =	vld.idx.msk [tilespmem:v3+s22+$0x0], $0xffff  }
0xa8: {  	v18 =	vld.idx.msk [tilespmem:v1+s22+$0x0], $0xffff  }
0xa9: {  	v12 =	vmul.f32 v14, v11;
	v14 =	vld.idx.msk [tilespmem:v2+s22+$0x0], $0xffff  }
0xaa: {  	[tilespmem:v5+s25+$0x0] =	vst.idx.add.f32.msk $0xffff, v17;
	v5 =	vmov v29  }
.Ltmp1:
0xab: {  	[tilespmem:v28+s24+$0x0] =	vst.idx.add.f32.msk $0xffff, v12;
	(pc) =	sbr.rel @p0 .LBB2_5-.Ltmp1, $4  }
0xac: {  	v12 =	vld.idx.msk [tilespmem:v19+s23+$0x0], $0xffff  }
0xad: {  	v17 =	vmul.f32 v13, v6;
	[tilespmem:v4+s25+$0x0] =	vst.idx.add.f32.msk $0xffff, v16;
	v4 =	vmov v30  }
0xae: {  	v13 =	vmul.f32 v18, v10;
	[tilespmem:v7+s25+$0x0] =	vst.idx.add.f32.msk $0xffff, v15;
	v7 =	vmov v31  }
0xaf: {  	s12 =	sadd.s32 $0x50, s12;
	v14 =	vmul.f32 v14, v9;
	[tilespmem:v29+s24+$0x0] =	vst.idx.add.f32.msk $0xffff, v17  }
0xb0: {  	_ =	sdelay $0x3  }
0xb1: {  	[tilespmem:v4+s24+$0x0] =	vst.idx.add.f32.msk $0xffff, v13  }
0xb2: {  	p0 =	seq.s32 s7, $0x27;
	v3 =	vld.idx.msk [tilespmem:v3+s23+$0x0], $0xffff  }
0xb3: {  	[tilespmem:v7+s24+$0x0] =	vst.idx.add.f32.msk $0xffff, v14;
	s8 =	sadd.s32 @!p0 s8, s14  }
0xb4: {  	v1 =	vld.idx.msk [tilespmem:v1+s23+$0x0], $0xffff;
	s9 =	smulhi.u32 @!p0 $0x66666667, s8  }
0xb5: {  	v2 =	vld.idx.msk [tilespmem:v2+s23+$0x0], $0xffff  }
0xb6: {  	s9 =	sshrl.u32 @!p0 s9, $0x5  }
0xb7: {  	v11 =	vmul.f32 v12, v11;
	s9 =	smul.u32 @!p0 $0x50, s9  }
0xb8: {  	v3 =	vmul.f32 v3, v6  }
0xb9: {  	[tilespmem:v8+s25+$0x0] =	vst.idx.add.f32.msk $0xffff, v11;
	v1 =	vmul.f32 v1, v10;
	s8 =	ssub.s32 @!p0 s8, s9  }
0xba: {  	v2 =	vmul.f32 v2, v9;
	[tilespmem:v5+s25+$0x0] =	vst.idx.add.f32.msk $0xffff, v3;
	s8 =	smul.u32 @!p0 $0x1F4, s8  }
0xbb: {  	[tilespmem:v4+s25+$0x0] =	vst.idx.add.f32.msk $0xffff, v1  }
0xbc: {  	s10 =	simm.s32 @!p0 $0x0;
	s11 =	simm.s32 @!p0 $0x13C00;
	[tilespmem:v7+s25+$0x0] =	vst.idx.add.f32.msk $0xffff, v2;
	s9 =	sadd.s32 @!p0 s4, s8  }
0xbd: {  	[tilespmem:s11], [sflag:$0x1] =	stream.linear.gather @!p0 [hbm4b:s9+s10], $0xFA0, $0x38;
	[tilespmem:$0x19C00] =	vst v63  }
0xbe: {  	s9 =	sadd.s32 @!p0 s5, s8;
	s11 =	simm.s32 @!p0 $0x14C00  }
0xbf: {  	[tilespmem:s11], [sflag:$0x1] =	stream.linear.gather @!p0 [hbm4b:s9+s10], $0xFA0, $0x38;
	[tilespmem:$0x19C00] =	vst v63  }
0xc0: {  	s8 =	sadd.s32 @!p0 s1, s8;
	s9 =	simm.s32 @!p0 $0x15C00  }
0xc1: {  	[tilespmem:s9], [sflag:$0x1] =	stream.linear.gather @!p0 [hbm4b:s8+s10], $0xFA0, $0x38;
	[tilespmem:$0x19C00] =	vst v63  }
0xc2: {  	_ =	swait.ge [sflag:s26], $0xFA0  }
0xc3: {  	[sflag:s26] =	ssyncset.done $0x0  }
0xc4: {  	[sflag:s26] =	ssyncadd.s32 $0xFFFFF060  }
0xc5: {  	_ =	swait.ge [sflag:s26], $0xFA0  }
0xc6: {  	[sflag:s26] =	ssyncset.done $0x0  }
0xc7: {  	[sflag:s26] =	ssyncadd.s32 $0xFFFFF060  }
0xc8: {  	_ =	swait.ge [sflag:s26], $0xFA0  }
0xc9: {  	[sflag:s26] =	ssyncset.done $0x0  }
0xca: {  	s12 =	simm.s32 $0x16C20;
	[sflag:s26] =	ssyncadd.s32 $0xFFFFF060  }
0xcb: {  	v12 =	vld [tilespmem:s12+$0x20]  }
0xcc: {  	v1 =	vld [tilespmem:s12+$0xFFFFFFF0]  }
0xcd: {  	v2 =	vld [tilespmem:s12+$0x0]  }
0xce: {  	v13 =	vld [tilespmem:s12+$0xFFFFFFE0]  }
0xcf: {  	s8 =	simm.s32 $0x17C20;
	v3 =	vld [tilespmem:s12+$0x10]  }
0xd0: {  	s9 =	simm.s32 $0x18C20;
	v14 =	vld [tilespmem:s8+$0x20]  }
0xd1: {  	v15 =	vld [tilespmem:s9+$0x20]  }
0xd2: {  	v11 =	vld [tilespmem:s9+$0xFFFFFFE0]  }
0xd3: {  	v5 =	vld [tilespmem:s9+$0xFFFFFFF0]  }
0xd4: {  	v8 =	vld [tilespmem:s8+$0xFFFFFFE0]  }
0xd5: {  	v4 =	vld.idx.msk [tilespmem:v12+s3+$0x0], $0xffff  }
0xd6: {  	v6 =	vld [tilespmem:s8+$0xFFFFFFF0]  }
0xd7: {  	v10 =	vld [tilespmem:s9+$0x0]  }
0xd8: {  	v18 =	vld.idx.msk [tilespmem:v13+s3+$0x0], $0xffff  }
0xd9: {  	v16 =	vld.idx.msk [tilespmem:v1+s3+$0x0], $0xffff  }
0xda: {  	v9 =	vld [tilespmem:s9+$0x10];
	v4 =	vmul.f32 v4, v15  }
0xdb: {  	v17 =	vld.idx.msk [tilespmem:v2+s3+$0x0], $0xffff  }
0xdc: {  	[tilespmem:v14+s0+$0x0] =	vst.idx.add.f32.msk $0xffff, v4  }
0xdd: {  	v18 =	vmul.f32 v18, v11;
	v4 =	vld [tilespmem:s8+$0x0]  }
0xde: {  	v16 =	vmul.f32 v16, v5;
	v7 =	vld.idx.msk [tilespmem:v12+s21+$0x0], $0xffff  }
0xdf: {  	[tilespmem:v8+s0+$0x0] =	vst.idx.add.f32.msk $0xffff, v18  }
0xe0: {  	[tilespmem:v6+s0+$0x0] =	vst.idx.add.f32.msk $0xffff, v16  }
0xe1: {  	v52 =	vld.idx.msk [tilespmem:v13+s21+$0x0], $0xffff  }
0xe2: {  	v53 =	vld.idx.msk [tilespmem:v1+s21+$0x0], $0xffff  }
0xe3: {  	v20 =	vmul.f32 v7, v15;
	v7 =	vld [tilespmem:s8+$0x10]  }
0xe4: {  	v19 =	vld.idx.msk [tilespmem:v3+s3+$0x0], $0xffff;
	v17 =	vmul.f32 v17, v10  }
0xe5: {  	[tilespmem:v14+s2+$0x0] =	vst.idx.add.f32.msk $0xffff, v20  }
0xe6: {  	v57 =	vmul.f32 v52, v11;
	[tilespmem:v4+s0+$0x0] =	vst.idx.add.f32.msk $0xffff, v17  }
0xe7: {  	v58 =	vmul.f32 v53, v5;
	v20 =	vld.idx.msk [tilespmem:v12+s22+$0x0], $0xffff  }
0xe8: {  	[tilespmem:v8+s2+$0x0] =	vst.idx.add.f32.msk $0xffff, v57  }
0xe9: {  	v51 =	vmul.f32 v19, v9;
	[tilespmem:v6+s2+$0x0] =	vst.idx.add.f32.msk $0xffff, v58  }
0xea: {  	v55 =	vld.idx.msk [tilespmem:v2+s21+$0x0], $0xffff  }
0xeb: {  	[tilespmem:v7+s0+$0x0] =	vst.idx.add.f32.msk $0xffff, v51  }
0xec: {  	v54 =	vmul.f32 v20, v15;
	v56 =	vld.idx.msk [tilespmem:v3+s21+$0x0], $0xffff  }
0xed: {  	v60 =	vld.idx.msk [tilespmem:v13+s22+$0x0], $0xffff  }
0xee: {  	[tilespmem:v14+s24+$0x0] =	vst.idx.add.f32.msk $0xffff, v54  }
0xef: {  	v59 =	vmul.f32 v55, v10;
	v12 =	vld.idx.msk [tilespmem:v12+s23+$0x0], $0xffff  }
0xf0: {  	v62 =	vld.idx.msk [tilespmem:v1+s22+$0x0], $0xffff  }
0xf1: {  	[tilespmem:v4+s2+$0x0] =	vst.idx.add.f32.msk $0xffff, v59;
	v61 =	vmul.f32 v56, v9  }
0xf2: {  	v63 =	vld.idx.msk [tilespmem:v2+s22+$0x0], $0xffff  }
0xf3: {  	v17 =	vmul.f32 v60, v11;
	[tilespmem:v7+s2+$0x0] =	vst.idx.add.f32.msk $0xffff, v61  }
0xf4: {  	v12 =	vmul.f32 v12, v15;
	v15 =	vld.idx.msk [tilespmem:v3+s22+$0x0], $0xffff  }
0xf5: {  	[tilespmem:v8+s24+$0x0] =	vst.idx.add.f32.msk $0xffff, v17  }
0xf6: {  	[tilespmem:v14+s25+$0x0] =	vst.idx.add.f32.msk $0xffff, v12  }
0xf7: {  	v14 =	vmul.f32 v62, v5;
	v12 =	vld.idx.msk [tilespmem:v13+s23+$0x0], $0xffff;
	_ =	sdelay $0x1  }
0xf8: {  	s11 =	simm.s32 $0x16C70;
	s10 =	simm.s32 $0x0;
	v13 =	vmul.f32 v63, v10;
	[tilespmem:v6+s24+$0x0] =	vst.idx.add.f32.msk $0xffff, v14;
	v14 =	vmul.f32 v15, v9  }
.LBB2_7:
0xf9: {  	v15 =	vld [tilespmem:s11+$0x20];
	s10 =	sadd.s32 $0x5, s10  }
0xfa: {  	v16 =	vld [tilespmem:s11+$0xFFFFFFF0];
	p0 =	slt.u32 s10, $0xF5  }
0xfb: {  	v12 =	vmul.f32 v12, v11;
	v17 =	vld [tilespmem:s11+$0x0]  }
0xfc: {  	v18 =	vld [tilespmem:s11+$0x10]  }
0xfd: {  	v19 =	vld [tilespmem:s11+$0xFFFFFFE0]  }
0xfe: {  	[tilespmem:v4+s24+$0x0] =	vst.idx.add.f32.msk $0xffff, v13  }
0xff: {  	s8 =	sadd.s32 $0x50, s8;
	[tilespmem:v7+s24+$0x0] =	vst.idx.add.f32.msk $0xffff, v14  }
0x100: {  	v13 =	vld [tilespmem:s8+$0x20]  }
0x101: {  	s9 =	sadd.s32 $0x50, s9;
	v14 =	vld.idx.msk [tilespmem:v15+s3+$0x0], $0xffff  }
0x102: {  	v20 =	vld [tilespmem:s9+$0x20]  }
0x103: {  	v21 =	vld.idx.msk [tilespmem:v16+s3+$0x0], $0xffff  }
0x104: {  	v22 =	vld.idx.msk [tilespmem:v17+s3+$0x0], $0xffff  }
0x105: {  	v23 =	vld.idx.msk [tilespmem:v19+s3+$0x0], $0xffff  }
0x106: {  	v24 =	vld.idx.msk [tilespmem:v18+s3+$0x0], $0xffff  }
0x107: {  	v11 =	vld [tilespmem:s9+$0xFFFFFFE0];
	v14 =	vmul.f32 v14, v20  }
0x108: {  	v25 =	vld [tilespmem:s9+$0xFFFFFFF0]  }
0x109: {  	[tilespmem:v13+s0+$0x0] =	vst.idx.add.f32.msk $0xffff, v14  }
0x10a: {  	v14 =	vld.idx.msk [tilespmem:v15+s21+$0x0], $0xffff  }
0x10b: {  	v26 =	vld [tilespmem:s9+$0x0]  }
0x10c: {  	v23 =	vmul.f32 v23, v11;
	v27 =	vld [tilespmem:s9+$0x10]  }
0x10d: {  	v28 =	vld [tilespmem:s8+$0xFFFFFFE0];
	v21 =	vmul.f32 v21, v25  }
0x10e: {  	v29 =	vld [tilespmem:s8+$0xFFFFFFF0]  }
0x10f: {  	v30 =	vld [tilespmem:s8+$0x0]  }
0x110: {  	v14 =	vmul.f32 v14, v20;
	v22 =	vmul.f32 v22, v26;
	v31 =	vld [tilespmem:s8+$0x10]  }
0x111: {  	v24 =	vmul.f32 v24, v27;
	v32 =	vld.idx.msk [tilespmem:v1+s23+$0x0], $0xffff;
	v1 =	vmov v16  }
0x112: {  	[tilespmem:v13+s2+$0x0] =	vst.idx.add.f32.msk $0xffff, v14  }
0x113: {  	v14 =	vld.idx.msk [tilespmem:v15+s22+$0x0], $0xffff  }
0x114: {  	v16 =	vld.idx.msk [tilespmem:v2+s23+$0x0], $0xffff;
	v2 =	vmov v17  }
0x115: {  	[tilespmem:v28+s0+$0x0] =	vst.idx.add.f32.msk $0xffff, v23  }
0x116: {  	[tilespmem:v29+s0+$0x0] =	vst.idx.add.f32.msk $0xffff, v21  }
0x117: {  	v17 =	vmul.f32 v32, v5;
	v5 =	vmov v25;
	[tilespmem:v30+s0+$0x0] =	vst.idx.add.f32.msk $0xffff, v22  }
0x118: {  	[tilespmem:v31+s0+$0x0] =	vst.idx.add.f32.msk $0xffff, v24  }
0x119: {  	v14 =	vmul.f32 v14, v20;
	v21 =	vld.idx.msk [tilespmem:v19+s21+$0x0], $0xffff  }
0x11a: {  	v16 =	vmul.f32 v16, v10;
	v10 =	vmov v26;
	v22 =	vld.idx.msk [tilespmem:v1+s21+$0x0], $0xffff  }
0x11b: {  	[tilespmem:v13+s24+$0x0] =	vst.idx.add.f32.msk $0xffff, v14  }
0x11c: {  	v14 =	vld.idx.msk [tilespmem:v15+s23+$0x0], $0xffff  }
0x11d: {  	v15 =	vld.idx.msk [tilespmem:v2+s21+$0x0], $0xffff  }
0x11e: {  	v23 =	vld.idx.msk [tilespmem:v18+s21+$0x0], $0xffff  }
0x11f: {  	v21 =	vmul.f32 v21, v11;
	v24 =	vld.idx.msk [tilespmem:v3+s23+$0x0], $0xffff;
	v3 =	vmov v18  }
0x120: {  	v18 =	vmul.f32 v22, v5;
	[tilespmem:v8+s25+$0x0] =	vst.idx.add.f32.msk $0xffff, v12;
	v8 =	vmov v28  }
0x121: {  	[tilespmem:v28+s2+$0x0] =	vst.idx.add.f32.msk $0xffff, v21  }
0x122: {  	v12 =	vmul.f32 v14, v20;
	[tilespmem:v29+s2+$0x0] =	vst.idx.add.f32.msk $0xffff, v18  }
0x123: {  	v15 =	vmul.f32 v15, v10;
	v14 =	vld.idx.msk [tilespmem:v19+s22+$0x0], $0xffff  }
0x124: {  	v18 =	vmul.f32 v23, v27;
	[tilespmem:v13+s25+$0x0] =	vst.idx.add.f32.msk $0xffff, v12  }
0x125: {  	[tilespmem:v30+s2+$0x0] =	vst.idx.add.f32.msk $0xffff, v15;
	v15 =	vmul.f32 v24, v9;
	v9 =	vmov v27  }
0x126: {  	[tilespmem:v31+s2+$0x0] =	vst.idx.add.f32.msk $0xffff, v18  }
0x127: {  	v13 =	vld.idx.msk [tilespmem:v1+s22+$0x0], $0xffff  }
0x128: {  	v18 =	vld.idx.msk [tilespmem:v2+s22+$0x0], $0xffff  }
0x129: {  	v12 =	vmul.f32 v14, v11;
	v14 =	vld.idx.msk [tilespmem:v3+s22+$0x0], $0xffff  }
0x12a: {  	[tilespmem:v6+s25+$0x0] =	vst.idx.add.f32.msk $0xffff, v17;
	v6 =	vmov v29  }
.Ltmp2:
0x12b: {  	[tilespmem:v28+s24+$0x0] =	vst.idx.add.f32.msk $0xffff, v12;
	(pc) =	sbr.rel @p0 .LBB2_7-.Ltmp2, $4  }
0x12c: {  	v12 =	vld.idx.msk [tilespmem:v19+s23+$0x0], $0xffff  }
0x12d: {  	v17 =	vmul.f32 v13, v5;
	[tilespmem:v4+s25+$0x0] =	vst.idx.add.f32.msk $0xffff, v16;
	v4 =	vmov v30  }
0x12e: {  	v13 =	vmul.f32 v18, v10;
	[tilespmem:v7+s25+$0x0] =	vst.idx.add.f32.msk $0xffff, v15;
	v7 =	vmov v31  }
0x12f: {  	s11 =	sadd.s32 $0x50, s11;
	v14 =	vmul.f32 v14, v9;
	[tilespmem:v29+s24+$0x0] =	vst.idx.add.f32.msk $0xffff, v17  }
0x130: {  	_ =	sdelay $0x3  }
0x131: {  	[tilespmem:v4+s24+$0x0] =	vst.idx.add.f32.msk $0xffff, v13  }
0x132: {  	v1 =	vld.idx.msk [tilespmem:v1+s23+$0x0], $0xffff  }
0x133: {  	[tilespmem:v7+s24+$0x0] =	vst.idx.add.f32.msk $0xffff, v14  }
0x134: {  	v2 =	vld.idx.msk [tilespmem:v2+s23+$0x0], $0xffff  }
0x135: {  	v3 =	vld.idx.msk [tilespmem:v3+s23+$0x0], $0xffff  }
0x136: {  	s7 =	sadd.s32 $0x1, s7  }
0x137: {  	v11 =	vmul.f32 v12, v11;
	p0 =	sne.s32 s7, $0x28  }
.Ltmp3:
0x138: {  	v1 =	vmul.f32 v1, v5;
	(pc) =	sbr.rel @p0 .LBB2_4-.Ltmp3, $4  }
0x139: {  	[tilespmem:v8+s25+$0x0] =	vst.idx.add.f32.msk $0xffff, v11;
	v2 =	vmul.f32 v2, v10  }
0x13a: {  	v3 =	vmul.f32 v3, v9;
	[tilespmem:v6+s25+$0x0] =	vst.idx.add.f32.msk $0xffff, v1  }
0x13b: {  	[tilespmem:v4+s25+$0x0] =	vst.idx.add.f32.msk $0xffff, v2  }
0x13c: {  	[tilespmem:v7+s25+$0x0] =	vst.idx.add.f32.msk $0xffff, v3  }
0x13d: {  	[hbm4b:s15+s3] =	stream.linear.scatter [tilespmem:s0], [sflag:$0x3], $0x2710, $0x38;
	[tilespmem:$0x19C00] =	vst v63  }
0x13e: {  	_ =	swait.ge [sflag:s20], $0x2710  }
0x13f: {  	[sflag:s20] =	ssyncset.done $0x0  }
0x140: {  	[sflag:s20] =	ssyncadd.s32 $0xFFFFD8F0  }
0x141: {  	[hbm4b:s16+s3] =	stream.linear.scatter [tilespmem:s2], [sflag:$0x3], $0x2710, $0x38;
	[tilespmem:$0x19C00] =	vst v63  }
0x142: {  	_ =	swait.ge [sflag:s20], $0x2710  }
0x143: {  	[sflag:s20] =	ssyncset.done $0x0  }
0x144: {  	[sflag:s20] =	ssyncadd.s32 $0xFFFFD8F0  }
0x145: {  	[hbm4b:s17+s3] =	stream.linear.scatter [tilespmem:s24], [sflag:$0x3], $0x2710, $0x38;
	[tilespmem:$0x19C00] =	vst v63  }
0x146: {  	s6 =	sadd.s32 $0x1, s6;
	_ =	swait.ge [sflag:s20], $0x2710  }
0x147: {  	p0 =	sne.s32 s6, s19;
	[sflag:s20] =	ssyncset.done $0x0  }
.Ltmp4:
0x148: {  	[sflag:s20] =	ssyncadd.s32 $0xFFFFD8F0;
	(pc) =	sbr.rel @p0 .LBB2_1-.Ltmp4, $4  }
0x149: {  	[hbm4b:s18+s3] =	stream.linear.scatter [tilespmem:s25], [sflag:$0x3], $0x2710, $0x38;
	[tilespmem:$0x19C00] =	vst v63  }
0x14a: {  	_ =	swait.ge [sflag:s20], $0x2710  }
0x14b: {  	[sflag:s20] =	ssyncset.done $0x0  }
0x14c: {  	[sflag:s20] =	ssyncadd.s32 $0xFFFFD8F0  }
0x14d: {  	_ =	sfence.sel $0x180000  }
0x14e: {  	[bflag:$0x0] =	sbarrier.arrive $0xFFFF  }
0x14f: {  	_ =	strace $0x9000004A  }
0x150: {  	s0 =	stileid.u32;
	[bflag:$0x2] =	sbarrier.arrive $0xFFFF  }
0x151: {  	p0 =	sne.s32 s0, $0x0;
	s0 =	rddreg [dreg:$0x2]  }
0x152: {  	s0 =	sadd.s32 @!p0 $0x100000, s0  }
0x153: {  	[sflag:s0] =	ssyncadd.tile.s32 @!p0 $0x1;
	_ =	shalt  }
.Lfunc_end2:
_tile_overlayer_lowered:
.L_overlay_start_2:
0x154: {  	(tag) =	ssettag $0x2  }
0x155: {  	s0 =	rddreg [dreg:$0x0];
	s2 =	stileid.u32  }
0x156: {  	s1 =	rddreg [dreg:$0x1];
	p0 =	sne.s32 s2, $0x0  }
0x157: {  	s3 =	rddreg [dreg:$0x2];
	[bflag:$0x3] =	sbarrier.arrive $0xFFFF;
	s2 =	simm.s32 @!p0 $0x1C03  }
0x158: {  	[timem:s3], [sflag:s2] =	dma.local @!p0 [hbm:s0], s1  }
0x159: {  	s0 =	simm.s32 @!p0 $0x3  }
0x15a: {  	_ =	swait.ge @!p0 [sflag:s0], s1  }
0x15b: {  	s1 =	ssub.s32 @!p0 $0x0, s1;
	[sflag:s0] =	ssyncset.done @!p0 $0x0  }
0x15c: {  	[sflag:s0] =	ssyncadd.s32 @!p0 s1  }
0x15d: {  	[bflag:$0x3] =	sbarrier.arrive $0xFFFF  }
0x15e: {  	_ =	shalt  }

// kernel: kernel.16.cloned.1.call-start
scs
__scs_entry_jumppad:
0x0: {  	(pc) =	sbr.rel $0x88, $3  }
0x1: {  	(tag) =	ssettag $0x0;
	lr =	simm.s32 $0x1  }
0x2: {  	[smem:$0x3F94] =	sst lr;
	_ =	strace $0xD0000000  }
0x3: {  	_ = 	snop  }
0x4: {  	_ = 	snop  }
0x5: {  	_ = 	snop  }
0x6: {  	_ = 	snop  }
0x7: {  	_ = 	snop  }
__scs_overlays_trampoline_lowered:
0x8: {  	[smem:$0x3FA3] =	sst s0  }
0x9: {  	[smem:$0x3FA4] =	sst s1  }
0xa: {  	[smem:$0x3FA5] =	sst s2  }
0xb: {  	[smem:$0x3FA6] =	sst s3  }
0xc: {  	[smem:$0x3FA7] =	sst s4  }
0xd: {  	[smem:$0x3FA8] =	sst s5  }
0xe: {  	[smem:$0x3FA9] =	sst s6  }
0xf: {  	[smem:$0x3FAA] =	sst s7  }
0x10: {  	[smem:$0x3FAB] =	sst s8  }
0x11: {  	[smem:$0x3FAC] =	sst s9;
	s0 =	simm.s32 @!p0 $0x0  }
0x12: {  	s1 =	sld [smem:$0x3F92];
	s0 =	simm.s32 @p0 $0x1  }
0x13: {  	[smem:$0x3FAD] =	sst s0;
	s0 =	simm.s32 @!p1 $0x0  }
0x14: {  	s2 =	sld [smem:$0x3F91];
	s0 =	simm.s32 @p1 $0x1  }
0x15: {  	[smem:$0x3FAE] =	sst s0;
	s0 =	simm.s32 @!p2 $0x0  }
0x16: {  	s3 =	sld [smem:$0x3FDB];
	s0 =	simm.s32 @p2 $0x1  }
0x17: {  	s4 =	simm.s32 $0x1BF5;
	[smem:$0x3FB0] =	sst s0  }
0x18: {  	s0 =	sld [smem:$0x3F93];
	_ =	swait.ge [sflag:s4], $0x0  }
0x19: {  	s7 =	sld [smem:$0x3F94]  }
0x1a: {  	s8 =	sadd.s32 $0xFFFFE003, lr  }
0x1b: {  	s9 =	sadd.s32 $0xFFFFFEF7, lr;
	s5 =	simm.s32 $0xFFFFFFFF;
	p2 =	slt.u32 s8, $0xFFFFF086  }
0x1c: {  	p1 =	slt.u32 s9, $0xF7A;
	s5 =	simm.s32 @!p2 $0x0  }
0x1d: {  	s5 =	simm.s32 @p1 $0x1;
	p0 =	seq.s32 s7, s2  }
0x1e: {  	s7 =	smul.u32 @!p0 $0xF7A, s2;
	p2 =	seq.s32 @!p0 s5, $0x0  }
0x1f: {  	s9 =	smul.u32 $0xF7A, s1;
	s8 =	simm.s32 @!p0 $0x1BF5;
	p2 =	por !p2, p0  }
0x20: {  	[sflag:s8] =	ssyncset.s32 @!p0 $0xFFFFF086;
	s6 =	sadd.s32 @!p0 s3, s7;
	s7 =	simm.s32 @!p0 $0x108  }
0x21: {  	s3 =	sadd.s32 s3, s9;
	s6 =	sadd.s32 @!p0 $0x88, s6;
	s7 =	simm.s32 @p2 $0x1082  }
0x22: {  	[simem:s7], [sflag:s8] =	dma.local @!p0 [hbm:s6], $0xF7A  }
0x23: {  	s9 =	sor.u32 $0xD0000000, s2;
	s6 =	simm.s32 $0x108;
	_ =	swait.ge @!p0 [sflag:s8], $0x0  }
0x24: {  	s3 =	sadd.s32 $0x88, s3;
	s6 =	simm.s32 @!p1 $0x1082;
	[sflag:s4] =	ssyncset.s32 $0xFFFFF086  }
0x25: {  	[simem:s6], [sflag:s4] =	dma.local [hbm:s3], $0xF7A  }
0x26: {  	[smem:$0x3F94] =	sst s1;
	(tag) =	ssettag s2;
	_ =	strace s9  }
0x27: {  	s1 =	sld [smem:$0x3FA4]  }
0x28: {  	s2 =	sld [smem:$0x3FA5]  }
0x29: {  	s4 =	sld [smem:$0x3FA7]  }
0x2a: {  	p0 =	seq.s32 s5, $0x0;
	s5 =	sld [smem:$0x3FA8]  }
0x2b: {  	s6 =	sld [smem:$0x3FA9]  }
0x2c: {  	s7 =	sld [smem:$0x3FAA]  }
0x2d: {  	s3 =	simm.s32 $0x108;
	s8 =	sld [smem:$0x3FAB]  }
0x2e: {  	s3 =	simm.s32 @!p0 $0x1082;
	s9 =	sld [smem:$0x3FAC]  }
0x2f: {  	lr =	sadd.s32 s0, s3;
	s0 =	sld [smem:$0x3FA3]  }
0x30: {  	s3 =	sld [smem:$0x3FA6]  }
0x31: {  	[smem:$0x3FAF] =	sst s10  }
0x32: {  	s10 =	sld [smem:$0x3FAD];
	_ =	sdelay $0x3  }
0x33: {  	p0 =	seq.s32 s10, $0x1;
	s10 =	sld [smem:$0x3FAF];
	_ =	sdelay $0x3  }
0x34: {  	[smem:$0x3FAF] =	sst s10  }
0x35: {  	s10 =	sld [smem:$0x3FAE];
	_ =	sdelay $0x3  }
0x36: {  	p1 =	seq.s32 s10, $0x1;
	s10 =	sld [smem:$0x3FAF];
	_ =	sdelay $0x3  }
0x37: {  	[smem:$0x3FAF] =	sst s10  }
0x38: {  	s10 =	sld [smem:$0x3FB0]  }
0x39: {  	_ = 	snop;
	(pc) =	sbr.ind lr, $3  }
0x3a: {  	_ = 	snop  }
0x3b: {  	_ = 	snop  }
0x3c: {  	p2 =	seq.s32 s10, $0x1;
	s10 =	sld [smem:$0x3FAF]  }
0x3d: {  	_ =	shalt  }
0x3e: {  	_ =	shalt  }
0x3f: {  	_ =	shalt  }
0x40: {  	_ =	shalt  }
0x41: {  	_ =	shalt  }
0x42: {  	_ =	shalt  }
0x43: {  	_ =	shalt  }
0x44: {  	_ =	shalt  }
0x45: {  	_ =	shalt  }
0x46: {  	_ =	shalt  }
0x47: {  	_ =	shalt  }
0x48: {  	_ =	shalt  }
0x49: {  	_ =	shalt  }
0x4a: {  	_ =	shalt  }
0x4b: {  	_ =	shalt  }
0x4c: {  	_ =	shalt  }
0x4d: {  	_ =	shalt  }
0x4e: {  	_ =	shalt  }
0x4f: {  	_ =	shalt  }
0x50: {  	_ =	shalt  }
0x51: {  	_ =	shalt  }
0x52: {  	_ =	shalt  }
0x53: {  	_ =	shalt  }
0x54: {  	_ =	shalt  }
0x55: {  	_ =	shalt  }
0x56: {  	_ =	shalt  }
0x57: {  	_ =	shalt  }
0x58: {  	_ =	shalt  }
0x59: {  	_ =	shalt  }
0x5a: {  	_ =	shalt  }
0x5b: {  	_ =	shalt  }
0x5c: {  	_ =	shalt  }
0x5d: {  	_ =	shalt  }
0x5e: {  	_ =	shalt  }
0x5f: {  	_ =	shalt  }
0x60: {  	_ =	shalt  }
0x61: {  	_ =	shalt  }
0x62: {  	_ =	shalt  }
0x63: {  	_ =	shalt  }
0x64: {  	_ =	shalt  }
0x65: {  	_ =	shalt  }
0x66: {  	_ =	shalt  }
0x67: {  	_ =	shalt  }
0x68: {  	_ =	shalt  }
0x69: {  	_ =	shalt  }
0x6a: {  	_ =	shalt  }
0x6b: {  	_ =	shalt  }
0x6c: {  	_ =	shalt  }
0x6d: {  	_ =	shalt  }
0x6e: {  	_ =	shalt  }
0x6f: {  	_ =	shalt  }
0x70: {  	_ =	shalt  }
0x71: {  	_ =	shalt  }
0x72: {  	_ =	shalt  }
0x73: {  	_ =	shalt  }
0x74: {  	_ =	shalt  }
0x75: {  	_ =	shalt  }
0x76: {  	_ =	shalt  }
0x77: {  	_ =	shalt  }
0x78: {  	_ =	shalt  }
0x79: {  	_ =	shalt  }
0x7a: {  	_ =	shalt  }
0x7b: {  	_ =	shalt  }
0x7c: {  	_ =	shalt  }
0x7d: {  	_ =	shalt  }
0x7e: {  	_ =	shalt  }
0x7f: {  	_ =	shalt  }
0x80: {  	_ =	shalt  }
0x81: {  	_ =	shalt  }
0x82: {  	_ =	shalt  }
0x83: {  	_ =	shalt  }
0x84: {  	_ =	shalt  }
0x85: {  	_ =	shalt  }
0x86: {  	_ =	shalt  }
0x87: {  	_ =	shalt  }
.Lfunc_end0:
.L_simem_size_0:
called_computation.2_lowered:
.L_overlay_start_0:
0x88: {  	s2 =	sld [smem:$0x3FD9]  }
0x89: {  	s3 =	sld [smem:$0x3FFE];
	_ =	sdelay $0x1  }
0x8a: {  	s1 =	srdreg.scid  }
0x8b: {  	s0 =	sand.u32 $0x1, s1  }
0x8c: {  	s17 =	sshll.u32 s0, $0xA;
	s2 =	sadd.s32 s3, s2  }
0x8d: {  	s2 =	sadd.s32 s2, s17  }
0x8e: {  	[smem:$0x3FBB] =	sst s2  }
0x8f: {  	_ = 	snop  }
0x90: {  	s2 =	sld [smem:$0x3FC7];
	(tm) =	ssettm $0x1  }
0x91: {  	s18 =	sld [smem:$0x3FFB];
	_ =	sdelay $0x3  }
0x92: {  	_ =	strace s18  }
0x93: {  	s3 =	sld [smem:$0x3FFC];
	_ =	sdelay $0x3  }
0x94: {  	_ =	strace s3  }
0x95: {  	s3 =	sld [smem:$0x3FFD];
	_ =	sdelay $0x3  }
0x96: {  	_ =	strace s3  }
0x97: {  	_ =	strace $0x8FFFFFFF  }
0x98: {  	s19 =	sld [smem:$0x3FDB];
	_ =	sdelay $0x1  }
0x99: {  	s4 =	simm.s32 $_scs_section_size  }
0x9a: {  	s5 =	simm.s32 $_size__tile_overlayer_lowered;
	s6 =	simm.s32 $_tile_overlayer_lowered  }
0x9b: {  	s22 =	simm.s32 $0x1BFF;
	s21 =	sshll.u32 s6, $0x1;
	s3 =	sadd.s32 s4, s19  }
0x9c: {  	s7 =	simm.s32 $0x0;
	s20 =	sshll.u32 s5, $0x1;
	s5 =	sadd.s32 s21, s3  }
0x9d: {  	[timem:s7], [sflag:s22] =	dma.local [hbm:s5], s20  }
0x9e: {  	_ =	swait.ge [sflag:s22], s20  }
0x9f: {  	s4 =	ssub.s32 $0x0, s20;
	[sflag:s22] =	ssyncset.done $0x0  }
0xa0: {  	[sflag:s22] =	ssyncadd.s32 s4;
	_ =	sdelay $0x1  }
0xa1: {  	s23 =	simm.s32 $0x1B8B  }
0xa2: {  	_ =	swait.ge [sflag:s23], $0x1  }
0xa3: {  	[sflag:s23] =	ssyncset.done $0x0  }
0xa4: {  	s25 =	simm.s32 $0x1B8E;
	s24 =	sld [smem:$0x3FFE];
	[sflag:s23] =	ssyncadd.s32 $0xFFFFFFFF  }
0xa5: {  	s26 =	simm.s32 $execute0_lowered;
	[smem:$0x3FD2] =	sst s25  }
0xa6: {  	s5 =	sshll.u32 s26, $0x1;
	_ =	strace $0x8000004C;
	[dreg:$0x1] =	wrdreg $0xFFFFFFFF  }
0xa7: {  	s28 =	simm.s32 $_size_execute0_lowered;
	s3 =	sadd.s32 s3, s5;
	[dreg:$0x0] =	wrdreg $0x0  }
0xa8: {  	s5 =	sshll.u32 s28, $0x1;
	[dreg:$0x2] =	wrdreg s3  }
0xa9: {  	[dreg:$0x3] =	wrdreg s5  }
0xaa: {  	[dreg:$0x4] =	wrdreg $0xC0  }
0xab: {  	_ =	task [dreg:s7], $0x5FFFF  }
0xac: {  	[dreg:$0x1] =	wrdreg $0xFFFFFFFF  }
0xad: {  	[dreg:$0x0] =	wrdreg $0x60  }
0xae: {  	[dreg:$0x2] =	wrdreg s24  }
0xaf: {  	[dreg:$0x3] =	wrdreg s2  }
0xb0: {  	[dreg:$0x4] =	wrdreg $0x9  }
0xb1: {  	_ =	task.clear_ibuf [dreg:s7], $0x5FFFF;
	_ =	strace $0x9000004C  }
0xb2: {  	s29 =	simm.s32 $0x9;
	_ =	strace $0x8000004E  }
0xb3: {  	_ =	swait.ge [sflag:s29], $0x1  }
0xb4: {  	[sflag:s29] =	ssyncadd.s32 $0xFFFFFFFF  }
0xb5: {  	_ =	strace $0x9000004E  }
0xb6: {  	_ =	sfence  }
0xb7: {  	s30 =	sld [smem:$0x0];
	_ =	sdelay $0x2  }
0xb8: {  	s31 =	sshll.u32 s1, $0xD;
	s1 =	sshrl.u32 s1, $0x2  }
0xb9: {  	s3 =	sand.u32 $0x4000, s31;
	s1 =	sadd.s32 s1, s30  }
0xba: {  	s0 =	sor.u32 s3, s0;
	s1 =	sshll.u32 s1, $0x11  }
0xbb: {  	s0 =	sor.u32 s1, s0  }
0xbc: {  	s0 =	sadd.s32 $0x8F2B, s0  }
0xbd: {  	[sflag:s0] =	ssyncadd.remote.s32 $0x1  }
0xbe: {  	_ =	sfence.sel $0xFFFF  }
0xbf: {  	[dreg:$0x0] =	wrdreg $0xFFFFFFFF;
	(pc) =	sbr.abs _section_cstart, $3  }
0xc0: {  	[dreg:$0x1] =	wrdreg $0xFFFFFFFF  }
0xc1: {  	_ =	task.clear_ibuf [dreg:s7], $0x2FFFF;
	_ =	strace $0x9FFFFFFF  }
0xc2: {  	(tm) =	ssettm $0x7FFFFFFF  }
0xc3: {  	_ =	shalt  }
tec
execute0_lowered:
.L_overlay_start_1:
0x0: {  	(tag) =	ssettag $0x1  }
0x1: {  	s0 =	rddreg [dreg:$0x0]  }
0x2: {  	s1 =	rddreg [dreg:$0x1];
	s2 =	srdreg.scid  }
0x3: {  	s3 =	simm.s32 $0x0;
	s5 =	stileid.u32;
	s20 =	simm.s32 $0x3  }
0x4: {  	s28 =	simm.s32 $0x16C00;
	s29 =	simm.s32 $0x17C00;
	s30 =	simm.s32 $0x18C00  }
0x5: {  	s31 =	simm.s32 $0x1;
	s2 =	sand.u32 $0x1, s2;
	[smem:$0x7FF] =	sst s3  }
0x6: {  	s6 =	sadd.s32 $0x15E00, s0;
	s4 =	sshll.u32 s2, $0x4;
	_ =	strace $0x8000004D  }
0x7: {  	s2 =	ssub.s32 $0x2, s2;
	s7 =	sor.u32 s5, s4;
	s4 =	sadd.s32 $0x2200, s0  }
0x8: {  	s5 =	sadd.s32 $0xC000, s0;
	s9 =	sshrl.u32 s2, $0x1;
	s8 =	smul.u32 $0x9C40, s7  }
0x9: {  	s0 =	sadd.s32 $0x3D000, s0;
	s10 =	smul.u32 $0x1388, s7;
	s2 =	ssub.s32 s2, s9  }
0xa: {  	s21 =	sshll.u32 s7, $0x1;
	s13 =	smul.u32 $0x3E8, s7;
	s19 =	smax.u32 s2, $0x1  }
0xb: {  	s2 =	simm.s32 $0xC580;
	s8 =	sshrl.u32 s8, $0x3;
	s11 =	sadd.s32 s6, s10  }
0xc: {  	s24 =	sadd.s32 s4, s13;
	s25 =	sadd.s32 s5, s13;
	[dreg:$0x3] =	wrdreg s11  }
0xd: {  	s26 =	sadd.s32 s1, s13;
	s13 =	sshllo.u32 s7, $0x1;
	[dreg:$0x7] =	wrdreg s24  }
0xe: {  	s15 =	sadd.s32 s0, s10;
	s22 =	sadd.s32 $0x4E2, s8;
	[dreg:$0x8] =	wrdreg s25  }
0xf: {  	s12 =	sadd.s32 $0x9C4, s8;
	s8 =	sadd.s32 $0xEA6, s8;
	[dreg:$0x9] =	wrdreg s26  }
0x10: {  	s24 =	simm.s32 $0xED00;
	s25 =	simm.s32 $0x11480;
	s26 =	simm.s32 $0x2  }
0x11: {  	s14 =	sadd.s32 s6, s22;
	s23 =	sadd.s32 s6, s12;
	s6 =	sadd.s32 s6, s8  }
0x12: {  	s16 =	sadd.s32 s0, s22;
	s17 =	sadd.s32 s0, s12;
	[dreg:$0x4] =	wrdreg s14  }
0x13: {  	s18 =	sadd.s32 s0, s8;
	s22 =	simm.s32 $0x4F00;
	[dreg:$0x5] =	wrdreg s23  }
0x14: {  	s0 =	simm.s32 $0x9E00;
	[dreg:$0x6] =	wrdreg s6;
	s14 =	sadd.s32 $0x2, s21  }
0x15: {  	v0 =	vimm.f32 $0.0e+00;
	s21 =	simm.s32 $0x2780;
	s23 =	simm.s32 $0x7680;
	s6 =	simm.s32 $0x0  }
.LBB2_1:
0x16: {  	s7 =	rddreg [dreg:$0x3]  }
0x17: {  	[tilespmem:s3], [sflag:$0x3] =	stream.linear.gather [hbm4b:s7+s3], $0x2710, $0x38;
	[tilespmem:$0x19C00] =	vst v63  }
0x18: {  	_ =	swait.ge [sflag:s20], $0x2710  }
0x19: {  	[sflag:s20] =	ssyncset.done $0x0  }
0x1a: {  	s10 =	rddreg [dreg:$0x4];
	[sflag:s20] =	ssyncadd.s32 $0xFFFFD8F0  }
0x1b: {  	[tilespmem:s21], [sflag:$0x3] =	stream.linear.gather [hbm4b:s10+s3], $0x2710, $0x38;
	[tilespmem:$0x19C00] =	vst v63  }
0x1c: {  	_ =	swait.ge [sflag:s20], $0x2710  }
0x1d: {  	[sflag:s20] =	ssyncset.done $0x0  }
0x1e: {  	s11 =	rddreg [dreg:$0x5];
	[sflag:s20] =	ssyncadd.s32 $0xFFFFD8F0  }
0x1f: {  	[tilespmem:s22], [sflag:$0x3] =	stream.linear.gather [hbm4b:s11+s3], $0x2710, $0x38;
	[tilespmem:$0x19C00] =	vst v63  }
0x20: {  	_ =	swait.ge [sflag:s20], $0x2710  }
0x21: {  	[sflag:s20] =	ssyncset.done $0x0  }
0x22: {  	s12 =	rddreg [dreg:$0x6];
	[sflag:s20] =	ssyncadd.s32 $0xFFFFD8F0  }
0x23: {  	[tilespmem:s23], [sflag:$0x3] =	stream.linear.gather [hbm4b:s12+s3], $0x2710, $0x38;
	[tilespmem:$0x19C00] =	vst v63  }
0x24: {  	_ =	swait.ge [sflag:s20], $0x2710  }
0x25: {  	[sflag:s20] =	ssyncset.done $0x0  }
0x26: {  	s8 =	simm.s32 $0x40;
	s7 =	simm.s32 $0x0;
	[sflag:s20] =	ssyncadd.s32 $0xFFFFD8F0  }
.LBB2_2:
0x27: {  	p0 =	sne.s32 s8, $0x9C00;
	[tilespmem:s7+$0x11480] =	vst v0;
	s9 =	smov.u32 s8;
	s8 =	sadd.s32 $0x40, s8  }
.Ltmp0:
0x28: {  	[tilespmem:s7+$0xED00] =	vst v0;
	(pc) =	sbr.rel @p0 .LBB2_2-.Ltmp0, $3  }
0x29: {  	[tilespmem:s7+$0x9E00] =	vst v0  }
0x2a: {  	[tilespmem:s7+$0xC580] =	vst v0;
	_ =	sdelay $0x1  }
0x2b: {  	s7 =	sshra.s32 s9, $0x2  }
0x2c: {  	[tilespmem:s7+$0x11480] =	vst v0  }
0x2d: {  	[tilespmem:s7+$0xED00] =	vst v0  }
0x2e: {  	[tilespmem:s7+$0x9E00] =	vst v0  }
0x2f: {  	[tilespmem:s7+$0xC580] =	vst v0;
	s7 =	simm.s32 $0x0;
	s8 =	rddreg [dreg:$0x7];
	s9 =	simm.s32 $0x13C00  }
0x30: {  	[tilespmem:s9], [sflag:$0x1] =	stream.linear.gather [hbm4b:s8+s7], $0xFA0, $0x38;
	[tilespmem:$0x19C00] =	vst v63  }
0x31: {  	s10 =	simm.s32 $0x14C00;
	s9 =	rddreg [dreg:$0x8]  }
0x32: {  	[tilespmem:s10], [sflag:$0x1] =	stream.linear.gather [hbm4b:s9+s7], $0xFA0, $0x38;
	[tilespmem:$0x19C00] =	vst v63  }
0x33: {  	s11 =	rddreg [dreg:$0x9];
	s12 =	simm.s32 $0x15C00  }
0x34: {  	[tilespmem:s12], [sflag:$0x1] =	stream.linear.gather [hbm4b:s11+s7], $0xFA0, $0x38;
	[tilespmem:$0x19C00] =	vst v63  }
.LBB2_4:
0x35: {  	s8 =	sshll.u32 s7, $0x1  }
0x36: {  	s9 =	sadd.s32 s8, s13  }
0x37: {  	s10 =	smulhi.u32 $0x66666667, s9;
	_ =	sdelay $0x1  }
0x38: {  	s10 =	sshrl.u32 s10, $0x5  }
0x39: {  	s10 =	smul.u32 $0x50, s10;
	_ =	sdelay $0x1  }
0x3a: {  	s9 =	ssub.s32 s9, s10  }
0x3b: {  	s9 =	smul.u32 $0x1F4, s9;
	_ =	sdelay $0x1  }
0x3c: {  	s12 =	sadd.s32 s4, s9  }
0x3d: {  	[tilespmem:s28], [sflag:$0x2] =	stream.linear.gather [hbm4b:s12+s3], $0xFA0, $0x38;
	[tilespmem:$0x19C00] =	vst v63  }
0x3e: {  	s11 =	sadd.s32 s5, s9  }
0x3f: {  	[tilespmem:s29], [sflag:$0x2] =	stream.linear.gather [hbm4b:s11+s3], $0xFA0, $0x38;
	[tilespmem:$0x19C00] =	vst v63  }
0x40: {  	s9 =	sadd.s32 s1, s9  }
0x41: {  	[tilespmem:s30], [sflag:$0x2] =	stream.linear.gather [hbm4b:s9+s3], $0xFA0, $0x38;
	[tilespmem:$0x19C00] =	vst v63  }
0x42: {  	_ =	swait.ge [sflag:s31], $0xFA0  }
0x43: {  	[sflag:s31] =	ssyncset.done $0x0  }
0x44: {  	[sflag:s31] =	ssyncadd.s32 $0xFFFFF060  }
0x45: {  	_ =	swait.ge [sflag:s31], $0xFA0  }
0x46: {  	[sflag:s31] =	ssyncset.done $0x0  }
0x47: {  	[sflag:s31] =	ssyncadd.s32 $0xFFFFF060  }
0x48: {  	_ =	swait.ge [sflag:s31], $0xFA0  }
0x49: {  	[sflag:s31] =	ssyncset.done $0x0  }
0x4a: {  	s12 =	simm.s32 $0x13C20;
	[sflag:s31] =	ssyncadd.s32 $0xFFFFF060  }
0x4b: {  	v12 =	vld [tilespmem:s12+$0x20]  }
0x4c: {  	v3 =	vld [tilespmem:s12+$0xFFFFFFF0]  }
0x4d: {  	v1 =	vld [tilespmem:s12+$0x0]  }
0x4e: {  	v13 =	vld [tilespmem:s12+$0xFFFFFFE0]  }
0x4f: {  	s9 =	simm.s32 $0x14C20;
	v2 =	vld [tilespmem:s12+$0x10]  }
0x50: {  	s10 =	simm.s32 $0x15C20;
	v14 =	vld [tilespmem:s9+$0x20]  }
0x51: {  	v15 =	vld [tilespmem:s10+$0x20]  }
0x52: {  	v11 =	vld [tilespmem:s10+$0xFFFFFFE0]  }
0x53: {  	v6 =	vld [tilespmem:s10+$0xFFFFFFF0]  }
0x54: {  	v8 =	vld [tilespmem:s9+$0xFFFFFFE0]  }
0x55: {  	v4 =	vld.idx.msk [tilespmem:v12+s3+$0x0], $0xffff  }
0x56: {  	v5 =	vld [tilespmem:s9+$0xFFFFFFF0]  }
0x57: {  	v10 =	vld [tilespmem:s10+$0x0]  }
0x58: {  	v18 =	vld.idx.msk [tilespmem:v13+s3+$0x0], $0xffff  }
0x59: {  	v16 =	vld.idx.msk [tilespmem:v3+s3+$0x0], $0xffff  }
0x5a: {  	v9 =	vld [tilespmem:s10+$0x10];
	v4 =	vmul.f32 v4, v15  }
0x5b: {  	v17 =	vld.idx.msk [tilespmem:v1+s3+$0x0], $0xffff  }
0x5c: {  	[tilespmem:v14+s0+$0x0] =	vst.idx.add.f32.msk $0xffff, v4  }
0x5d: {  	v18 =	vmul.f32 v18, v11;
	v4 =	vld [tilespmem:s9+$0x0]  }
0x5e: {  	v16 =	vmul.f32 v16, v6;
	v7 =	vld.idx.msk [tilespmem:v12+s21+$0x0], $0xffff  }
0x5f: {  	[tilespmem:v8+s0+$0x0] =	vst.idx.add.f32.msk $0xffff, v18  }
0x60: {  	[tilespmem:v5+s0+$0x0] =	vst.idx.add.f32.msk $0xffff, v16  }
0x61: {  	v52 =	vld.idx.msk [tilespmem:v13+s21+$0x0], $0xffff  }
0x62: {  	v53 =	vld.idx.msk [tilespmem:v3+s21+$0x0], $0xffff  }
0x63: {  	v20 =	vmul.f32 v7, v15;
	v7 =	vld [tilespmem:s9+$0x10]  }
0x64: {  	v19 =	vld.idx.msk [tilespmem:v2+s3+$0x0], $0xffff;
	v17 =	vmul.f32 v17, v10  }
0x65: {  	[tilespmem:v14+s2+$0x0] =	vst.idx.add.f32.msk $0xffff, v20  }
0x66: {  	v57 =	vmul.f32 v52, v11;
	[tilespmem:v4+s0+$0x0] =	vst.idx.add.f32.msk $0xffff, v17  }
0x67: {  	v58 =	vmul.f32 v53, v6;
	v20 =	vld.idx.msk [tilespmem:v12+s22+$0x0], $0xffff  }
0x68: {  	[tilespmem:v8+s2+$0x0] =	vst.idx.add.f32.msk $0xffff, v57  }
0x69: {  	v51 =	vmul.f32 v19, v9;
	[tilespmem:v5+s2+$0x0] =	vst.idx.add.f32.msk $0xffff, v58  }
0x6a: {  	v55 =	vld.idx.msk [tilespmem:v1+s21+$0x0], $0xffff  }
0x6b: {  	[tilespmem:v7+s0+$0x0] =	vst.idx.add.f32.msk $0xffff, v51  }
0x6c: {  	v54 =	vmul.f32 v20, v15;
	v56 =	vld.idx.msk [tilespmem:v2+s21+$0x0], $0xffff  }
0x6d: {  	v60 =	vld.idx.msk [tilespmem:v13+s22+$0x0], $0xffff  }
0x6e: {  	[tilespmem:v14+s24+$0x0] =	vst.idx.add.f32.msk $0xffff, v54  }
0x6f: {  	v59 =	vmul.f32 v55, v10;
	v12 =	vld.idx.msk [tilespmem:v12+s23+$0x0], $0xffff  }
0x70: {  	v62 =	vld.idx.msk [tilespmem:v3+s22+$0x0], $0xffff  }
0x71: {  	[tilespmem:v4+s2+$0x0] =	vst.idx.add.f32.msk $0xffff, v59;
	v61 =	vmul.f32 v56, v9  }
0x72: {  	v63 =	vld.idx.msk [tilespmem:v1+s22+$0x0], $0xffff  }
0x73: {  	v17 =	vmul.f32 v60, v11;
	[tilespmem:v7+s2+$0x0] =	vst.idx.add.f32.msk $0xffff, v61  }
0x74: {  	v12 =	vmul.f32 v12, v15;
	v15 =	vld.idx.msk [tilespmem:v2+s22+$0x0], $0xffff  }
0x75: {  	[tilespmem:v8+s24+$0x0] =	vst.idx.add.f32.msk $0xffff, v17  }
0x76: {  	[tilespmem:v14+s25+$0x0] =	vst.idx.add.f32.msk $0xffff, v12  }
0x77: {  	v14 =	vmul.f32 v62, v6;
	v12 =	vld.idx.msk [tilespmem:v13+s23+$0x0], $0xffff;
	_ =	sdelay $0x1  }
0x78: {  	s11 =	simm.s32 $0x0;
	s12 =	simm.s32 $0x13C70;
	v13 =	vmul.f32 v63, v10;
	[tilespmem:v5+s24+$0x0] =	vst.idx.add.f32.msk $0xffff, v14;
	v14 =	vmul.f32 v15, v9  }
.LBB2_5:
0x79: {  	v15 =	vld [tilespmem:s12+$0x20];
	s11 =	sadd.s32 $0x5, s11  }
0x7a: {  	v16 =	vld [tilespmem:s12+$0xFFFFFFF0];
	p0 =	slt.u32 s11, $0xF5  }
0x7b: {  	v12 =	vmul.f32 v12, v11;
	v17 =	vld [tilespmem:s12+$0x0]  }
0x7c: {  	v18 =	vld [tilespmem:s12+$0x10]  }
0x7d: {  	v19 =	vld [tilespmem:s12+$0xFFFFFFE0]  }
0x7e: {  	[tilespmem:v4+s24+$0x0] =	vst.idx.add.f32.msk $0xffff, v13  }
0x7f: {  	s9 =	sadd.s32 $0x50, s9;
	[tilespmem:v7+s24+$0x0] =	vst.idx.add.f32.msk $0xffff, v14  }
0x80: {  	v13 =	vld [tilespmem:s9+$0x20]  }
0x81: {  	s10 =	sadd.s32 $0x50, s10;
	v14 =	vld.idx.msk [tilespmem:v15+s3+$0x0], $0xffff  }
0x82: {  	v20 =	vld [tilespmem:s10+$0x20]  }
0x83: {  	v21 =	vld.idx.msk [tilespmem:v16+s3+$0x0], $0xffff  }
0x84: {  	v22 =	vld.idx.msk [tilespmem:v17+s3+$0x0], $0xffff  }
0x85: {  	v23 =	vld.idx.msk [tilespmem:v19+s3+$0x0], $0xffff  }
0x86: {  	v24 =	vld.idx.msk [tilespmem:v18+s3+$0x0], $0xffff  }
0x87: {  	v11 =	vld [tilespmem:s10+$0xFFFFFFE0];
	v14 =	vmul.f32 v14, v20  }
0x88: {  	v25 =	vld [tilespmem:s10+$0xFFFFFFF0]  }
0x89: {  	[tilespmem:v13+s0+$0x0] =	vst.idx.add.f32.msk $0xffff, v14  }
0x8a: {  	v14 =	vld.idx.msk [tilespmem:v15+s21+$0x0], $0xffff  }
0x8b: {  	v26 =	vld [tilespmem:s10+$0x0]  }
0x8c: {  	v23 =	vmul.f32 v23, v11;
	v27 =	vld [tilespmem:s10+$0x10]  }
0x8d: {  	v28 =	vld [tilespmem:s9+$0xFFFFFFE0];
	v21 =	vmul.f32 v21, v25  }
0x8e: {  	v29 =	vld [tilespmem:s9+$0xFFFFFFF0]  }
0x8f: {  	v30 =	vld [tilespmem:s9+$0x0]  }
0x90: {  	v14 =	vmul.f32 v14, v20;
	v22 =	vmul.f32 v22, v26;
	v31 =	vld [tilespmem:s9+$0x10]  }
0x91: {  	v24 =	vmul.f32 v24, v27;
	v32 =	vld.idx.msk [tilespmem:v3+s23+$0x0], $0xffff;
	v3 =	vmov v16  }
0x92: {  	[tilespmem:v13+s2+$0x0] =	vst.idx.add.f32.msk $0xffff, v14  }
0x93: {  	v14 =	vld.idx.msk [tilespmem:v15+s22+$0x0], $0xffff  }
0x94: {  	v16 =	vld.idx.msk [tilespmem:v1+s23+$0x0], $0xffff;
	v1 =	vmov v17  }
0x95: {  	[tilespmem:v28+s0+$0x0] =	vst.idx.add.f32.msk $0xffff, v23  }
0x96: {  	[tilespmem:v29+s0+$0x0] =	vst.idx.add.f32.msk $0xffff, v21  }
0x97: {  	v17 =	vmul.f32 v32, v6;
	v6 =	vmov v25;
	[tilespmem:v30+s0+$0x0] =	vst.idx.add.f32.msk $0xffff, v22  }
0x98: {  	[tilespmem:v31+s0+$0x0] =	vst.idx.add.f32.msk $0xffff, v24  }
0x99: {  	v14 =	vmul.f32 v14, v20;
	v21 =	vld.idx.msk [tilespmem:v19+s21+$0x0], $0xffff  }
0x9a: {  	v16 =	vmul.f32 v16, v10;
	v10 =	vmov v26;
	v22 =	vld.idx.msk [tilespmem:v3+s21+$0x0], $0xffff  }
0x9b: {  	[tilespmem:v13+s24+$0x0] =	vst.idx.add.f32.msk $0xffff, v14  }
0x9c: {  	v14 =	vld.idx.msk [tilespmem:v15+s23+$0x0], $0xffff  }
0x9d: {  	v15 =	vld.idx.msk [tilespmem:v1+s21+$0x0], $0xffff  }
0x9e: {  	v23 =	vld.idx.msk [tilespmem:v18+s21+$0x0], $0xffff  }
0x9f: {  	v21 =	vmul.f32 v21, v11;
	v24 =	vld.idx.msk [tilespmem:v2+s23+$0x0], $0xffff;
	v2 =	vmov v18  }
0xa0: {  	v18 =	vmul.f32 v22, v6;
	[tilespmem:v8+s25+$0x0] =	vst.idx.add.f32.msk $0xffff, v12;
	v8 =	vmov v28  }
0xa1: {  	[tilespmem:v28+s2+$0x0] =	vst.idx.add.f32.msk $0xffff, v21  }
0xa2: {  	v12 =	vmul.f32 v14, v20;
	[tilespmem:v29+s2+$0x0] =	vst.idx.add.f32.msk $0xffff, v18  }
0xa3: {  	v15 =	vmul.f32 v15, v10;
	v14 =	vld.idx.msk [tilespmem:v19+s22+$0x0], $0xffff  }
0xa4: {  	v18 =	vmul.f32 v23, v27;
	[tilespmem:v13+s25+$0x0] =	vst.idx.add.f32.msk $0xffff, v12  }
0xa5: {  	[tilespmem:v30+s2+$0x0] =	vst.idx.add.f32.msk $0xffff, v15;
	v15 =	vmul.f32 v24, v9;
	v9 =	vmov v27  }
0xa6: {  	[tilespmem:v31+s2+$0x0] =	vst.idx.add.f32.msk $0xffff, v18  }
0xa7: {  	v13 =	vld.idx.msk [tilespmem:v3+s22+$0x0], $0xffff  }
0xa8: {  	v18 =	vld.idx.msk [tilespmem:v1+s22+$0x0], $0xffff  }
0xa9: {  	v12 =	vmul.f32 v14, v11;
	v14 =	vld.idx.msk [tilespmem:v2+s22+$0x0], $0xffff  }
0xaa: {  	[tilespmem:v5+s25+$0x0] =	vst.idx.add.f32.msk $0xffff, v17;
	v5 =	vmov v29  }
.Ltmp1:
0xab: {  	[tilespmem:v28+s24+$0x0] =	vst.idx.add.f32.msk $0xffff, v12;
	(pc) =	sbr.rel @p0 .LBB2_5-.Ltmp1, $4  }
0xac: {  	v12 =	vld.idx.msk [tilespmem:v19+s23+$0x0], $0xffff  }
0xad: {  	v17 =	vmul.f32 v13, v6;
	[tilespmem:v4+s25+$0x0] =	vst.idx.add.f32.msk $0xffff, v16;
	v4 =	vmov v30  }
0xae: {  	v13 =	vmul.f32 v18, v10;
	[tilespmem:v7+s25+$0x0] =	vst.idx.add.f32.msk $0xffff, v15;
	v7 =	vmov v31  }
0xaf: {  	s12 =	sadd.s32 $0x50, s12;
	v14 =	vmul.f32 v14, v9;
	[tilespmem:v29+s24+$0x0] =	vst.idx.add.f32.msk $0xffff, v17  }
0xb0: {  	_ =	sdelay $0x3  }
0xb1: {  	[tilespmem:v4+s24+$0x0] =	vst.idx.add.f32.msk $0xffff, v13  }
0xb2: {  	p0 =	seq.s32 s7, $0x27;
	v3 =	vld.idx.msk [tilespmem:v3+s23+$0x0], $0xffff  }
0xb3: {  	[tilespmem:v7+s24+$0x0] =	vst.idx.add.f32.msk $0xffff, v14;
	s8 =	sadd.s32 @!p0 s8, s14  }
0xb4: {  	v1 =	vld.idx.msk [tilespmem:v1+s23+$0x0], $0xffff;
	s9 =	smulhi.u32 @!p0 $0x66666667, s8  }
0xb5: {  	v2 =	vld.idx.msk [tilespmem:v2+s23+$0x0], $0xffff  }
0xb6: {  	s9 =	sshrl.u32 @!p0 s9, $0x5  }
0xb7: {  	v11 =	vmul.f32 v12, v11;
	s9 =	smul.u32 @!p0 $0x50, s9  }
0xb8: {  	v3 =	vmul.f32 v3, v6  }
0xb9: {  	[tilespmem:v8+s25+$0x0] =	vst.idx.add.f32.msk $0xffff, v11;
	v1 =	vmul.f32 v1, v10;
	s8 =	ssub.s32 @!p0 s8, s9  }
0xba: {  	v2 =	vmul.f32 v2, v9;
	[tilespmem:v5+s25+$0x0] =	vst.idx.add.f32.msk $0xffff, v3;
	s8 =	smul.u32 @!p0 $0x1F4, s8  }
0xbb: {  	[tilespmem:v4+s25+$0x0] =	vst.idx.add.f32.msk $0xffff, v1  }
0xbc: {  	s10 =	simm.s32 @!p0 $0x0;
	s11 =	simm.s32 @!p0 $0x13C00;
	[tilespmem:v7+s25+$0x0] =	vst.idx.add.f32.msk $0xffff, v2;
	s9 =	sadd.s32 @!p0 s4, s8  }
0xbd: {  	[tilespmem:s11], [sflag:$0x1] =	stream.linear.gather @!p0 [hbm4b:s9+s10], $0xFA0, $0x38;
	[tilespmem:$0x19C00] =	vst v63  }
0xbe: {  	s9 =	sadd.s32 @!p0 s5, s8;
	s11 =	simm.s32 @!p0 $0x14C00  }
0xbf: {  	[tilespmem:s11], [sflag:$0x1] =	stream.linear.gather @!p0 [hbm4b:s9+s10], $0xFA0, $0x38;
	[tilespmem:$0x19C00] =	vst v63  }
0xc0: {  	s8 =	sadd.s32 @!p0 s1, s8;
	s9 =	simm.s32 @!p0 $0x15C00  }
0xc1: {  	[tilespmem:s9], [sflag:$0x1] =	stream.linear.gather @!p0 [hbm4b:s8+s10], $0xFA0, $0x38;
	[tilespmem:$0x19C00] =	vst v63  }
0xc2: {  	_ =	swait.ge [sflag:s26], $0xFA0  }
0xc3: {  	[sflag:s26] =	ssyncset.done $0x0  }
0xc4: {  	[sflag:s26] =	ssyncadd.s32 $0xFFFFF060  }
0xc5: {  	_ =	swait.ge [sflag:s26], $0xFA0  }
0xc6: {  	[sflag:s26] =	ssyncset.done $0x0  }
0xc7: {  	[sflag:s26] =	ssyncadd.s32 $0xFFFFF060  }
0xc8: {  	_ =	swait.ge [sflag:s26], $0xFA0  }
0xc9: {  	[sflag:s26] =	ssyncset.done $0x0  }
0xca: {  	s12 =	simm.s32 $0x16C20;
	[sflag:s26] =	ssyncadd.s32 $0xFFFFF060  }
0xcb: {  	v12 =	vld [tilespmem:s12+$0x20]  }
0xcc: {  	v1 =	vld [tilespmem:s12+$0xFFFFFFF0]  }
0xcd: {  	v2 =	vld [tilespmem:s12+$0x0]  }
0xce: {  	v13 =	vld [tilespmem:s12+$0xFFFFFFE0]  }
0xcf: {  	s8 =	simm.s32 $0x17C20;
	v3 =	vld [tilespmem:s12+$0x10]  }
0xd0: {  	s9 =	simm.s32 $0x18C20;
	v14 =	vld [tilespmem:s8+$0x20]  }
0xd1: {  	v15 =	vld [tilespmem:s9+$0x20]  }
0xd2: {  	v11 =	vld [tilespmem:s9+$0xFFFFFFE0]  }
0xd3: {  	v5 =	vld [tilespmem:s9+$0xFFFFFFF0]  }
0xd4: {  	v8 =	vld [tilespmem:s8+$0xFFFFFFE0]  }
0xd5: {  	v4 =	vld.idx.msk [tilespmem:v12+s3+$0x0], $0xffff  }
0xd6: {  	v6 =	vld [tilespmem:s8+$0xFFFFFFF0]  }
0xd7: {  	v10 =	vld [tilespmem:s9+$0x0]  }
0xd8: {  	v18 =	vld.idx.msk [tilespmem:v13+s3+$0x0], $0xffff  }
0xd9: {  	v16 =	vld.idx.msk [tilespmem:v1+s3+$0x0], $0xffff  }
0xda: {  	v9 =	vld [tilespmem:s9+$0x10];
	v4 =	vmul.f32 v4, v15  }
0xdb: {  	v17 =	vld.idx.msk [tilespmem:v2+s3+$0x0], $0xffff  }
0xdc: {  	[tilespmem:v14+s0+$0x0] =	vst.idx.add.f32.msk $0xffff, v4  }
0xdd: {  	v18 =	vmul.f32 v18, v11;
	v4 =	vld [tilespmem:s8+$0x0]  }
0xde: {  	v16 =	vmul.f32 v16, v5;
	v7 =	vld.idx.msk [tilespmem:v12+s21+$0x0], $0xffff  }
0xdf: {  	[tilespmem:v8+s0+$0x0] =	vst.idx.add.f32.msk $0xffff, v18  }
0xe0: {  	[tilespmem:v6+s0+$0x0] =	vst.idx.add.f32.msk $0xffff, v16  }
0xe1: {  	v52 =	vld.idx.msk [tilespmem:v13+s21+$0x0], $0xffff  }
0xe2: {  	v53 =	vld.idx.msk [tilespmem:v1+s21+$0x0], $0xffff  }
0xe3: {  	v20 =	vmul.f32 v7, v15;
	v7 =	vld [tilespmem:s8+$0x10]  }
0xe4: {  	v19 =	vld.idx.msk [tilespmem:v3+s3+$0x0], $0xffff;
	v17 =	vmul.f32 v17, v10  }
0xe5: {  	[tilespmem:v14+s2+$0x0] =	vst.idx.add.f32.msk $0xffff, v20  }
0xe6: {  	v57 =	vmul.f32 v52, v11;
	[tilespmem:v4+s0+$0x0] =	vst.idx.add.f32.msk $0xffff, v17  }
0xe7: {  	v58 =	vmul.f32 v53, v5;
	v20 =	vld.idx.msk [tilespmem:v12+s22+$0x0], $0xffff  }
0xe8: {  	[tilespmem:v8+s2+$0x0] =	vst.idx.add.f32.msk $0xffff, v57  }
0xe9: {  	v51 =	vmul.f32 v19, v9;
	[tilespmem:v6+s2+$0x0] =	vst.idx.add.f32.msk $0xffff, v58  }
0xea: {  	v55 =	vld.idx.msk [tilespmem:v2+s21+$0x0], $0xffff  }
0xeb: {  	[tilespmem:v7+s0+$0x0] =	vst.idx.add.f32.msk $0xffff, v51  }
0xec: {  	v54 =	vmul.f32 v20, v15;
	v56 =	vld.idx.msk [tilespmem:v3+s21+$0x0], $0xffff  }
0xed: {  	v60 =	vld.idx.msk [tilespmem:v13+s22+$0x0], $0xffff  }
0xee: {  	[tilespmem:v14+s24+$0x0] =	vst.idx.add.f32.msk $0xffff, v54  }
0xef: {  	v59 =	vmul.f32 v55, v10;
	v12 =	vld.idx.msk [tilespmem:v12+s23+$0x0], $0xffff  }
0xf0: {  	v62 =	vld.idx.msk [tilespmem:v1+s22+$0x0], $0xffff  }
0xf1: {  	[tilespmem:v4+s2+$0x0] =	vst.idx.add.f32.msk $0xffff, v59;
	v61 =	vmul.f32 v56, v9  }
0xf2: {  	v63 =	vld.idx.msk [tilespmem:v2+s22+$0x0], $0xffff  }
0xf3: {  	v17 =	vmul.f32 v60, v11;
	[tilespmem:v7+s2+$0x0] =	vst.idx.add.f32.msk $0xffff, v61  }
0xf4: {  	v12 =	vmul.f32 v12, v15;
	v15 =	vld.idx.msk [tilespmem:v3+s22+$0x0], $0xffff  }
0xf5: {  	[tilespmem:v8+s24+$0x0] =	vst.idx.add.f32.msk $0xffff, v17  }
0xf6: {  	[tilespmem:v14+s25+$0x0] =	vst.idx.add.f32.msk $0xffff, v12  }
0xf7: {  	v14 =	vmul.f32 v62, v5;
	v12 =	vld.idx.msk [tilespmem:v13+s23+$0x0], $0xffff;
	_ =	sdelay $0x1  }
0xf8: {  	s11 =	simm.s32 $0x16C70;
	s10 =	simm.s32 $0x0;
	v13 =	vmul.f32 v63, v10;
	[tilespmem:v6+s24+$0x0] =	vst.idx.add.f32.msk $0xffff, v14;
	v14 =	vmul.f32 v15, v9  }
.LBB2_7:
0xf9: {  	v15 =	vld [tilespmem:s11+$0x20];
	s10 =	sadd.s32 $0x5, s10  }
0xfa: {  	v16 =	vld [tilespmem:s11+$0xFFFFFFF0];
	p0 =	slt.u32 s10, $0xF5  }
0xfb: {  	v12 =	vmul.f32 v12, v11;
	v17 =	vld [tilespmem:s11+$0x0]  }
0xfc: {  	v18 =	vld [tilespmem:s11+$0x10]  }
0xfd: {  	v19 =	vld [tilespmem:s11+$0xFFFFFFE0]  }
0xfe: {  	[tilespmem:v4+s24+$0x0] =	vst.idx.add.f32.msk $0xffff, v13  }
0xff: {  	s8 =	sadd.s32 $0x50, s8;
	[tilespmem:v7+s24+$0x0] =	vst.idx.add.f32.msk $0xffff, v14  }
0x100: {  	v13 =	vld [tilespmem:s8+$0x20]  }
0x101: {  	s9 =	sadd.s32 $0x50, s9;
	v14 =	vld.idx.msk [tilespmem:v15+s3+$0x0], $0xffff  }
0x102: {  	v20 =	vld [tilespmem:s9+$0x20]  }
0x103: {  	v21 =	vld.idx.msk [tilespmem:v16+s3+$0x0], $0xffff  }
0x104: {  	v22 =	vld.idx.msk [tilespmem:v17+s3+$0x0], $0xffff  }
0x105: {  	v23 =	vld.idx.msk [tilespmem:v19+s3+$0x0], $0xffff  }
0x106: {  	v24 =	vld.idx.msk [tilespmem:v18+s3+$0x0], $0xffff  }
0x107: {  	v11 =	vld [tilespmem:s9+$0xFFFFFFE0];
	v14 =	vmul.f32 v14, v20  }
0x108: {  	v25 =	vld [tilespmem:s9+$0xFFFFFFF0]  }
0x109: {  	[tilespmem:v13+s0+$0x0] =	vst.idx.add.f32.msk $0xffff, v14  }
0x10a: {  	v14 =	vld.idx.msk [tilespmem:v15+s21+$0x0], $0xffff  }
0x10b: {  	v26 =	vld [tilespmem:s9+$0x0]  }
0x10c: {  	v23 =	vmul.f32 v23, v11;
	v27 =	vld [tilespmem:s9+$0x10]  }
0x10d: {  	v28 =	vld [tilespmem:s8+$0xFFFFFFE0];
	v21 =	vmul.f32 v21, v25  }
0x10e: {  	v29 =	vld [tilespmem:s8+$0xFFFFFFF0]  }
0x10f: {  	v30 =	vld [tilespmem:s8+$0x0]  }
0x110: {  	v14 =	vmul.f32 v14, v20;
	v22 =	vmul.f32 v22, v26;
	v31 =	vld [tilespmem:s8+$0x10]  }
0x111: {  	v24 =	vmul.f32 v24, v27;
	v32 =	vld.idx.msk [tilespmem:v1+s23+$0x0], $0xffff;
	v1 =	vmov v16  }
0x112: {  	[tilespmem:v13+s2+$0x0] =	vst.idx.add.f32.msk $0xffff, v14  }
0x113: {  	v14 =	vld.idx.msk [tilespmem:v15+s22+$0x0], $0xffff  }
0x114: {  	v16 =	vld.idx.msk [tilespmem:v2+s23+$0x0], $0xffff;
	v2 =	vmov v17  }
0x115: {  	[tilespmem:v28+s0+$0x0] =	vst.idx.add.f32.msk $0xffff, v23  }
0x116: {  	[tilespmem:v29+s0+$0x0] =	vst.idx.add.f32.msk $0xffff, v21  }
0x117: {  	v17 =	vmul.f32 v32, v5;
	v5 =	vmov v25;
	[tilespmem:v30+s0+$0x0] =	vst.idx.add.f32.msk $0xffff, v22  }
0x118: {  	[tilespmem:v31+s0+$0x0] =	vst.idx.add.f32.msk $0xffff, v24  }
0x119: {  	v14 =	vmul.f32 v14, v20;
	v21 =	vld.idx.msk [tilespmem:v19+s21+$0x0], $0xffff  }
0x11a: {  	v16 =	vmul.f32 v16, v10;
	v10 =	vmov v26;
	v22 =	vld.idx.msk [tilespmem:v1+s21+$0x0], $0xffff  }
0x11b: {  	[tilespmem:v13+s24+$0x0] =	vst.idx.add.f32.msk $0xffff, v14  }
0x11c: {  	v14 =	vld.idx.msk [tilespmem:v15+s23+$0x0], $0xffff  }
0x11d: {  	v15 =	vld.idx.msk [tilespmem:v2+s21+$0x0], $0xffff  }
0x11e: {  	v23 =	vld.idx.msk [tilespmem:v18+s21+$0x0], $0xffff  }
0x11f: {  	v21 =	vmul.f32 v21, v11;
	v24 =	vld.idx.msk [tilespmem:v3+s23+$0x0], $0xffff;
	v3 =	vmov v18  }
0x120: {  	v18 =	vmul.f32 v22, v5;
	[tilespmem:v8+s25+$0x0] =	vst.idx.add.f32.msk $0xffff, v12;
	v8 =	vmov v28  }
0x121: {  	[tilespmem:v28+s2+$0x0] =	vst.idx.add.f32.msk $0xffff, v21  }
0x122: {  	v12 =	vmul.f32 v14, v20;
	[tilespmem:v29+s2+$0x0] =	vst.idx.add.f32.msk $0xffff, v18  }
0x123: {  	v15 =	vmul.f32 v15, v10;
	v14 =	vld.idx.msk [tilespmem:v19+s22+$0x0], $0xffff  }
0x124: {  	v18 =	vmul.f32 v23, v27;
	[tilespmem:v13+s25+$0x0] =	vst.idx.add.f32.msk $0xffff, v12  }
0x125: {  	[tilespmem:v30+s2+$0x0] =	vst.idx.add.f32.msk $0xffff, v15;
	v15 =	vmul.f32 v24, v9;
	v9 =	vmov v27  }
0x126: {  	[tilespmem:v31+s2+$0x0] =	vst.idx.add.f32.msk $0xffff, v18  }
0x127: {  	v13 =	vld.idx.msk [tilespmem:v1+s22+$0x0], $0xffff  }
0x128: {  	v18 =	vld.idx.msk [tilespmem:v2+s22+$0x0], $0xffff  }
0x129: {  	v12 =	vmul.f32 v14, v11;
	v14 =	vld.idx.msk [tilespmem:v3+s22+$0x0], $0xffff  }
0x12a: {  	[tilespmem:v6+s25+$0x0] =	vst.idx.add.f32.msk $0xffff, v17;
	v6 =	vmov v29  }
.Ltmp2:
0x12b: {  	[tilespmem:v28+s24+$0x0] =	vst.idx.add.f32.msk $0xffff, v12;
	(pc) =	sbr.rel @p0 .LBB2_7-.Ltmp2, $4  }
0x12c: {  	v12 =	vld.idx.msk [tilespmem:v19+s23+$0x0], $0xffff  }
0x12d: {  	v17 =	vmul.f32 v13, v5;
	[tilespmem:v4+s25+$0x0] =	vst.idx.add.f32.msk $0xffff, v16;
	v4 =	vmov v30  }
0x12e: {  	v13 =	vmul.f32 v18, v10;
	[tilespmem:v7+s25+$0x0] =	vst.idx.add.f32.msk $0xffff, v15;
	v7 =	vmov v31  }
0x12f: {  	s11 =	sadd.s32 $0x50, s11;
	v14 =	vmul.f32 v14, v9;
	[tilespmem:v29+s24+$0x0] =	vst.idx.add.f32.msk $0xffff, v17  }
0x130: {  	_ =	sdelay $0x3  }
0x131: {  	[tilespmem:v4+s24+$0x0] =	vst.idx.add.f32.msk $0xffff, v13  }
0x132: {  	v1 =	vld.idx.msk [tilespmem:v1+s23+$0x0], $0xffff  }
0x133: {  	[tilespmem:v7+s24+$0x0] =	vst.idx.add.f32.msk $0xffff, v14  }
0x134: {  	v2 =	vld.idx.msk [tilespmem:v2+s23+$0x0], $0xffff  }
0x135: {  	v3 =	vld.idx.msk [tilespmem:v3+s23+$0x0], $0xffff  }
0x136: {  	s7 =	sadd.s32 $0x1, s7  }
0x137: {  	v11 =	vmul.f32 v12, v11;
	p0 =	sne.s32 s7, $0x28  }
.Ltmp3:
0x138: {  	v1 =	vmul.f32 v1, v5;
	(pc) =	sbr.rel @p0 .LBB2_4-.Ltmp3, $4  }
0x139: {  	[tilespmem:v8+s25+$0x0] =	vst.idx.add.f32.msk $0xffff, v11;
	v2 =	vmul.f32 v2, v10  }
0x13a: {  	v3 =	vmul.f32 v3, v9;
	[tilespmem:v6+s25+$0x0] =	vst.idx.add.f32.msk $0xffff, v1  }
0x13b: {  	[tilespmem:v4+s25+$0x0] =	vst.idx.add.f32.msk $0xffff, v2  }
0x13c: {  	[tilespmem:v7+s25+$0x0] =	vst.idx.add.f32.msk $0xffff, v3  }
0x13d: {  	[hbm4b:s15+s3] =	stream.linear.scatter [tilespmem:s0], [sflag:$0x3], $0x2710, $0x38;
	[tilespmem:$0x19C00] =	vst v63  }
0x13e: {  	_ =	swait.ge [sflag:s20], $0x2710  }
0x13f: {  	[sflag:s20] =	ssyncset.done $0x0  }
0x140: {  	[sflag:s20] =	ssyncadd.s32 $0xFFFFD8F0  }
0x141: {  	[hbm4b:s16+s3] =	stream.linear.scatter [tilespmem:s2], [sflag:$0x3], $0x2710, $0x38;
	[tilespmem:$0x19C00] =	vst v63  }
0x142: {  	_ =	swait.ge [sflag:s20], $0x2710  }
0x143: {  	[sflag:s20] =	ssyncset.done $0x0  }
0x144: {  	[sflag:s20] =	ssyncadd.s32 $0xFFFFD8F0  }
0x145: {  	[hbm4b:s17+s3] =	stream.linear.scatter [tilespmem:s24], [sflag:$0x3], $0x2710, $0x38;
	[tilespmem:$0x19C00] =	vst v63  }
0x146: {  	s6 =	sadd.s32 $0x1, s6;
	_ =	swait.ge [sflag:s20], $0x2710  }
0x147: {  	p0 =	sne.s32 s6, s19;
	[sflag:s20] =	ssyncset.done $0x0  }
.Ltmp4:
0x148: {  	[sflag:s20] =	ssyncadd.s32 $0xFFFFD8F0;
	(pc) =	sbr.rel @p0 .LBB2_1-.Ltmp4, $4  }
0x149: {  	[hbm4b:s18+s3] =	stream.linear.scatter [tilespmem:s25], [sflag:$0x3], $0x2710, $0x38;
	[tilespmem:$0x19C00] =	vst v63  }
0x14a: {  	_ =	swait.ge [sflag:s20], $0x2710  }
0x14b: {  	[sflag:s20] =	ssyncset.done $0x0  }
0x14c: {  	[sflag:s20] =	ssyncadd.s32 $0xFFFFD8F0  }
0x14d: {  	_ =	sfence.sel $0x180000  }
0x14e: {  	[bflag:$0x0] =	sbarrier.arrive $0xFFFF  }
0x14f: {  	_ =	strace $0x9000004D  }
0x150: {  	s0 =	stileid.u32;
	[bflag:$0x2] =	sbarrier.arrive $0xFFFF  }
0x151: {  	p0 =	sne.s32 s0, $0x0;
	s0 =	rddreg [dreg:$0x2]  }
0x152: {  	s0 =	sadd.s32 @!p0 $0x100000, s0  }
0x153: {  	[sflag:s0] =	ssyncadd.tile.s32 @!p0 $0x1;
	_ =	shalt  }
.Lfunc_end2:
_tile_overlayer_lowered:
.L_overlay_start_2:
0x154: {  	(tag) =	ssettag $0x2  }
0x155: {  	s0 =	rddreg [dreg:$0x0];
	s2 =	stileid.u32  }
0x156: {  	s1 =	rddreg [dreg:$0x1];
	p0 =	sne.s32 s2, $0x0  }
0x157: {  	s3 =	rddreg [dreg:$0x2];
	[bflag:$0x3] =	sbarrier.arrive $0xFFFF;
	s2 =	simm.s32 @!p0 $0x1C03  }
0x158: {  	[timem:s3], [sflag:s2] =	dma.local @!p0 [hbm:s0], s1  }
0x159: {  	s0 =	simm.s32 @!p0 $0x3  }
0x15a: {  	_ =	swait.ge @!p0 [sflag:s0], s1  }
0x15b: {  	s1 =	ssub.s32 @!p0 $0x0, s1;
	[sflag:s0] =	ssyncset.done @!p0 $0x0  }
0x15c: {  	[sflag:s0] =	ssyncadd.s32 @!p0 s1  }
0x15d: {  	[bflag:$0x3] =	sbarrier.arrive $0xFFFF  }
0x15e: {  	_ =	shalt  }

// kernel: kernel.19.cloned.1.call-start
scs
__scs_entry_jumppad:
0x0: {  	(pc) =	sbr.rel $0x88, $3  }
0x1: {  	(tag) =	ssettag $0x0;
	lr =	simm.s32 $0x1  }
0x2: {  	[smem:$0x3F94] =	sst lr;
	_ =	strace $0xD0000000  }
0x3: {  	_ = 	snop  }
0x4: {  	_ = 	snop  }
0x5: {  	_ = 	snop  }
0x6: {  	_ = 	snop  }
0x7: {  	_ = 	snop  }
__scs_overlays_trampoline_lowered:
0x8: {  	[smem:$0x3FA3] =	sst s0  }
0x9: {  	[smem:$0x3FA4] =	sst s1  }
0xa: {  	[smem:$0x3FA5] =	sst s2  }
0xb: {  	[smem:$0x3FA6] =	sst s3  }
0xc: {  	[smem:$0x3FA7] =	sst s4  }
0xd: {  	[smem:$0x3FA8] =	sst s5  }
0xe: {  	[smem:$0x3FA9] =	sst s6  }
0xf: {  	[smem:$0x3FAA] =	sst s7  }
0x10: {  	[smem:$0x3FAB] =	sst s8  }
0x11: {  	[smem:$0x3FAC] =	sst s9;
	s0 =	simm.s32 @!p0 $0x0  }
0x12: {  	s1 =	sld [smem:$0x3F92];
	s0 =	simm.s32 @p0 $0x1  }
0x13: {  	[smem:$0x3FAD] =	sst s0;
	s0 =	simm.s32 @!p1 $0x0  }
0x14: {  	s2 =	sld [smem:$0x3F91];
	s0 =	simm.s32 @p1 $0x1  }
0x15: {  	[smem:$0x3FAE] =	sst s0;
	s0 =	simm.s32 @!p2 $0x0  }
0x16: {  	s3 =	sld [smem:$0x3FDB];
	s0 =	simm.s32 @p2 $0x1  }
0x17: {  	s4 =	simm.s32 $0x1BF5;
	[smem:$0x3FB0] =	sst s0  }
0x18: {  	s0 =	sld [smem:$0x3F93];
	_ =	swait.ge [sflag:s4], $0x0  }
0x19: {  	s7 =	sld [smem:$0x3F94]  }
0x1a: {  	s8 =	sadd.s32 $0xFFFFE003, lr  }
0x1b: {  	s9 =	sadd.s32 $0xFFFFFEF7, lr;
	s5 =	simm.s32 $0xFFFFFFFF;
	p2 =	slt.u32 s8, $0xFFFFF086  }
0x1c: {  	p1 =	slt.u32 s9, $0xF7A;
	s5 =	simm.s32 @!p2 $0x0  }
0x1d: {  	s5 =	simm.s32 @p1 $0x1;
	p0 =	seq.s32 s7, s2  }
0x1e: {  	s7 =	smul.u32 @!p0 $0xF7A, s2;
	p2 =	seq.s32 @!p0 s5, $0x0  }
0x1f: {  	s9 =	smul.u32 $0xF7A, s1;
	s8 =	simm.s32 @!p0 $0x1BF5;
	p2 =	por !p2, p0  }
0x20: {  	[sflag:s8] =	ssyncset.s32 @!p0 $0xFFFFF086;
	s6 =	sadd.s32 @!p0 s3, s7;
	s7 =	simm.s32 @!p0 $0x108  }
0x21: {  	s3 =	sadd.s32 s3, s9;
	s6 =	sadd.s32 @!p0 $0x88, s6;
	s7 =	simm.s32 @p2 $0x1082  }
0x22: {  	[simem:s7], [sflag:s8] =	dma.local @!p0 [hbm:s6], $0xF7A  }
0x23: {  	s9 =	sor.u32 $0xD0000000, s2;
	s6 =	simm.s32 $0x108;
	_ =	swait.ge @!p0 [sflag:s8], $0x0  }
0x24: {  	s3 =	sadd.s32 $0x88, s3;
	s6 =	simm.s32 @!p1 $0x1082;
	[sflag:s4] =	ssyncset.s32 $0xFFFFF086  }
0x25: {  	[simem:s6], [sflag:s4] =	dma.local [hbm:s3], $0xF7A  }
0x26: {  	[smem:$0x3F94] =	sst s1;
	(tag) =	ssettag s2;
	_ =	strace s9  }
0x27: {  	s1 =	sld [smem:$0x3FA4]  }
0x28: {  	s2 =	sld [smem:$0x3FA5]  }
0x29: {  	s4 =	sld [smem:$0x3FA7]  }
0x2a: {  	p0 =	seq.s32 s5, $0x0;
	s5 =	sld [smem:$0x3FA8]  }
0x2b: {  	s6 =	sld [smem:$0x3FA9]  }
0x2c: {  	s7 =	sld [smem:$0x3FAA]  }
0x2d: {  	s3 =	simm.s32 $0x108;
	s8 =	sld [smem:$0x3FAB]  }
0x2e: {  	s3 =	simm.s32 @!p0 $0x1082;
	s9 =	sld [smem:$0x3FAC]  }
0x2f: {  	lr =	sadd.s32 s0, s3;
	s0 =	sld [smem:$0x3FA3]  }
0x30: {  	s3 =	sld [smem:$0x3FA6]  }
0x31: {  	[smem:$0x3FAF] =	sst s10  }
0x32: {  	s10 =	sld [smem:$0x3FAD];
	_ =	sdelay $0x3  }
0x33: {  	p0 =	seq.s32 s10, $0x1;
	s10 =	sld [smem:$0x3FAF];
	_ =	sdelay $0x3  }
0x34: {  	[smem:$0x3FAF] =	sst s10  }
0x35: {  	s10 =	sld [smem:$0x3FAE];
	_ =	sdelay $0x3  }
0x36: {  	p1 =	seq.s32 s10, $0x1;
	s10 =	sld [smem:$0x3FAF];
	_ =	sdelay $0x3  }
0x37: {  	[smem:$0x3FAF] =	sst s10  }
0x38: {  	s10 =	sld [smem:$0x3FB0]  }
0x39: {  	_ = 	snop;
	(pc) =	sbr.ind lr, $3  }
0x3a: {  	_ = 	snop  }
0x3b: {  	_ = 	snop  }
0x3c: {  	p2 =	seq.s32 s10, $0x1;
	s10 =	sld [smem:$0x3FAF]  }
0x3d: {  	_ =	shalt  }
0x3e: {  	_ =	shalt  }
0x3f: {  	_ =	shalt  }
0x40: {  	_ =	shalt  }
0x41: {  	_ =	shalt  }
0x42: {  	_ =	shalt  }
0x43: {  	_ =	shalt  }
0x44: {  	_ =	shalt  }
0x45: {  	_ =	shalt  }
0x46: {  	_ =	shalt  }
0x47: {  	_ =	shalt  }
0x48: {  	_ =	shalt  }
0x49: {  	_ =	shalt  }
0x4a: {  	_ =	shalt  }
0x4b: {  	_ =	shalt  }
0x4c: {  	_ =	shalt  }
0x4d: {  	_ =	shalt  }
0x4e: {  	_ =	shalt  }
0x4f: {  	_ =	shalt  }
0x50: {  	_ =	shalt  }
0x51: {  	_ =	shalt  }
0x52: {  	_ =	shalt  }
0x53: {  	_ =	shalt  }
0x54: {  	_ =	shalt  }
0x55: {  	_ =	shalt  }
0x56: {  	_ =	shalt  }
0x57: {  	_ =	shalt  }
0x58: {  	_ =	shalt  }
0x59: {  	_ =	shalt  }
0x5a: {  	_ =	shalt  }
0x5b: {  	_ =	shalt  }
0x5c: {  	_ =	shalt  }
0x5d: {  	_ =	shalt  }
0x5e: {  	_ =	shalt  }
0x5f: {  	_ =	shalt  }
0x60: {  	_ =	shalt  }
0x61: {  	_ =	shalt  }
0x62: {  	_ =	shalt  }
0x63: {  	_ =	shalt  }
0x64: {  	_ =	shalt  }
0x65: {  	_ =	shalt  }
0x66: {  	_ =	shalt  }
0x67: {  	_ =	shalt  }
0x68: {  	_ =	shalt  }
0x69: {  	_ =	shalt  }
0x6a: {  	_ =	shalt  }
0x6b: {  	_ =	shalt  }
0x6c: {  	_ =	shalt  }
0x6d: {  	_ =	shalt  }
0x6e: {  	_ =	shalt  }
0x6f: {  	_ =	shalt  }
0x70: {  	_ =	shalt  }
0x71: {  	_ =	shalt  }
0x72: {  	_ =	shalt  }
0x73: {  	_ =	shalt  }
0x74: {  	_ =	shalt  }
0x75: {  	_ =	shalt  }
0x76: {  	_ =	shalt  }
0x77: {  	_ =	shalt  }
0x78: {  	_ =	shalt  }
0x79: {  	_ =	shalt  }
0x7a: {  	_ =	shalt  }
0x7b: {  	_ =	shalt  }
0x7c: {  	_ =	shalt  }
0x7d: {  	_ =	shalt  }
0x7e: {  	_ =	shalt  }
0x7f: {  	_ =	shalt  }
0x80: {  	_ =	shalt  }
0x81: {  	_ =	shalt  }
0x82: {  	_ =	shalt  }
0x83: {  	_ =	shalt  }
0x84: {  	_ =	shalt  }
0x85: {  	_ =	shalt  }
0x86: {  	_ =	shalt  }
0x87: {  	_ =	shalt  }
.Lfunc_end0:
.L_simem_size_0:
called_computation.3_lowered:
.L_overlay_start_0:
0x88: {  	s2 =	sld [smem:$0x3FD9]  }
0x89: {  	s3 =	sld [smem:$0x3FFE];
	_ =	sdelay $0x1  }
0x8a: {  	s1 =	srdreg.scid  }
0x8b: {  	s0 =	sand.u32 $0x1, s1  }
0x8c: {  	s17 =	sshll.u32 s0, $0xA;
	s2 =	sadd.s32 s3, s2  }
0x8d: {  	s2 =	sadd.s32 s2, s17  }
0x8e: {  	[smem:$0x3FBB] =	sst s2  }
0x8f: {  	_ = 	snop  }
0x90: {  	s2 =	sld [smem:$0x3FC7];
	(tm) =	ssettm $0x1  }
0x91: {  	s18 =	sld [smem:$0x3FFB];
	_ =	sdelay $0x3  }
0x92: {  	_ =	strace s18  }
0x93: {  	s3 =	sld [smem:$0x3FFC];
	_ =	sdelay $0x3  }
0x94: {  	_ =	strace s3  }
0x95: {  	s3 =	sld [smem:$0x3FFD];
	_ =	sdelay $0x3  }
0x96: {  	_ =	strace s3  }
0x97: {  	_ =	strace $0x8FFFFFFF  }
0x98: {  	s19 =	sld [smem:$0x3FDB];
	_ =	sdelay $0x1  }
0x99: {  	s4 =	simm.s32 $_scs_section_size  }
0x9a: {  	s5 =	simm.s32 $_size__tile_overlayer_lowered;
	s6 =	simm.s32 $_tile_overlayer_lowered  }
0x9b: {  	s22 =	simm.s32 $0x1BFF;
	s21 =	sshll.u32 s6, $0x1;
	s3 =	sadd.s32 s4, s19  }
0x9c: {  	s7 =	simm.s32 $0x0;
	s20 =	sshll.u32 s5, $0x1;
	s5 =	sadd.s32 s21, s3  }
0x9d: {  	[timem:s7], [sflag:s22] =	dma.local [hbm:s5], s20  }
0x9e: {  	_ =	swait.ge [sflag:s22], s20  }
0x9f: {  	s4 =	ssub.s32 $0x0, s20;
	[sflag:s22] =	ssyncset.done $0x0  }
0xa0: {  	[sflag:s22] =	ssyncadd.s32 s4;
	_ =	sdelay $0x1  }
0xa1: {  	s23 =	simm.s32 $0x1B8B  }
0xa2: {  	_ =	swait.ge [sflag:s23], $0x1  }
0xa3: {  	[sflag:s23] =	ssyncset.done $0x0  }
0xa4: {  	s25 =	simm.s32 $0x1B8E;
	s24 =	sld [smem:$0x3FFE];
	[sflag:s23] =	ssyncadd.s32 $0xFFFFFFFF  }
0xa5: {  	s26 =	simm.s32 $execute0_lowered;
	[smem:$0x3FD2] =	sst s25  }
0xa6: {  	s5 =	sshll.u32 s26, $0x1;
	_ =	strace $0x8000004F;
	[dreg:$0x1] =	wrdreg $0xFFFFFFFF  }
0xa7: {  	s28 =	simm.s32 $_size_execute0_lowered;
	s3 =	sadd.s32 s3, s5;
	[dreg:$0x0] =	wrdreg $0x0  }
0xa8: {  	s5 =	sshll.u32 s28, $0x1;
	[dreg:$0x2] =	wrdreg s3  }
0xa9: {  	[dreg:$0x3] =	wrdreg s5  }
0xaa: {  	[dreg:$0x4] =	wrdreg $0xC0  }
0xab: {  	_ =	task [dreg:s7], $0x5FFFF  }
0xac: {  	[dreg:$0x1] =	wrdreg $0xFFFFFFFF  }
0xad: {  	[dreg:$0x0] =	wrdreg $0x60  }
0xae: {  	[dreg:$0x2] =	wrdreg s24  }
0xaf: {  	[dreg:$0x3] =	wrdreg s2  }
0xb0: {  	[dreg:$0x4] =	wrdreg $0x9  }
0xb1: {  	_ =	task.clear_ibuf [dreg:s7], $0x5FFFF;
	_ =	strace $0x9000004F  }
0xb2: {  	s29 =	simm.s32 $0x9;
	_ =	strace $0x80000051  }
0xb3: {  	_ =	swait.ge [sflag:s29], $0x1  }
0xb4: {  	[sflag:s29] =	ssyncadd.s32 $0xFFFFFFFF  }
0xb5: {  	_ =	strace $0x90000051  }
0xb6: {  	_ =	sfence  }
0xb7: {  	s30 =	sld [smem:$0x0];
	_ =	sdelay $0x2  }
0xb8: {  	s31 =	sshll.u32 s1, $0xD;
	s1 =	sshrl.u32 s1, $0x2  }
0xb9: {  	s3 =	sand.u32 $0x4000, s31;
	s1 =	sadd.s32 s1, s30  }
0xba: {  	s0 =	sor.u32 s3, s0;
	s1 =	sshll.u32 s1, $0x11  }
0xbb: {  	s0 =	sor.u32 s1, s0  }
0xbc: {  	s0 =	sadd.s32 $0x8F2B, s0  }
0xbd: {  	[sflag:s0] =	ssyncadd.remote.s32 $0x1  }
0xbe: {  	_ =	sfence.sel $0xFFFF  }
0xbf: {  	[dreg:$0x0] =	wrdreg $0xFFFFFFFF;
	(pc) =	sbr.abs _section_cstart, $3  }
0xc0: {  	[dreg:$0x1] =	wrdreg $0xFFFFFFFF  }
0xc1: {  	_ =	task.clear_ibuf [dreg:s7], $0x2FFFF;
	_ =	strace $0x9FFFFFFF  }
0xc2: {  	(tm) =	ssettm $0x7FFFFFFF  }
0xc3: {  	_ =	shalt  }
tec
execute0_lowered:
.L_overlay_start_1:
0x0: {  	(tag) =	ssettag $0x1  }
0x1: {  	s5 =	rddreg [dreg:$0x0]  }
0x2: {  	s0 =	srdreg.scid;
	s6 =	rddreg [dreg:$0x1];
	s2 =	simm.s32 $0x0  }
0x3: {  	s11 =	simm.s32 $0x7680;
	s12 =	simm.s32 $0x9E00;
	s13 =	simm.s32 $0x2780  }
0x4: {  	s14 =	simm.s32 $0x80;
	s15 =	simm.s32 $0x400;
	s4 =	sand.u32 $0x1, s0  }
0x5: {  	s16 =	simm.s32 $0x0;
	s0 =	stileid.u32;
	s1 =	sshll.u32 s4, $0x4  }
0x6: {  	[smem:$0x7FF] =	sst s2;
	s8 =	sshll.u32 s0, $0x7;
	s3 =	sor.u32 s0, s1  }
0x7: {  	s4 =	ssub.s32 $0x2, s4;
	s7 =	sshrl.u32 s3, $0x3;
	s9 =	smul.u32 $0x4E2, s3  }
0x8: {  	s1 =	rddreg [dreg:$0x2];
	_ =	strace $0x80000050;
	s7 =	smul.u32 $0x13C00, s7  }
0x9: {  	s8 =	sand.u32 $0x380, s8;
	s10 =	sshrl.u32 s4, $0x1;
	s3 =	sadd.s32 $0x15E00, s5  }
0xa: {  	s10 =	ssub.s32 s4, s10;
	s31 =	sadd.s32 s9, s5;
	s7 =	sor.u32 s8, s7  }
0xb: {  	s6 =	sadd.s32 s6, s9;
	s9 =	simm.s32 $0x1;
	s7 =	sshrl.u32 s7, $0x3  }
0xc: {  	s4 =	sadd.s32 $0x2200, s31;
	s8 =	smax.u32 s10, $0x1;
	s7 =	sadd.s32 s7, s5  }
0xd: {  	v0 =	vimm.f32 $0.0e+00;
	s10 =	simm.s32 $0x4F00;
	s5 =	sadd.s32 $0xC000, s31;
	s7 =	sadd.s32 $0x16400, s7  }
.LBB2_1:
0xe: {  	[tilespmem:s2], [sflag:$0x1] =	stream.linear.gather [hbm4b:s3+s2], $0x2780, $0x38;
	[tilespmem:$0xC580] =	vst v63  }
0xf: {  	_ =	swait.ge [sflag:s9], $0x2780  }
0x10: {  	[sflag:s9] =	ssyncset.done $0x0  }
0x11: {  	s17 =	simm.s32 $0x40;
	s18 =	simm.s32 $0x0;
	[sflag:s9] =	ssyncadd.s32 $0xFFFFD880  }
.LBB2_2:
0x12: {  	p0 =	sne.s32 s17, $0x9C00;
	[tilespmem:s18+$0x2780] =	vst v0;
	s18 =	smov.u32 s17;
	s17 =	sadd.s32 $0x40, s17  }
.Ltmp0:
0x13: {  	(pc) =	sbr.rel @p0 .LBB2_2-.Ltmp0, $2  }
0x14: {  	_ =	sdelay $0x2  }
0x15: {  	s18 =	sshra.s32 s18, $0x2  }
0x16: {  	[tilespmem:s18+$0x2780] =	vst v0  }
0x17: {  	[tilespmem:s10], [sflag:$0x1] =	stream.linear.gather [hbm4b:s4+s2], $0x2710, $0x38;
	[tilespmem:$0xC580] =	vst v63  }
0x18: {  	_ =	swait.ge [sflag:s9], $0x2710  }
0x19: {  	[sflag:s9] =	ssyncset.done $0x0  }
0x1a: {  	[sflag:s9] =	ssyncadd.s32 $0xFFFFD8F0  }
0x1b: {  	[tilespmem:s11], [sflag:$0x1] =	stream.linear.gather [hbm4b:s5+s2], $0x2710, $0x38;
	[tilespmem:$0xC580] =	vst v63  }
0x1c: {  	_ =	swait.ge [sflag:s9], $0x2710  }
0x1d: {  	[sflag:s9] =	ssyncset.done $0x0  }
0x1e: {  	[sflag:s9] =	ssyncadd.s32 $0xFFFFD8F0  }
0x1f: {  	[tilespmem:s12], [sflag:$0x1] =	stream.linear.gather [hbm4b:s6+s2], $0x2710, $0x38;
	[tilespmem:$0xC580] =	vst v63  }
0x20: {  	_ =	swait.ge [sflag:s9], $0x2710  }
0x21: {  	[sflag:s9] =	ssyncset.done $0x0  }
0x22: {  	s17 =	simm.s32 $0x4F20;
	[sflag:s9] =	ssyncadd.s32 $0xFFFFD8F0  }
0x23: {  	v1 =	vld [tilespmem:s17+$0x20]  }
0x24: {  	v2 =	vld [tilespmem:s17+$0xFFFFFFF0]  }
0x25: {  	v3 =	vld [tilespmem:s17+$0x0]  }
0x26: {  	v4 =	vld [tilespmem:s17+$0xFFFFFFE0]  }
0x27: {  	s18 =	simm.s32 $0x9E20;
	v5 =	vld [tilespmem:s17+$0x10]  }
0x28: {  	v7 =	vld [tilespmem:s18+$0x20]  }
0x29: {  	v11 =	vld [tilespmem:s18+$0xFFFFFFF0]  }
0x2a: {  	s17 =	simm.s32 $0x76A0;
	v12 =	vld [tilespmem:s18+$0x10]  }
0x2b: {  	v6 =	vld [tilespmem:s17+$0x20]  }
0x2c: {  	v1 =	vld.idx.msk [tilespmem:v1+s2+$0x0], $0xffff  }
0x2d: {  	v9 =	vld.idx.msk [tilespmem:v3+s2+$0x0], $0xffff  }
0x2e: {  	v4 =	vld.idx.msk [tilespmem:v4+s2+$0x0], $0xffff  }
0x2f: {  	v10 =	vld.idx.msk [tilespmem:v5+s2+$0x0], $0xffff  }
0x30: {  	v5 =	vld [tilespmem:s18+$0xFFFFFFE0]  }
0x31: {  	v1 =	vmul.f32 v1, v7;
	v7 =	vld [tilespmem:s18+$0x0]  }
0x32: {  	v8 =	vld.idx.msk [tilespmem:v2+s2+$0x0], $0xffff  }
0x33: {  	v2 =	vld [tilespmem:s17+$0xFFFFFFE0]  }
0x34: {  	[tilespmem:v6+s13+$0x0] =	vst.idx.add.f32.msk $0xffff, v1  }
0x35: {  	v6 =	vld [tilespmem:s17+$0x0]  }
0x36: {  	v4 =	vmul.f32 v4, v5;
	v1 =	vmul.f32 v9, v7;
	v7 =	vld [tilespmem:s17+$0x10]  }
0x37: {  	v3 =	vld [tilespmem:s17+$0xFFFFFFF0];
	v5 =	vmul.f32 v8, v11;
	v8 =	vmul.f32 v10, v12  }
0x38: {  	s19 =	simm.s32 $0x0;
	s20 =	simm.s32 $0x4F70  }
.LBB2_4:
0x39: {  	v9 =	vld [tilespmem:s20+$0x20];
	s19 =	sadd.s32 $0x5, s19;
	v10 =	vmov v8  }
0x3a: {  	v8 =	vld [tilespmem:s20+$0xFFFFFFF0];
	p0 =	slt.u32 s19, $0x26C;
	v11 =	vmov v6  }
0x3b: {  	v6 =	vld [tilespmem:s20+$0x0];
	v12 =	vmov v7  }
0x3c: {  	v7 =	vld [tilespmem:s20+$0x10]  }
0x3d: {  	v13 =	vld [tilespmem:s20+$0xFFFFFFE0]  }
0x3e: {  	[tilespmem:v2+s13+$0x0] =	vst.idx.add.f32.msk $0xffff, v4  }
0x3f: {  	s17 =	sadd.s32 $0x50, s17;
	[tilespmem:v3+s13+$0x0] =	vst.idx.add.f32.msk $0xffff, v5  }
0x40: {  	v2 =	vld [tilespmem:s17+$0x20]  }
0x41: {  	s18 =	sadd.s32 $0x50, s18;
	v3 =	vld.idx.msk [tilespmem:v9+s2+$0x0], $0xffff  }
0x42: {  	v4 =	vld [tilespmem:s18+$0x20]  }
0x43: {  	v5 =	vld.idx.msk [tilespmem:v8+s2+$0x0], $0xffff  }
0x44: {  	v8 =	vld.idx.msk [tilespmem:v6+s2+$0x0], $0xffff  }
0x45: {  	v6 =	vld.idx.msk [tilespmem:v13+s2+$0x0], $0xffff  }
0x46: {  	v9 =	vld.idx.msk [tilespmem:v7+s2+$0x0], $0xffff  }
0x47: {  	v7 =	vld [tilespmem:s18+$0xFFFFFFE0];
	v3 =	vmul.f32 v3, v4  }
0x48: {  	v13 =	vld [tilespmem:s18+$0xFFFFFFF0]  }
0x49: {  	[tilespmem:v2+s13+$0x0] =	vst.idx.add.f32.msk $0xffff, v3  }
0x4a: {  	v14 =	vld [tilespmem:s18+$0x0]  }
0x4b: {  	v15 =	vld [tilespmem:s18+$0x10]  }
0x4c: {  	v2 =	vld [tilespmem:s17+$0xFFFFFFE0];
	v4 =	vmul.f32 v6, v7  }
.Ltmp1:
0x4d: {  	v3 =	vld [tilespmem:s17+$0xFFFFFFF0];
	v5 =	vmul.f32 v5, v13;
	(pc) =	sbr.rel @p0 .LBB2_4-.Ltmp1, $4  }
0x4e: {  	v6 =	vld [tilespmem:s17+$0x0]  }
0x4f: {  	v13 =	vmul.f32 v8, v14;
	v7 =	vld [tilespmem:s17+$0x10]  }
0x50: {  	v8 =	vmul.f32 v9, v15;
	[tilespmem:v11+s13+$0x0] =	vst.idx.add.f32.msk $0xffff, v1  }
0x51: {  	s20 =	sadd.s32 $0x50, s20;
	[tilespmem:v12+s13+$0x0] =	vst.idx.add.f32.msk $0xffff, v10;
	v1 =	vmov v13  }
0x52: {  	_ =	sdelay $0x3  }
0x53: {  	[tilespmem:v2+s13+$0x0] =	vst.idx.add.f32.msk $0xffff, v4  }
0x54: {  	[tilespmem:v3+s13+$0x0] =	vst.idx.add.f32.msk $0xffff, v5;
	s16 =	sadd.s32 $0x1, s16  }
0x55: {  	[tilespmem:v6+s13+$0x0] =	vst.idx.add.f32.msk $0xffff, v1;
	p0 =	sne.s32 s16, s8  }
.Ltmp2:
0x56: {  	[tilespmem:v7+s13+$0x0] =	vst.idx.add.f32.msk $0xffff, v8;
	(pc) =	sbr.rel @p0 .LBB2_1-.Ltmp2, $4  }
0x57: {  	[hbm4b:s7+s14] =	stream.strided.scatter [tilespmem:s13], [sflag:$0x1], $0x2780, s15, s14, $0x38;
	[tilespmem:$0xC580] =	vst v63  }
0x58: {  	_ =	swait.ge [sflag:s9], $0x2780  }
0x59: {  	[sflag:s9] =	ssyncset.done $0x0  }
0x5a: {  	[sflag:s9] =	ssyncadd.s32 $0xFFFFD880  }
0x5b: {  	_ =	sfence.sel $0x180000  }
0x5c: {  	[bflag:$0x0] =	sbarrier.arrive $0xFFFF  }
0x5d: {  	p0 =	sne.s32 s0, $0x0;
	_ =	strace $0x90000050  }
0x5e: {  	s0 =	sadd.s32 @!p0 $0x100000, s1;
	[bflag:$0x2] =	sbarrier.arrive $0xFFFF  }
0x5f: {  	[sflag:s0] =	ssyncadd.tile.s32 @!p0 $0x1;
	_ =	shalt  }
.Lfunc_end2:
_tile_overlayer_lowered:
.L_overlay_start_2:
0x60: {  	(tag) =	ssettag $0x2  }
0x61: {  	s0 =	rddreg [dreg:$0x0];
	s2 =	stileid.u32  }
0x62: {  	s1 =	rddreg [dreg:$0x1];
	p0 =	sne.s32 s2, $0x0  }
0x63: {  	s3 =	rddreg [dreg:$0x2];
	[bflag:$0x3] =	sbarrier.arrive $0xFFFF;
	s2 =	simm.s32 @!p0 $0x1C01  }
0x64: {  	[timem:s3], [sflag:s2] =	dma.local @!p0 [hbm:s0], s1  }
0x65: {  	s0 =	simm.s32 @!p0 $0x1  }
0x66: {  	_ =	swait.ge @!p0 [sflag:s0], s1  }
0x67: {  	s1 =	ssub.s32 @!p0 $0x0, s1;
	[sflag:s0] =	ssyncset.done @!p0 $0x0  }
0x68: {  	[sflag:s0] =	ssyncadd.s32 @!p0 s1  }
0x69: {  	[bflag:$0x3] =	sbarrier.arrive $0xFFFF  }
0x6a: {  	_ =	shalt  }

</sc_bundles>
